<compile_context>
chip_gen: v7x
topology: tpu7x:2x2x1
jax: 0.10.2.dev20260603
libtpu: 0.0.44.dev20260713+nightly
codegen_flags: <defaults>
</compile_context>

<pallas_src>
import functools

import jax
import jax.numpy as jnp
from jax import lax
from jax.experimental import pallas as pl
from jax.experimental.pallas import tpu as pltpu
from jax.experimental.pallas import tpu_sc as plsc

RHO_W = 1000.0
RHO_I = 917.0
G = 9.81
SEC_PER_A = 31556926.0
DX = 100.0
CELL_AREA = DX * DX
SHEET_K = 0.01
STEP_H = 0.1
SPACING = 2.0
CLOSURE = 5e-25
NEXP = 3

N = 100000
E = 1600000
K_ADJ = 8

NC = 2
NS = 16
NW = NC * NS
NPAD = 100352
NSL = NPAD // NW
EW = E // NW
NSL2 = NPAD // NS
C = 2000
NCH = EW // C
L = 16


def _mesh():
    return plsc.VectorSubcoreMesh(core_axis_name="c", subcore_axis_name="s",
                                  num_cores=NC, num_subcores=NS)


def _wid():
    return lax.axis_index("s") * NC + lax.axis_index("c")


def _rsqrt(x):
    i = plsc.bitcast(x, jnp.int32)
    i = 0x5F3759DF - lax.shift_right_logical(i, 1)
    y = plsc.bitcast(i, jnp.float32)
    for _ in range(3):
        y = y * (1.5 - 0.5 * x * y * y)
    return y


def _k1_body(bed, ob, melt, smelt, bp_out, loc_out, pot_out,
             bedv, obv, meltv, smeltv, bpv, locv, potv):
    w = _wid()
    off = w * NSL
    pltpu.sync_copy(bed.at[pl.ds(off, NSL)], bedv)
    pltpu.sync_copy(ob.at[pl.ds(off, NSL)], obv)
    pltpu.sync_copy(melt.at[pl.ds(off, NSL)], meltv)
    pltpu.sync_copy(smelt.at[pl.ds(off, NSL)], smeltv)

    def body(i, _):
        s = pl.ds(i * L, L)
        b = bedv[s]
        o = obv[s]
        bp = RHO_W * G * b + o
        bpv[s] = bp
        potv[s] = bp - o
        locv[s] = (meltv[s] * (RHO_W / RHO_I / SEC_PER_A) + smeltv[s]) * CELL_AREA
        return 0

    lax.fori_loop(0, NSL // L, body, 0)
    pltpu.sync_copy(bpv, bp_out.at[pl.ds(off, NSL)])
    pltpu.sync_copy(locv, loc_out.at[pl.ds(off, NSL)])
    pltpu.sync_copy(potv, pot_out.at[pl.ds(off, NSL)])


def _k2_body(bp, adjt, status, if_out, bptab, adjv, statv, accv, outv):
    w = _wid()
    off = w * NSL
    pltpu.sync_copy(bp, bptab)
    pltpu.sync_copy(status.at[pl.ds(off, NSL)], statv)

    def zero(i, _):
        accv[pl.ds(i * L, L)] = jnp.zeros((L,), jnp.float32)
        return 0

    lax.fori_loop(0, NSL // L, zero, 0)

    def per_j(j, _):
        joff = pl.multiple_of(j * NPAD + off, 8)
        pltpu.sync_copy(adjt.at[pl.ds(joff, NSL)], adjv)

        def per_i(i, _):
            s = pl.ds(i * L, L)
            idx = adjv[s]
            accv[s] = accv[s] + plsc.load_gather(bptab, [idx])
            return 0

        lax.fori_loop(0, NSL // L, per_i, 0)
        return 0

    lax.fori_loop(0, K_ADJ, per_j, 0)

    def fin(i, _):
        s = pl.ds(i * L, L)
        adj_pot = accv[s] * (1.0 / K_ADJ)
        mybp = bptab[pl.ds(off + i * L, L)]
        sign = jnp.where(mybp > adj_pot, 1.0, -1.0)
        outv[s] = jnp.where(statv[s] > 0, sign, 0.0)
        return 0

    lax.fori_loop(0, NSL // L, fin, 0)
    pltpu.sync_copy(outv, if_out.at[pl.ds(off, NSL)])


def _k3_body(head, tail, slide, bp, loc,
             dis_out, vs_out, vc_out,
             headv, tailv, slidev, recvv, sendv, lsendv, onesv, zv,
             bphv, bptv, bouncev, sem, ssem, bp_sh, loc_sh, dis_sh, vs_sh, vc_sh):
    c = lax.axis_index("c")
    s = lax.axis_index("s")
    w = s * NC + c
    noff = s * NSL

    def zfill(i, _):
        zv[pl.ds(i * L, L)] = jnp.zeros((L,), jnp.float32)
        onesv[pl.ds(i * L, L)] = jnp.full((L,), 1.0, jnp.float32)
        return 0

    lax.fori_loop(0, C // L, zfill, 0)

    def stripe2(k, _):
        soff = noff + k * 1568
        pltpu.sync_copy(zv.at[pl.ds(0, 1568)], dis_sh.at[pl.ds(soff, 1568)])
        pltpu.sync_copy(zv.at[pl.ds(0, 1568)], vs_sh.at[pl.ds(soff, 1568)])
        pltpu.sync_copy(zv.at[pl.ds(0, 1568)], vc_sh.at[pl.ds(soff, 1568)])
        pltpu.sync_copy(loc.at[pl.ds(soff, 1568)], bouncev)
        pltpu.sync_copy(bouncev, loc_sh.at[pl.ds(soff, 1568)])
        pltpu.sync_copy(bp.at[pl.ds(soff, 1568)], bouncev)
        pltpu.sync_copy(bouncev, bp_sh.at[pl.ds(soff, 1568)])
        return 0

    lax.fori_loop(0, 2, stripe2, 0)
    plsc.subcore_barrier()

    def chunk(ci, _):
        off = w * EW + ci * C
        lds = [
            pltpu.async_copy(head.at[pl.ds(off, C)], headv, sem),
            pltpu.async_copy(tail.at[pl.ds(off, C)], tailv, sem),
            pltpu.async_copy(slide.at[pl.ds(off, C)], slidev, sem),
        ]
        for ld_ in lds:
            ld_.wait()
        gs = [
            pltpu.async_copy(bp_sh.at[headv], bphv, sem),
            pltpu.async_copy(bp_sh.at[tailv], bptv, sem),
        ]
        for g_ in gs:
            g_.wait()

        def vb(i, _):
            sl = pl.ds(i * L, L)
            h = headv[sl]
            t = tailv[sl]
            down = bptv[sl] > bphv[sl]
            recvv[sl] = jnp.where(down, h, t)
            sendv[sl] = jnp.where(down, t, h)
            return 0

        lax.fori_loop(0, C // L, vb, 0)

        pltpu.sync_copy(loc_sh.at[sendv], lsendv)
        scs = [
            pltpu.async_copy(lsendv, dis_sh.at[recvv], ssem, add=True),
            pltpu.async_copy(slidev, vs_sh.at[headv], ssem, add=True),
            pltpu.async_copy(slidev, vs_sh.at[tailv], ssem, add=True),
            pltpu.async_copy(onesv, vc_sh.at[headv], ssem, add=True),
            pltpu.async_copy(onesv, vc_sh.at[tailv], ssem, add=True),
        ]
        for sc_ in scs:
            sc_.wait()
        return 0

    lax.fori_loop(0, NCH, chunk, 0)
    plsc.subcore_barrier()

    def out2(k, _):
        soff = noff + k * 1568
        hoff = c * NPAD + soff
        pltpu.sync_copy(dis_sh.at[pl.ds(soff, 1568)], bouncev)
        pltpu.sync_copy(bouncev, dis_out.at[pl.ds(hoff, 1568)])
        pltpu.sync_copy(vs_sh.at[pl.ds(soff, 1568)], bouncev)
        pltpu.sync_copy(bouncev, vs_out.at[pl.ds(hoff, 1568)])
        pltpu.sync_copy(vc_sh.at[pl.ds(soff, 1568)], bouncev)
        pltpu.sync_copy(bouncev, vc_out.at[pl.ds(hoff, 1568)])
        return 0

    lax.fori_loop(0, 2, out2, 0)


def _k5_body(head, tail, pot, dis_p, vs_p, vc_p, loc, status, ob, inf, res_out,
             headv, tailv, phv, ptv, thv, ttv, dhv, dtv, outv,
             bouncev, d0v, d1v, v0v, v1v, c0v, c1v, locv, statv, obv, infv,
             dnv, thnv, sem, pot_sh, th_sh, dn_sh):
    c = lax.axis_index("c")
    s = lax.axis_index("s")
    w = s * NC + c
    noff = s * NSL2

    pltpu.sync_copy(dis_p.at[pl.ds(noff, NSL2)], d0v)
    pltpu.sync_copy(dis_p.at[pl.ds(NPAD + noff, NSL2)], d1v)
    pltpu.sync_copy(vs_p.at[pl.ds(noff, NSL2)], v0v)
    pltpu.sync_copy(vs_p.at[pl.ds(NPAD + noff, NSL2)], v1v)
    pltpu.sync_copy(vc_p.at[pl.ds(noff, NSL2)], c0v)
    pltpu.sync_copy(vc_p.at[pl.ds(NPAD + noff, NSL2)], c1v)
    pltpu.sync_copy(loc.at[pl.ds(noff, NSL2)], locv)
    pltpu.sync_copy(status.at[pl.ds(noff, NSL2)], statv)
    pltpu.sync_copy(ob.at[pl.ds(noff, NSL2)], obv)
    pltpu.sync_copy(inf.at[pl.ds(noff, NSL2)], infv)

    def nbody(i, _):
        sl = pl.ds(i * L, L)
        dn = locv[sl] + d0v[sl] + d1v[sl]
        dn = jnp.where(statv[sl] != 0, 0.0, dn)
        dbits = plsc.bitcast(dn, jnp.int32)
        dbits = jnp.where(infv[sl] > 0.5, dbits | jnp.int32(-2147483648), dbits)
        dnv[sl] = plsc.bitcast(dbits, jnp.float32)
        vsum = v0v[sl] + v1v[sl]
        vcnt = c0v[sl] + c1v[sl]
        sn = jnp.abs(vsum / jnp.maximum(vcnt, 1.0)) * (1.0 / SEC_PER_A)
        p = obv[sl]
        thnv[sl] = sn * sn * STEP_H / (CLOSURE * p * p * p * (SPACING * SPACING) + 1e-30)
        return 0

    lax.fori_loop(0, NSL2 // L, nbody, 0)
    pltpu.sync_copy(dnv, dn_sh.at[pl.ds(noff, NSL2)])
    pltpu.sync_copy(thnv, th_sh.at[pl.ds(noff, NSL2)])
    pltpu.sync_copy(pot.at[pl.ds(noff, NSL2)], bouncev)
    pltpu.sync_copy(bouncev, pot_sh.at[pl.ds(noff, NSL2)])
    plsc.subcore_barrier()

    def chunk(ci, _):
        off = w * EW + ci * C
        lds = [
            pltpu.async_copy(head.at[pl.ds(off, C)], headv, sem),
            pltpu.async_copy(tail.at[pl.ds(off, C)], tailv, sem),
        ]
        for ld_ in lds:
            ld_.wait()
        cps = [
            pltpu.async_copy(pot_sh.at[headv], phv, sem),
            pltpu.async_copy(pot_sh.at[tailv], ptv, sem),
            pltpu.async_copy(th_sh.at[headv], thv, sem),
            pltpu.async_copy(th_sh.at[tailv], ttv, sem),
            pltpu.async_copy(dn_sh.at[headv], dhv, sem),
            pltpu.async_copy(dn_sh.at[tailv], dtv, sem),
        ]
        for cp_ in cps:
            cp_.wait()

        def vb(i, _):
            sl = pl.ds(i * L, L)
            hl = 0.5 * (thv[sl] + ttv[sl])
            g = (phv[sl] - ptv[sl]) * (1.0 / DX)
            a = jnp.abs(g) + 1e-12
            r = _rsqrt(a)
            q = _rsqrt(_rsqrt(hl))
            flux = (-SHEET_K) * hl * q * r * g
            dhb = plsc.bitcast(dhv[sl], jnp.int32)
            dtb = plsc.bitcast(dtv[sl], jnp.int32)
            gate = (dhb < 0) | (dtb < 0)
            flux = jnp.where(gate, 0.0, flux)
            d = 0.5 * (jnp.abs(dhv[sl]) + jnp.abs(dtv[sl]))
            outv[sl] = jnp.abs(flux - d)
            return 0

        lax.fori_loop(0, C // L, vb, 0)
        pltpu.sync_copy(outv, res_out.at[pl.ds(off, C)])
        return 0

    lax.fori_loop(0, NCH, chunk, 0)


def _f32(shape):
    return jax.ShapeDtypeStruct(shape, jnp.float32)


def kernel(edge_index, adjacent_nodes, status_at_node, bedrock_elevation,
           overburden_pressure, melt_rate, surface_melt_rate, sliding_velocity):
    head = edge_index[0]
    tail = edge_index[1]
    pad = NPAD - N
    bed_p = jnp.pad(bedrock_elevation, (0, pad))
    ob_p = jnp.pad(overburden_pressure, (0, pad))
    melt_p = jnp.pad(melt_rate, (0, pad))
    smelt_p = jnp.pad(surface_melt_rate, (0, pad))
    stat_p = jnp.pad(status_at_node, (0, pad))
    adjt_p = jnp.pad(adjacent_nodes.T, ((0, 0), (0, pad))).reshape(-1)

    mesh = _mesh()
    cp = pltpu.CompilerParams(needs_layout_passes=False)

    k1 = pl.kernel(
        _k1_body, out_type=(_f32((NPAD,)),) * 3, mesh=mesh, compiler_params=cp,
        scratch_types=[pltpu.VMEM((NSL,), jnp.float32)] * 7,
    )
    base_pot, local, potential = k1(bed_p, ob_p, melt_p, smelt_p)

    k2 = pl.kernel(
        _k2_body, out_type=_f32((NPAD,)), mesh=mesh, compiler_params=cp,
        scratch_types=[
            pltpu.VMEM((NPAD,), jnp.float32),
            pltpu.VMEM((NSL,), jnp.int32),
            pltpu.VMEM((NSL,), jnp.int32),
            pltpu.VMEM((NSL,), jnp.float32),
            pltpu.VMEM((NSL,), jnp.float32),
        ],
    )
    inflow = k2(base_pot, adjt_p, stat_p)

    k3 = pl.kernel(
        _k3_body, out_type=(_f32((NC * NPAD,)),) * 3, mesh=mesh, compiler_params=cp,
        scratch_types=[
            pltpu.VMEM((C,), jnp.int32),
            pltpu.VMEM((C,), jnp.int32),
            pltpu.VMEM((C,), jnp.float32),
            pltpu.VMEM((C,), jnp.int32),
            pltpu.VMEM((C,), jnp.int32),
            pltpu.VMEM((C,), jnp.float32),
            pltpu.VMEM((C,), jnp.float32),
            pltpu.VMEM((C,), jnp.float32),
            pltpu.VMEM((C,), jnp.float32),
            pltpu.VMEM((C,), jnp.float32),
            pltpu.VMEM((1568,), jnp.float32),
            pltpu.SemaphoreType.DMA,
            pltpu.SemaphoreType.DMA,
            pltpu.VMEM_SHARED((NPAD,), jnp.float32),
            pltpu.VMEM_SHARED((NPAD,), jnp.float32),
            pltpu.VMEM_SHARED((NPAD,), jnp.float32),
            pltpu.VMEM_SHARED((NPAD,), jnp.float32),
            pltpu.VMEM_SHARED((NPAD,), jnp.float32),
        ],
    )
    dis_p, vs_p, vc_p = k3(head, tail, sliding_velocity, base_pot, local)

    k5 = pl.kernel(
        _k5_body, out_type=_f32((E,)), mesh=mesh, compiler_params=cp,
        scratch_types=(
            [pltpu.VMEM((C,), jnp.int32)] * 2
            + [pltpu.VMEM((C,), jnp.float32)] * 7
            + [pltpu.VMEM((NSL2,), jnp.float32)] * 8
            + [pltpu.VMEM((NSL2,), jnp.int32)]
            + [pltpu.VMEM((NSL2,), jnp.float32)] * 4
            + [pltpu.SemaphoreType.DMA]
            + [pltpu.VMEM_SHARED((NPAD,), jnp.float32)] * 3
        ),
    )
    residual = k5(head, tail, potential, dis_p, vs_p, vc_p, local,
                  stat_p, ob_p, inflow)
    return residual

# --- scband reference (transcript-rebuilt; emitter-appended) ---
"""Pipeline reference for scband-subglacial-drainage-system-71528385348052 (READ-ONLY COPY).

The authoritative reference and input builder live on the scoring server;
editing this copy changes nothing except your own understanding.
"""

import jax, jax.numpy as jnp
import numpy as np

RHO_W = 1000.0
RHO_I = 917.0
G = 9.81
SEC_PER_A = 31556926.0
DX = 100.0
CELL_AREA = DX * DX
SHEET_K = 0.01
SHEET_EXP = 1.25
STEP_H = 0.1
SPACING = 2.0
CLOSURE = 5e-25
NEXP = 3

N_NODES = 100000
N_LINKS = 1600000
K_ADJ = 8


def setup_inputs(seed: int = 0) -> dict:
    key = jax.random.key(seed)
    ks = jax.random.split(key, 8)
    edge_index = jax.random.randint(ks[0], (2, N_LINKS), 0, N_NODES)
    adjacent_nodes = jax.random.randint(ks[1], (N_NODES, K_ADJ), 0, N_NODES)
    status_at_node = jax.random.randint(ks[2], (N_NODES,), 0, 2)
    bedrock_elevation = jax.random.normal(ks[3], (N_NODES,), dtype=jnp.float32) * 100.0
    overburden_pressure = jax.random.uniform(ks[4], (N_NODES,), dtype=jnp.float32) * 1e6 + 1e5
    melt_rate = jax.random.uniform(ks[5], (N_NODES,), dtype=jnp.float32)
    surface_melt_rate = jax.random.uniform(ks[6], (N_NODES,), dtype=jnp.float32) * 1e-7
    sliding_velocity = jax.random.uniform(ks[7], (N_LINKS,), dtype=jnp.float32) * 50.0
    return {
        'edge_index': edge_index,
        'adjacent_nodes': adjacent_nodes,
        'status_at_node': status_at_node,
        'bedrock_elevation': bedrock_elevation,
        'overburden_pressure': overburden_pressure,
        'melt_rate': melt_rate,
        'surface_melt_rate': surface_melt_rate,
        'sliding_velocity': sliding_velocity,
    }


def reference(edge_index, adjacent_nodes, status_at_node, bedrock_elevation,
              overburden_pressure, melt_rate, surface_melt_rate, sliding_velocity):
    head = edge_index[0]
    tail = edge_index[1]
    N = bedrock_elevation.shape[0]

    # __post_init__: specific melt rate and base hydraulic potential
    specific_melt = melt_rate * (RHO_W / RHO_I) / SEC_PER_A + surface_melt_rate
    base_pot = RHO_W * G * bedrock_elevation + overburden_pressure

    # _set_flow_direction: gather base_potential at link endpoints
    flow_direction = jnp.where(base_pot[head] > base_pot[tail], -1, 1)
    valid = adjacent_nodes != -1
    adj_pot = jnp.mean(jnp.where(valid, base_pot[adjacent_nodes], 0.0), axis=1)
    inflow_outflow = jnp.where(base_pot > adj_pot,
                               1 * (status_at_node > 0),
                               -1 * (status_at_node > 0))

    # _route_flow: one-hop MFD flow accumulation (scatter-add of upstream runoff)
    local = specific_melt * CELL_AREA
    downhill_to_head = base_pot[tail] > base_pot[head]
    recv = jnp.where(downhill_to_head, head, tail)
    send = jnp.where(downhill_to_head, tail, head)
    discharge_node = local + jnp.zeros(N, dtype=local.dtype).at[recv].add(local[send])
    discharge_node = jnp.where(status_at_node != 0, 0.0, discharge_node)
    discharge = 0.5 * (discharge_node[head] + discharge_node[tail])  # map_mean_of_link_nodes_to_link

    # _potential_residual evaluated at y0 = base_potential - overburden_pressure
    potential0 = base_pot - overburden_pressure
    potential = jnp.where(inflow_outflow == -1, base_pot - overburden_pressure, potential0)

    # map_mean_of_links_to_node(sliding_velocity) via scatter-add
    vsum = jnp.zeros(N, dtype=sliding_velocity.dtype).at[head].add(sliding_velocity).at[tail].add(sliding_velocity)
    vcnt = jnp.zeros(N, dtype=sliding_velocity.dtype).at[head].add(1.0).at[tail].add(1.0)
    sliding_node = jnp.abs(vsum / jnp.maximum(vcnt, 1.0)) / SEC_PER_A

    pressure = base_pot - potential
    thickness = sliding_node ** 2 * STEP_H / (CLOSURE * pressure ** NEXP * SPACING ** 2 + 1e-30)
    thickness = jnp.where(thickness < 0.0, 0.0, thickness)

    h_link = 0.5 * (thickness[head] + thickness[tail])
    gradient = (potential[head] - potential[tail]) / DX
    flux = -SHEET_K * h_link ** SHEET_EXP * (jnp.abs(gradient) + 1e-12) ** (-0.5) * gradient
    flux = jnp.where((inflow_outflow[head] == 1) | (inflow_outflow[tail] == 1), 0.0, flux)

    residual = jnp.abs(flux - discharge)
    return residual

if __name__ == "__main__":
    import jax
    _d = setup_inputs()
    print(jax.jit(kernel)(*tuple(_d.values())))

</pallas_src>

<mosaic_0001>
#map = affine_map<(d0, d1) -> (0)>
module attributes {stable_mosaic.version = 14 : i64} {
  func.func @_k3_body(%arg0: i32, %arg1: i32, %arg2: memref<1600000xi32, #tpu.memory_space<hbm>>, %arg3: memref<1600000xi32, #tpu.memory_space<hbm>>, %arg4: memref<1600000xf32, #tpu.memory_space<hbm>>, %arg5: memref<100352xf32, #tpu.memory_space<hbm>>, %arg6: memref<100352xf32, #tpu.memory_space<hbm>>, %arg7: memref<200704xf32, #tpu.memory_space<hbm>>, %arg8: memref<200704xf32, #tpu.memory_space<hbm>>, %arg9: memref<200704xf32, #tpu.memory_space<hbm>>, %arg10: memref<2000xi32, #tpu.memory_space<vmem>>, %arg11: memref<2000xi32, #tpu.memory_space<vmem>>, %arg12: memref<2000xf32, #tpu.memory_space<vmem>>, %arg13: memref<2000xi32, #tpu.memory_space<vmem>>, %arg14: memref<2000xi32, #tpu.memory_space<vmem>>, %arg15: memref<2000xf32, #tpu.memory_space<vmem>>, %arg16: memref<2000xf32, #tpu.memory_space<vmem>>, %arg17: memref<2000xf32, #tpu.memory_space<vmem>>, %arg18: memref<2000xf32, #tpu.memory_space<vmem>>, %arg19: memref<2000xf32, #tpu.memory_space<vmem>>, %arg20: memref<1568xf32, #tpu.memory_space<vmem>>, %arg21: memref<!tpu.dma_semaphore, #tpu.memory_space<semaphore_mem>>, %arg22: memref<!tpu.dma_semaphore, #tpu.memory_space<semaphore_mem>>, %arg23: memref<100352xf32, #tpu.memory_space<vmem_shared>>, %arg24: memref<100352xf32, #tpu.memory_space<vmem_shared>>, %arg25: memref<100352xf32, #tpu.memory_space<vmem_shared>>, %arg26: memref<100352xf32, #tpu.memory_space<vmem_shared>>, %arg27: memref<100352xf32, #tpu.memory_space<vmem_shared>>) attributes {dimension_semantics = [#tpu.dimension_semantics<core_parallel>, #tpu.dimension_semantics<subcore_parallel>], iteration_bounds = array<i64: 2, 16>, scalar_prefetch = 0 : i64, scratch_operands = 18 : i64, tpu.core_type = #tpu.core_type<sc_vector_subcore>, window_params = [{transform_indices = #map}, {transform_indices = #map}, {transform_indices = #map}, {transform_indices = #map}, {transform_indices = #map}, {transform_indices = #map}, {transform_indices = #map}, {transform_indices = #map}]} {
    %mul3A = arith.constant 2 : i32
    %mul3A_0 = arith.muli %arg1, %mul3A : i32
    %add3A = arith.addi %mul3A_0, %arg0 : i32
    %mul3A_1 = arith.constant 3136 : i32
    %mul3A_2 = arith.muli %arg1, %mul3A_1 : i32
    %scan3A = arith.constant 0 : i32
    %scan3A_3 = arith.constant 0 : i32
    %scan3A_4 = arith.constant 125 : i32
    %scan3A_5 = arith.addi %scan3A_3, %scan3A_4 : i32
    %scan3A_6 = arith.constant 1 : i32
    %scan3A_7 = scf.for %scan3A_31 = %scan3A_3 to %scan3A_5 step %scan3A_6 iter_args(%scan3A_32 = %scan3A) -> (i32)  : i32 {
      %broadcast_in_dim3A = arith.constant 0.000000e+00 : f32
      %broadcast_in_dim3A_33 = vector.broadcast %broadcast_in_dim3A : f32 to vector<16xf32>
      %mul3A_34 = arith.constant 16 : i32
      %mul3A_35 = arith.muli %scan3A_31, %mul3A_34 : i32
      %swap3A = arith.index_cast %mul3A_35 : i32 to index
      %swap3A_36 = tpu.vector_load %arg17[%swap3A] {strides = array<i32>} : memref<2000xf32, #tpu.memory_space<vmem>>, vector<16xf32>,
      tpu.vector_store %arg17[%swap3A], %broadcast_in_dim3A_33 {strides = array<i32>} : memref<2000xf32, #tpu.memory_space<vmem>>, vector<16xf32>,
      %broadcast_in_dim3A_37 = arith.constant 1.000000e+00 : f32
      %broadcast_in_dim3A_38 = vector.broadcast %broadcast_in_dim3A_37 : f32 to vector<16xf32>
      %mul3A_39 = arith.constant 16 : i32
      %mul3A_40 = arith.muli %scan3A_31, %mul3A_39 : i32
      %swap3A_41 = arith.index_cast %mul3A_40 : i32 to index
      %swap3A_42 = tpu.vector_load %arg16[%swap3A_41] {strides = array<i32>} : memref<2000xf32, #tpu.memory_space<vmem>>, vector<16xf32>,
      tpu.vector_store %arg16[%swap3A_41], %broadcast_in_dim3A_38 {strides = array<i32>} : memref<2000xf32, #tpu.memory_space<vmem>>, vector<16xf32>,
      %scan3A_43 = arith.constant 0 : i32
      scf.yield %scan3A_43 : i32
    }
    %scan3A_8 = arith.constant 125 : i32
    %scan3A_9 = arith.constant 0 : i32
    %scan3A_10 = arith.constant 0 : i32
    %scan3A_11 = arith.constant 2 : i32
    %scan3A_12 = arith.addi %scan3A_10, %scan3A_11 : i32
    %scan3A_13 = arith.constant 1 : i32
    %scan3A_14 = scf.for %scan3A_31 = %scan3A_10 to %scan3A_12 step %scan3A_13 iter_args(%scan3A_32 = %scan3A_9) -> (i32)  : i32 {
      %mul3A_33 = arith.constant 1568 : i32
      %mul3A_34 = arith.muli %scan3A_31, %mul3A_33 : i32
      %add3A_35 = arith.addi %mul3A_2, %mul3A_34 : i32
      "tpu.region"() ({
        %run_scoped3A = tpu.sem_alloc : memref<!tpu.dma_semaphore, #tpu.memory_space<semaphore_mem>>
        %dma_start3A = arith.constant 0 : i32
        %dma_start3A_37 = tpu.memref_slice %arg17[%dma_start3A] : memref<2000xf32, #tpu.memory_space<vmem>> -> memref<1568xf32, #tpu.memory_space<vmem>>
        %dma_start3A_38 = tpu.memref_slice %arg25[%add3A_35] : memref<100352xf32, #tpu.memory_space<vmem_shared>> -> memref<1568xf32, #tpu.memory_space<vmem_shared>>
        %dma_start3A_39 = tpu.memref_slice %arg25[%add3A_35] : memref<100352xf32, #tpu.memory_space<vmem_shared>> -> memref<1568xf32, #tpu.memory_space<vmem_shared>>
        %dma_start3A_40 = arith.constant 0 : i32
        %dma_start3A_41 = tpu.memref_slice %arg17[%dma_start3A_40] : memref<2000xf32, #tpu.memory_space<vmem>> -> memref<1568xf32, #tpu.memory_space<vmem>>
        tpu.enqueue_dma source(%dma_start3A_41 : memref<1568xf32, #tpu.memory_space<vmem>>) target(%dma_start3A_39 : memref<1568xf32, #tpu.memory_space<vmem_shared>>) target_semaphore(%run_scoped3A : memref<!tpu.dma_semaphore, #tpu.memory_space<semaphore_mem>>)
        %dma_wait3A = arith.constant 0 : i32
        %dma_wait3A_42 = tpu.memref_slice %arg17[%dma_wait3A] : memref<2000xf32, #tpu.memory_space<vmem>> -> memref<1568xf32, #tpu.memory_space<vmem>>
        %dma_wait3A_43 = tpu.memref_slice %arg25[%add3A_35] : memref<100352xf32, #tpu.memory_space<vmem_shared>> -> memref<1568xf32, #tpu.memory_space<vmem_shared>>
        %dma_wait3A_44 = tpu.memref_slice %arg25[%add3A_35] : memref<100352xf32, #tpu.memory_space<vmem_shared>> -> memref<1568xf32, #tpu.memory_space<vmem_shared>>
        %dma_wait3A_45 = arith.constant 0 : i32
        %dma_wait3A_46 = tpu.memref_slice %arg17[%dma_wait3A_45] : memref<2000xf32, #tpu.memory_space<vmem>> -> memref<1568xf32, #tpu.memory_space<vmem>>
        tpu.wait_dma2 semaphore(%run_scoped3A : memref<!tpu.dma_semaphore, #tpu.memory_space<semaphore_mem>>) src(%dma_wait3A_46 : memref<1568xf32, #tpu.memory_space<vmem>>) dst(%dma_wait3A_44 : memref<1568xf32, #tpu.memory_space<vmem_shared>>)
        tpu.yield
      }) : () -> ()
      "tpu.region"() ({
        %run_scoped3A = tpu.sem_alloc : memref<!tpu.dma_semaphore, #tpu.memory_space<semaphore_mem>>
        %dma_start3A = arith.constant 0 : i32
        %dma_start3A_37 = tpu.memref_slice %arg17[%dma_start3A] : memref<2000xf32, #tpu.memory_space<vmem>> -> memref<1568xf32, #tpu.memory_space<vmem>>
        %dma_start3A_38 = tpu.memref_slice %arg26[%add3A_35] : memref<100352xf32, #tpu.memory_space<vmem_shared>> -> memref<1568xf32, #tpu.memory_space<vmem_shared>>
        %dma_start3A_39 = tpu.memref_slice %arg26[%add3A_35] : memref<100352xf32, #tpu.memory_space<vmem_shared>> -> memref<1568xf32, #tpu.memory_space<vmem_shared>>
        %dma_start3A_40 = arith.constant 0 : i32
        %dma_start3A_41 = tpu.memref_slice %arg17[%dma_start3A_40] : memref<2000xf32, #tpu.memory_space<vmem>> -> memref<1568xf32, #tpu.memory_space<vmem>>
        tpu.enqueue_dma source(%dma_start3A_41 : memref<1568xf32, #tpu.memory_space<vmem>>) target(%dma_start3A_39 : memref<1568xf32, #tpu.memory_space<vmem_shared>>) target_semaphore(%run_scoped3A : memref<!tpu.dma_semaphore, #tpu.memory_space<semaphore_mem>>)
        %dma_wait3A = arith.constant 0 : i32
        %dma_wait3A_42 = tpu.memref_slice %arg17[%dma_wait3A] : memref<2000xf32, #tpu.memory_space<vmem>> -> memref<1568xf32, #tpu.memory_space<vmem>>
        %dma_wait3A_43 = tpu.memref_slice %arg26[%add3A_35] : memref<100352xf32, #tpu.memory_space<vmem_shared>> -> memref<1568xf32, #tpu.memory_space<vmem_shared>>
        %dma_wait3A_44 = tpu.memref_slice %arg26[%add3A_35] : memref<100352xf32, #tpu.memory_space<vmem_shared>> -> memref<1568xf32, #tpu.memory_space<vmem_shared>>
        %dma_wait3A_45 = arith.constant 0 : i32
        %dma_wait3A_46 = tpu.memref_slice %arg17[%dma_wait3A_45] : memref<2000xf32, #tpu.memory_space<vmem>> -> memref<1568xf32, #tpu.memory_space<vmem>>
        tpu.wait_dma2 semaphore(%run_scoped3A : memref<!tpu.dma_semaphore, #tpu.memory_space<semaphore_mem>>) src(%dma_wait3A_46 : memref<1568xf32, #tpu.memory_space<vmem>>) dst(%dma_wait3A_44 : memref<1568xf32, #tpu.memory_space<vmem_shared>>)
        tpu.yield
      }) : () -> ()
      "tpu.region"() ({
        %run_scoped3A = tpu.sem_alloc : memref<!tpu.dma_semaphore, #tpu.memory_space<semaphore_mem>>
        %dma_start3A = arith.constant 0 : i32
        %dma_start3A_37 = tpu.memref_slice %arg17[%dma_start3A] : memref<2000xf32, #tpu.memory_space<vmem>> -> memref<1568xf32, #tpu.memory_space<vmem>>
        %dma_start3A_38 = tpu.memref_slice %arg27[%add3A_35] : memref<100352xf32, #tpu.memory_space<vmem_shared>> -> memref<1568xf32, #tpu.memory_space<vmem_shared>>
        %dma_start3A_39 = tpu.memref_slice %arg27[%add3A_35] : memref<100352xf32, #tpu.memory_space<vmem_shared>> -> memref<1568xf32, #tpu.memory_space<vmem_shared>>
        %dma_start3A_40 = arith.constant 0 : i32
        %dma_start3A_41 = tpu.memref_slice %arg17[%dma_start3A_40] : memref<2000xf32, #tpu.memory_space<vmem>> -> memref<1568xf32, #tpu.memory_space<vmem>>
        tpu.enqueue_dma source(%dma_start3A_41 : memref<1568xf32, #tpu.memory_space<vmem>>) target(%dma_start3A_39 : memref<1568xf32, #tpu.memory_space<vmem_shared>>) target_semaphore(%run_scoped3A : memref<!tpu.dma_semaphore, #tpu.memory_space<semaphore_mem>>)
        %dma_wait3A = arith.constant 0 : i32
        %dma_wait3A_42 = tpu.memref_slice %arg17[%dma_wait3A] : memref<2000xf32, #tpu.memory_space<vmem>> -> memref<1568xf32, #tpu.memory_space<vmem>>
        %dma_wait3A_43 = tpu.memref_slice %arg27[%add3A_35] : memref<100352xf32, #tpu.memory_space<vmem_shared>> -> memref<1568xf32, #tpu.memory_space<vmem_shared>>
        %dma_wait3A_44 = tpu.memref_slice %arg27[%add3A_35] : memref<100352xf32, #tpu.memory_space<vmem_shared>> -> memref<1568xf32, #tpu.memory_space<vmem_shared>>
        %dma_wait3A_45 = arith.constant 0 : i32
        %dma_wait3A_46 = tpu.memref_slice %arg17[%dma_wait3A_45] : memref<2000xf32, #tpu.memory_space<vmem>> -> memref<1568xf32, #tpu.memory_space<vmem>>
        tpu.wait_dma2 semaphore(%run_scoped3A : memref<!tpu.dma_semaphore, #tpu.memory_space<semaphore_mem>>) src(%dma_wait3A_46 : memref<1568xf32, #tpu.memory_space<vmem>>) dst(%dma_wait3A_44 : memref<1568xf32, #tpu.memory_space<vmem_shared>>)
        tpu.yield
      }) : () -> ()
      "tpu.region"() ({
        %run_scoped3A = tpu.sem_alloc : memref<!tpu.dma_semaphore, #tpu.memory_space<semaphore_mem>>
        %dma_start3A = tpu.memref_slice %arg6[%add3A_35] : memref<100352xf32, #tpu.memory_space<hbm>> -> memref<1568xf32, #tpu.memory_space<hbm>>
        %dma_start3A_37 = tpu.memref_slice %arg6[%add3A_35] : memref<100352xf32, #tpu.memory_space<hbm>> -> memref<1568xf32, #tpu.memory_space<hbm>>
        tpu.enqueue_dma source(%dma_start3A_37 : memref<1568xf32, #tpu.memory_space<hbm>>) target(%arg20 : memref<1568xf32, #tpu.memory_space<vmem>>) target_semaphore(%run_scoped3A : memref<!tpu.dma_semaphore, #tpu.memory_space<semaphore_mem>>)
        %dma_wait3A = tpu.memref_slice %arg6[%add3A_35] : memref<100352xf32, #tpu.memory_space<hbm>> -> memref<1568xf32, #tpu.memory_space<hbm>>
        %dma_wait3A_38 = tpu.memref_slice %arg6[%add3A_35] : memref<100352xf32, #tpu.memory_space<hbm>> -> memref<1568xf32, #tpu.memory_space<hbm>>
        tpu.wait_dma2 semaphore(%run_scoped3A : memref<!tpu.dma_semaphore, #tpu.memory_space<semaphore_mem>>) src(%dma_wait3A_38 : memref<1568xf32, #tpu.memory_space<hbm>>) dst(%arg20 : memref<1568xf32, #tpu.memory_space<vmem>>)
        tpu.yield
      }) : () -> ()
      "tpu.region"() ({
        %run_scoped3A = tpu.sem_alloc : memref<!tpu.dma_semaphore, #tpu.memory_space<semaphore_mem>>
        %dma_start3A = tpu.memref_slice %arg24[%add3A_35] : memref<100352xf32, #tpu.memory_space<vmem_shared>> -> memref<1568xf32, #tpu.memory_space<vmem_shared>>
        %dma_start3A_37 = tpu.memref_slice %arg24[%add3A_35] : memref<100352xf32, #tpu.memory_space<vmem_shared>> -> memref<1568xf32, #tpu.memory_space<vmem_shared>>
        tpu.enqueue_dma source(%arg20 : memref<1568xf32, #tpu.memory_space<vmem>>) target(%dma_start3A_37 : memref<1568xf32, #tpu.memory_space<vmem_shared>>) target_semaphore(%run_scoped3A : memref<!tpu.dma_semaphore, #tpu.memory_space<semaphore_mem>>)
        %dma_wait3A = tpu.memref_slice %arg24[%add3A_35] : memref<100352xf32, #tpu.memory_space<vmem_shared>> -> memref<1568xf32, #tpu.memory_space<vmem_shared>>
        %dma_wait3A_38 = tpu.memref_slice %arg24[%add3A_35] : memref<100352xf32, #tpu.memory_space<vmem_shared>> -> memref<1568xf32, #tpu.memory_space<vmem_shared>>
        tpu.wait_dma2 semaphore(%run_scoped3A : memref<!tpu.dma_semaphore, #tpu.memory_space<semaphore_mem>>) src(%arg20 : memref<1568xf32, #tpu.memory_space<vmem>>) dst(%dma_wait3A_38 : memref<1568xf32, #tpu.memory_space<vmem_shared>>)
        tpu.yield
      }) : () -> ()
      "tpu.region"() ({
        %run_scoped3A = tpu.sem_alloc : memref<!tpu.dma_semaphore, #tpu.memory_space<semaphore_mem>>
        %dma_start3A = tpu.memref_slice %arg5[%add3A_35] : memref<100352xf32, #tpu.memory_space<hbm>> -> memref<1568xf32, #tpu.memory_space<hbm>>
        %dma_start3A_37 = tpu.memref_slice %arg5[%add3A_35] : memref<100352xf32, #tpu.memory_space<hbm>> -> memref<1568xf32, #tpu.memory_space<hbm>>
        tpu.enqueue_dma source(%dma_start3A_37 : memref<1568xf32, #tpu.memory_space<hbm>>) target(%arg20 : memref<1568xf32, #tpu.memory_space<vmem>>) target_semaphore(%run_scoped3A : memref<!tpu.dma_semaphore, #tpu.memory_space<semaphore_mem>>)
        %dma_wait3A = tpu.memref_slice %arg5[%add3A_35] : memref<100352xf32, #tpu.memory_space<hbm>> -> memref<1568xf32, #tpu.memory_space<hbm>>
        %dma_wait3A_38 = tpu.memref_slice %arg5[%add3A_35] : memref<100352xf32, #tpu.memory_space<hbm>> -> memref<1568xf32, #tpu.memory_space<hbm>>
        tpu.wait_dma2 semaphore(%run_scoped3A : memref<!tpu.dma_semaphore, #tpu.memory_space<semaphore_mem>>) src(%dma_wait3A_38 : memref<1568xf32, #tpu.memory_space<hbm>>) dst(%arg20 : memref<1568xf32, #tpu.memory_space<vmem>>)
        tpu.yield
      }) : () -> ()
      "tpu.region"() ({
        %run_scoped3A = tpu.sem_alloc : memref<!tpu.dma_semaphore, #tpu.memory_space<semaphore_mem>>
        %dma_start3A = tpu.memref_slice %arg23[%add3A_35] : memref<100352xf32, #tpu.memory_space<vmem_shared>> -> memref<1568xf32, #tpu.memory_space<vmem_shared>>
        %dma_start3A_37 = tpu.memref_slice %arg23[%add3A_35] : memref<100352xf32, #tpu.memory_space<vmem_shared>> -> memref<1568xf32, #tpu.memory_space<vmem_shared>>
        tpu.enqueue_dma source(%arg20 : memref<1568xf32, #tpu.memory_space<vmem>>) target(%dma_start3A_37 : memref<1568xf32, #tpu.memory_space<vmem_shared>>) target_semaphore(%run_scoped3A : memref<!tpu.dma_semaphore, #tpu.memory_space<semaphore_mem>>)
        %dma_wait3A = tpu.memref_slice %arg23[%add3A_35] : memref<100352xf32, #tpu.memory_space<vmem_shared>> -> memref<1568xf32, #tpu.memory_space<vmem_shared>>
        %dma_wait3A_38 = tpu.memref_slice %arg23[%add3A_35] : memref<100352xf32, #tpu.memory_space<vmem_shared>> -> memref<1568xf32, #tpu.memory_space<vmem_shared>>
        tpu.wait_dma2 semaphore(%run_scoped3A : memref<!tpu.dma_semaphore, #tpu.memory_space<semaphore_mem>>) src(%arg20 : memref<1568xf32, #tpu.memory_space<vmem>>) dst(%dma_wait3A_38 : memref<1568xf32, #tpu.memory_space<vmem_shared>>)
        tpu.yield
      }) : () -> ()
      %scan3A_36 = arith.constant 0 : i32
      scf.yield %scan3A_36 : i32
    }
    %scan3A_15 = arith.constant 2 : i32
    %barrier3A = arith.constant 0 : index
    tpu.barrier barrier_id(%barrier3A)
    %scan3A_16 = arith.constant 0 : i32
    %scan3A_17 = arith.constant 0 : i32
    %scan3A_18 = arith.constant 25 : i32
    %scan3A_19 = arith.addi %scan3A_17, %scan3A_18 : i32
    %scan3A_20 = arith.constant 1 : i32
    %scan3A_21 = scf.for %scan3A_31 = %scan3A_17 to %scan3A_19 step %scan3A_20 iter_args(%scan3A_32 = %scan3A_16) -> (i32)  : i32 {
      %mul3A_33 = arith.constant 50000 : i32
      %mul3A_34 = arith.muli %add3A, %mul3A_33 : i32
      %mul3A_35 = arith.constant 2000 : i32
      %mul3A_36 = arith.muli %scan3A_31, %mul3A_35 : i32
      %add3A_37 = arith.addi %mul3A_34, %mul3A_36 : i32
      %dma_start3A = tpu.memref_slice %arg2[%add3A_37] : memref<1600000xi32, #tpu.memory_space<hbm>> -> memref<2000xi32, #tpu.memory_space<hbm>>
      %dma_start3A_38 = tpu.memref_slice %arg2[%add3A_37] : memref<1600000xi32, #tpu.memory_space<hbm>> -> memref<2000xi32, #tpu.memory_space<hbm>>
      tpu.enqueue_dma source(%dma_start3A_38 : memref<2000xi32, #tpu.memory_space<hbm>>) target(%arg10 : memref<2000xi32, #tpu.memory_space<vmem>>) target_semaphore(%arg21 : memref<!tpu.dma_semaphore, #tpu.memory_space<semaphore_mem>>)
      %dma_start3A_39 = tpu.memref_slice %arg3[%add3A_37] : memref<1600000xi32, #tpu.memory_space<hbm>> -> memref<2000xi32, #tpu.memory_space<hbm>>
      %dma_start3A_40 = tpu.memref_slice %arg3[%add3A_37] : memref<1600000xi32, #tpu.memory_space<hbm>> -> memref<2000xi32, #tpu.memory_space<hbm>>
      tpu.enqueue_dma source(%dma_start3A_40 : memref<2000xi32, #tpu.memory_space<hbm>>) target(%arg11 : memref<2000xi32, #tpu.memory_space<vmem>>) target_semaphore(%arg21 : memref<!tpu.dma_semaphore, #tpu.memory_space<semaphore_mem>>)
      %dma_start3A_41 = tpu.memref_slice %arg4[%add3A_37] : memref<1600000xf32, #tpu.memory_space<hbm>> -> memref<2000xf32, #tpu.memory_space<hbm>>
      %dma_start3A_42 = tpu.memref_slice %arg4[%add3A_37] : memref<1600000xf32, #tpu.memory_space<hbm>> -> memref<2000xf32, #tpu.memory_space<hbm>>
      tpu.enqueue_dma source(%dma_start3A_42 : memref<2000xf32, #tpu.memory_space<hbm>>) target(%arg12 : memref<2000xf32, #tpu.memory_space<vmem>>) target_semaphore(%arg21 : memref<!tpu.dma_semaphore, #tpu.memory_space<semaphore_mem>>)
      %dma_wait3A = tpu.memref_slice %arg2[%add3A_37] : memref<1600000xi32, #tpu.memory_space<hbm>> -> memref<2000xi32, #tpu.memory_space<hbm>>
      %dma_wait3A_43 = tpu.memref_slice %arg2[%add3A_37] : memref<1600000xi32, #tpu.memory_space<hbm>> -> memref<2000xi32, #tpu.memory_space<hbm>>
      tpu.wait_dma2 semaphore(%arg21 : memref<!tpu.dma_semaphore, #tpu.memory_space<semaphore_mem>>) src(%dma_wait3A_43 : memref<2000xi32, #tpu.memory_space<hbm>>) dst(%arg10 : memref<2000xi32, #tpu.memory_space<vmem>>)
      %dma_wait3A_44 = tpu.memref_slice %arg3[%add3A_37] : memref<1600000xi32, #tpu.memory_space<hbm>> -> memref<2000xi32, #tpu.memory_space<hbm>>
      %dma_wait3A_45 = tpu.memref_slice %arg3[%add3A_37] : memref<1600000xi32, #tpu.memory_space<hbm>> -> memref<2000xi32, #tpu.memory_space<hbm>>
      tpu.wait_dma2 semaphore(%arg21 : memref<!tpu.dma_semaphore, #tpu.memory_space<semaphore_mem>>) src(%dma_wait3A_45 : memref<2000xi32, #tpu.memory_space<hbm>>) dst(%arg11 : memref<2000xi32, #tpu.memory_space<vmem>>)
      %dma_wait3A_46 = tpu.memref_slice %arg4[%add3A_37] : memref<1600000xf32, #tpu.memory_space<hbm>> -> memref<2000xf32, #tpu.memory_space<hbm>>
      %dma_wait3A_47 = tpu.memref_slice %arg4[%add3A_37] : memref<1600000xf32, #tpu.memory_space<hbm>> -> memref<2000xf32, #tpu.memory_space<hbm>>
      tpu.wait_dma2 semaphore(%arg21 : memref<!tpu.dma_semaphore, #tpu.memory_space<semaphore_mem>>) src(%dma_wait3A_47 : memref<2000xf32, #tpu.memory_space<hbm>>) dst(%arg12 : memref<2000xf32, #tpu.memory_space<vmem>>)
      %dma_start3A_48 = arith.constant 0 : i32
      %dma_start3A_49 = tpu.memref_slice %arg23[%dma_start3A_48] : memref<100352xf32, #tpu.memory_space<vmem_shared>> -> memref<100352xf32, #tpu.memory_space<vmem_shared>>
      tpu.enqueue_indirect_dma source(%dma_start3A_49 : memref<100352xf32, #tpu.memory_space<vmem_shared>>) target(%arg18 : memref<2000xf32, #tpu.memory_space<vmem>>) offsets(%arg10 : memref<2000xi32, #tpu.memory_space<vmem>>) semaphore(%arg21 : memref<!tpu.dma_semaphore, #tpu.memory_space<semaphore_mem>>)
      %dma_start3A_50 = arith.constant 0 : i32
      %dma_start3A_51 = tpu.memref_slice %arg23[%dma_start3A_50] : memref<100352xf32, #tpu.memory_space<vmem_shared>> -> memref<100352xf32, #tpu.memory_space<vmem_shared>>
      tpu.enqueue_indirect_dma source(%dma_start3A_51 : memref<100352xf32, #tpu.memory_space<vmem_shared>>) target(%arg19 : memref<2000xf32, #tpu.memory_space<vmem>>) offsets(%arg11 : memref<2000xi32, #tpu.memory_space<vmem>>) semaphore(%arg21 : memref<!tpu.dma_semaphore, #tpu.memory_space<semaphore_mem>>)
      %dma_wait3A_52 = arith.constant 0 : i32
      %dma_wait3A_53 = tpu.memref_slice %arg23[%dma_wait3A_52] : memref<100352xf32, #tpu.memory_space<vmem_shared>> -> memref<100352xf32, #tpu.memory_space<vmem_shared>>
      tpu.wait_indirect_dma semaphore(%arg21 : memref<!tpu.dma_semaphore, #tpu.memory_space<semaphore_mem>>) src(%dma_wait3A_53 : memref<100352xf32, #tpu.memory_space<vmem_shared>>) dst(%arg18 : memref<2000xf32, #tpu.memory_space<vmem>>)
      %dma_wait3A_54 = arith.constant 0 : i32
      %dma_wait3A_55 = tpu.memref_slice %arg23[%dma_wait3A_54] : memref<100352xf32, #tpu.memory_space<vmem_shared>> -> memref<100352xf32, #tpu.memory_space<vmem_shared>>
      tpu.wait_indirect_dma semaphore(%arg21 : memref<!tpu.dma_semaphore, #tpu.memory_space<semaphore_mem>>) src(%dma_wait3A_55 : memref<100352xf32, #tpu.memory_space<vmem_shared>>) dst(%arg19 : memref<2000xf32, #tpu.memory_space<vmem>>)
      %scan3A_56 = arith.constant 0 : i32
      %scan3A_57 = arith.constant 0 : i32
      %scan3A_58 = arith.constant 125 : i32
      %scan3A_59 = arith.addi %scan3A_57, %scan3A_58 : i32
      %scan3A_60 = arith.constant 1 : i32
      %scan3A_61 = scf.for %scan3A_84 = %scan3A_57 to %scan3A_59 step %scan3A_60 iter_args(%scan3A_85 = %scan3A_56) -> (i32)  : i32 {
        %mul3A_86 = arith.constant 16 : i32
        %mul3A_87 = arith.muli %scan3A_84, %mul3A_86 : i32
        %get3A = arith.index_cast %mul3A_87 : i32 to index
        %get3A_88 = tpu.vector_load %arg10[%get3A] {strides = array<i32>} : memref<2000xi32, #tpu.memory_space<vmem>>, vector<16xi32>,
        %get3A_89 = arith.index_cast %mul3A_87 : i32 to index
        %get3A_90 = tpu.vector_load %arg11[%get3A_89] {strides = array<i32>} : memref<2000xi32, #tpu.memory_space<vmem>>, vector<16xi32>,
        %get3A_91 = arith.index_cast %mul3A_87 : i32 to index
        %get3A_92 = tpu.vector_load %arg19[%get3A_91] {strides = array<i32>} : memref<2000xf32, #tpu.memory_space<vmem>>, vector<16xf32>,
        %get3A_93 = arith.index_cast %mul3A_87 : i32 to index
        %get3A_94 = tpu.vector_load %arg18[%get3A_93] {strides = array<i32>} : memref<2000xf32, #tpu.memory_space<vmem>>, vector<16xf32>,
        %gt3A = arith.cmpf ogt, %get3A_92, %get3A_94 : vector<16xf32>
        %select_n3A = arith.select %gt3A, %get3A_88, %get3A_90 : vector<16xi1>, vector<16xi32>
        %swap3A = arith.index_cast %mul3A_87 : i32 to index
        %swap3A_95 = tpu.vector_load %arg13[%swap3A] {strides = array<i32>} : memref<2000xi32, #tpu.memory_space<vmem>>, vector<16xi32>,
        tpu.vector_store %arg13[%swap3A], %select_n3A {strides = array<i32>} : memref<2000xi32, #tpu.memory_space<vmem>>, vector<16xi32>,
        %select_n3A_96 = arith.select %gt3A, %get3A_90, %get3A_88 : vector<16xi1>, vector<16xi32>
        %swap3A_97 = arith.index_cast %mul3A_87 : i32 to index
        %swap3A_98 = tpu.vector_load %arg14[%swap3A_97] {strides = array<i32>} : memref<2000xi32, #tpu.memory_space<vmem>>, vector<16xi32>,
        tpu.vector_store %arg14[%swap3A_97], %select_n3A_96 {strides = array<i32>} : memref<2000xi32, #tpu.memory_space<vmem>>, vector<16xi32>,
        %scan3A_99 = arith.constant 0 : i32
        scf.yield %scan3A_99 : i32
      }
      %scan3A_62 = arith.constant 125 : i32
      "tpu.region"() ({
        %run_scoped3A = tpu.sem_alloc : memref<!tpu.dma_semaphore, #tpu.memory_space<semaphore_mem>>
        %dma_start3A_84 = arith.constant 0 : i32
        %dma_start3A_85 = tpu.memref_slice %arg24[%dma_start3A_84] : memref<100352xf32, #tpu.memory_space<vmem_shared>> -> memref<100352xf32, #tpu.memory_space<vmem_shared>>
        tpu.enqueue_indirect_dma source(%dma_start3A_85 : memref<100352xf32, #tpu.memory_space<vmem_shared>>) target(%arg15 : memref<2000xf32, #tpu.memory_space<vmem>>) offsets(%arg14 : memref<2000xi32, #tpu.memory_space<vmem>>) semaphore(%run_scoped3A : memref<!tpu.dma_semaphore, #tpu.memory_space<semaphore_mem>>)
        %dma_wait3A_86 = arith.constant 0 : i32
        %dma_wait3A_87 = tpu.memref_slice %arg24[%dma_wait3A_86] : memref<100352xf32, #tpu.memory_space<vmem_shared>> -> memref<100352xf32, #tpu.memory_space<vmem_shared>>
        tpu.wait_indirect_dma semaphore(%run_scoped3A : memref<!tpu.dma_semaphore, #tpu.memory_space<semaphore_mem>>) src(%dma_wait3A_87 : memref<100352xf32, #tpu.memory_space<vmem_shared>>) dst(%arg15 : memref<2000xf32, #tpu.memory_space<vmem>>)
        tpu.yield
      }) : () -> ()
      %dma_start3A_63 = arith.constant 0 : i32
      %dma_start3A_64 = tpu.memref_slice %arg25[%dma_start3A_63] : memref<100352xf32, #tpu.memory_space<vmem_shared>> -> memref<100352xf32, #tpu.memory_space<vmem_shared>>
      tpu.enqueue_indirect_dma source(%arg15 : memref<2000xf32, #tpu.memory_space<vmem>>) target(%dma_start3A_64 : memref<100352xf32, #tpu.memory_space<vmem_shared>>) offsets(%arg13 : memref<2000xi32, #tpu.memory_space<vmem>>) semaphore(%arg22 : memref<!tpu.dma_semaphore, #tpu.memory_space<semaphore_mem>>) {add = true}
      %dma_start3A_65 = arith.constant 0 : i32
      %dma_start3A_66 = tpu.memref_slice %arg26[%dma_start3A_65] : memref<100352xf32, #tpu.memory_space<vmem_shared>> -> memref<100352xf32, #tpu.memory_space<vmem_shared>>
      tpu.enqueue_indirect_dma source(%arg12 : memref<2000xf32, #tpu.memory_space<vmem>>) target(%dma_start3A_66 : memref<100352xf32, #tpu.memory_space<vmem_shared>>) offsets(%arg10 : memref<2000xi32, #tpu.memory_space<vmem>>) semaphore(%arg22 : memref<!tpu.dma_semaphore, #tpu.memory_space<semaphore_mem>>) {add = true}
      %dma_start3A_67 = arith.constant 0 : i32
      %dma_start3A_68 = tpu.memref_slice %arg26[%dma_start3A_67] : memref<100352xf32, #tpu.memory_space<vmem_shared>> -> memref<100352xf32, #tpu.memory_space<vmem_shared>>
      tpu.enqueue_indirect_dma source(%arg12 : memref<2000xf32, #tpu.memory_space<vmem>>) target(%dma_start3A_68 : memref<100352xf32, #tpu.memory_space<vmem_shared>>) offsets(%arg11 : memref<2000xi32, #tpu.memory_space<vmem>>) semaphore(%arg22 : memref<!tpu.dma_semaphore, #tpu.memory_space<semaphore_mem>>) {add = true}
      %dma_start3A_69 = arith.constant 0 : i32
      %dma_start3A_70 = tpu.memref_slice %arg27[%dma_start3A_69] : memref<100352xf32, #tpu.memory_space<vmem_shared>> -> memref<100352xf32, #tpu.memory_space<vmem_shared>>
      tpu.enqueue_indirect_dma source(%arg16 : memref<2000xf32, #tpu.memory_space<vmem>>) target(%dma_start3A_70 : memref<100352xf32, #tpu.memory_space<vmem_shared>>) offsets(%arg10 : memref<2000xi32, #tpu.memory_space<vmem>>) semaphore(%arg22 : memref<!tpu.dma_semaphore, #tpu.memory_space<semaphore_mem>>) {add = true}
      %dma_start3A_71 = arith.constant 0 : i32
      %dma_start3A_72 = tpu.memref_slice %arg27[%dma_start3A_71] : memref<100352xf32, #tpu.memory_space<vmem_shared>> -> memref<100352xf32, #tpu.memory_space<vmem_shared>>
      tpu.enqueue_indirect_dma source(%arg16 : memref<2000xf32, #tpu.memory_space<vmem>>) target(%dma_start3A_72 : memref<100352xf32, #tpu.memory_space<vmem_shared>>) offsets(%arg11 : memref<2000xi32, #tpu.memory_space<vmem>>) semaphore(%arg22 : memref<!tpu.dma_semaphore, #tpu.memory_space<semaphore_mem>>) {add = true}
      %dma_wait3A_73 = arith.constant 0 : i32
      %dma_wait3A_74 = tpu.memref_slice %arg25[%dma_wait3A_73] : memref<100352xf32, #tpu.memory_space<vmem_shared>> -> memref<100352xf32, #tpu.memory_space<vmem_shared>>
      tpu.wait_indirect_dma semaphore(%arg22 : memref<!tpu.dma_semaphore, #tpu.memory_space<semaphore_mem>>) src(%arg15 : memref<2000xf32, #tpu.memory_space<vmem>>) dst(%dma_wait3A_74 : memref<100352xf32, #tpu.memory_space<vmem_shared>>)
      %dma_wait3A_75 = arith.constant 0 : i32
      %dma_wait3A_76 = tpu.memref_slice %arg26[%dma_wait3A_75] : memref<100352xf32, #tpu.memory_space<vmem_shared>> -> memref<100352xf32, #tpu.memory_space<vmem_shared>>
      tpu.wait_indirect_dma semaphore(%arg22 : memref<!tpu.dma_semaphore, #tpu.memory_space<semaphore_mem>>) src(%arg12 : memref<2000xf32, #tpu.memory_space<vmem>>) dst(%dma_wait3A_76 : memref<100352xf32, #tpu.memory_space<vmem_shared>>)
      %dma_wait3A_77 = arith.constant 0 : i32
      %dma_wait3A_78 = tpu.memref_slice %arg26[%dma_wait3A_77] : memref<100352xf32, #tpu.memory_space<vmem_shared>> -> memref<100352xf32, #tpu.memory_space<vmem_shared>>
      tpu.wait_indirect_dma semaphore(%arg22 : memref<!tpu.dma_semaphore, #tpu.memory_space<semaphore_mem>>) src(%arg12 : memref<2000xf32, #tpu.memory_space<vmem>>) dst(%dma_wait3A_78 : memref<100352xf32, #tpu.memory_space<vmem_shared>>)
      %dma_wait3A_79 = arith.constant 0 : i32
      %dma_wait3A_80 = tpu.memref_slice %arg27[%dma_wait3A_79] : memref<100352xf32, #tpu.memory_space<vmem_shared>> -> memref<100352xf32, #tpu.memory_space<vmem_shared>>
      tpu.wait_indirect_dma semaphore(%arg22 : memref<!tpu.dma_semaphore, #tpu.memory_space<semaphore_mem>>) src(%arg16 : memref<2000xf32, #tpu.memory_space<vmem>>) dst(%dma_wait3A_80 : memref<100352xf32, #tpu.memory_space<vmem_shared>>)
      %dma_wait3A_81 = arith.constant 0 : i32
      %dma_wait3A_82 = tpu.memref_slice %arg27[%dma_wait3A_81] : memref<100352xf32, #tpu.memory_space<vmem_shared>> -> memref<100352xf32, #tpu.memory_space<vmem_shared>>
      tpu.wait_indirect_dma semaphore(%arg22 : memref<!tpu.dma_semaphore, #tpu.memory_space<semaphore_mem>>) src(%arg16 : memref<2000xf32, #tpu.memory_space<vmem>>) dst(%dma_wait3A_82 : memref<100352xf32, #tpu.memory_space<vmem_shared>>)
      %scan3A_83 = arith.constant 0 : i32
      scf.yield %scan3A_83 : i32
    }
    %scan3A_22 = arith.constant 25 : i32
    %barrier3A_23 = arith.constant 0 : index
    tpu.barrier barrier_id(%barrier3A_23)
    %scan3A_24 = arith.constant 0 : i32
    %scan3A_25 = arith.constant 0 : i32
    %scan3A_26 = arith.constant 2 : i32
    %scan3A_27 = arith.addi %scan3A_25, %scan3A_26 : i32
    %scan3A_28 = arith.constant 1 : i32
    %scan3A_29 = scf.for %scan3A_31 = %scan3A_25 to %scan3A_27 step %scan3A_28 iter_args(%scan3A_32 = %scan3A_24) -> (i32)  : i32 {
      %mul3A_33 = arith.constant 1568 : i32
      %mul3A_34 = arith.muli %scan3A_31, %mul3A_33 : i32
      %add3A_35 = arith.addi %mul3A_2, %mul3A_34 : i32
      %mul3A_36 = arith.constant 100352 : i32
      %mul3A_37 = arith.muli %arg0, %mul3A_36 : i32
      %add3A_38 = arith.addi %mul3A_37, %add3A_35 : i32
      "tpu.region"() ({
        %run_scoped3A = tpu.sem_alloc : memref<!tpu.dma_semaphore, #tpu.memory_space<semaphore_mem>>
        %dma_start3A = tpu.memref_slice %arg25[%add3A_35] : memref<100352xf32, #tpu.memory_space<vmem_shared>> -> memref<1568xf32, #tpu.memory_space<vmem_shared>>
        %dma_start3A_40 = tpu.memref_slice %arg25[%add3A_35] : memref<100352xf32, #tpu.memory_space<vmem_shared>> -> memref<1568xf32, #tpu.memory_space<vmem_shared>>
        tpu.enqueue_dma source(%dma_start3A_40 : memref<1568xf32, #tpu.memory_space<vmem_shared>>) target(%arg20 : memref<1568xf32, #tpu.memory_space<vmem>>) target_semaphore(%run_scoped3A : memref<!tpu.dma_semaphore, #tpu.memory_space<semaphore_mem>>)
        %dma_wait3A = tpu.memref_slice %arg25[%add3A_35] : memref<100352xf32, #tpu.memory_space<vmem_shared>> -> memref<1568xf32, #tpu.memory_space<vmem_shared>>
        %dma_wait3A_41 = tpu.memref_slice %arg25[%add3A_35] : memref<100352xf32, #tpu.memory_space<vmem_shared>> -> memref<1568xf32, #tpu.memory_space<vmem_shared>>
        tpu.wait_dma2 semaphore(%run_scoped3A : memref<!tpu.dma_semaphore, #tpu.memory_space<semaphore_mem>>) src(%dma_wait3A_41 : memref<1568xf32, #tpu.memory_space<vmem_shared>>) dst(%arg20 : memref<1568xf32, #tpu.memory_space<vmem>>)
        tpu.yield
      }) : () -> ()
      "tpu.region"() ({
        %run_scoped3A = tpu.sem_alloc : memref<!tpu.dma_semaphore, #tpu.memory_space<semaphore_mem>>
        %dma_start3A = tpu.memref_slice %arg7[%add3A_38] : memref<200704xf32, #tpu.memory_space<hbm>> -> memref<1568xf32, #tpu.memory_space<hbm>>
        %dma_start3A_40 = tpu.memref_slice %arg7[%add3A_38] : memref<200704xf32, #tpu.memory_space<hbm>> -> memref<1568xf32, #tpu.memory_space<hbm>>
        tpu.enqueue_dma source(%arg20 : memref<1568xf32, #tpu.memory_space<vmem>>) target(%dma_start3A_40 : memref<1568xf32, #tpu.memory_space<hbm>>) target_semaphore(%run_scoped3A : memref<!tpu.dma_semaphore, #tpu.memory_space<semaphore_mem>>)
        %dma_wait3A = tpu.memref_slice %arg7[%add3A_38] : memref<200704xf32, #tpu.memory_space<hbm>> -> memref<1568xf32, #tpu.memory_space<hbm>>
        %dma_wait3A_41 = tpu.memref_slice %arg7[%add3A_38] : memref<200704xf32, #tpu.memory_space<hbm>> -> memref<1568xf32, #tpu.memory_space<hbm>>
        tpu.wait_dma2 semaphore(%run_scoped3A : memref<!tpu.dma_semaphore, #tpu.memory_space<semaphore_mem>>) src(%arg20 : memref<1568xf32, #tpu.memory_space<vmem>>) dst(%dma_wait3A_41 : memref<1568xf32, #tpu.memory_space<hbm>>)
        tpu.yield
      }) : () -> ()
      "tpu.region"() ({
        %run_scoped3A = tpu.sem_alloc : memref<!tpu.dma_semaphore, #tpu.memory_space<semaphore_mem>>
        %dma_start3A = tpu.memref_slice %arg26[%add3A_35] : memref<100352xf32, #tpu.memory_space<vmem_shared>> -> memref<1568xf32, #tpu.memory_space<vmem_shared>>
        %dma_start3A_40 = tpu.memref_slice %arg26[%add3A_35] : memref<100352xf32, #tpu.memory_space<vmem_shared>> -> memref<1568xf32, #tpu.memory_space<vmem_shared>>
        tpu.enqueue_dma source(%dma_start3A_40 : memref<1568xf32, #tpu.memory_space<vmem_shared>>) target(%arg20 : memref<1568xf32, #tpu.memory_space<vmem>>) target_semaphore(%run_scoped3A : memref<!tpu.dma_semaphore, #tpu.memory_space<semaphore_mem>>)
        %dma_wait3A = tpu.memref_slice %arg26[%add3A_35] : memref<100352xf32, #tpu.memory_space<vmem_shared>> -> memref<1568xf32, #tpu.memory_space<vmem_shared>>
        %dma_wait3A_41 = tpu.memref_slice %arg26[%add3A_35] : memref<100352xf32, #tpu.memory_space<vmem_shared>> -> memref<1568xf32, #tpu.memory_space<vmem_shared>>
        tpu.wait_dma2 semaphore(%run_scoped3A : memref<!tpu.dma_semaphore, #tpu.memory_space<semaphore_mem>>) src(%dma_wait3A_41 : memref<1568xf32, #tpu.memory_space<vmem_shared>>) dst(%arg20 : memref<1568xf32, #tpu.memory_space<vmem>>)
        tpu.yield
      }) : () -> ()
      "tpu.region"() ({
        %run_scoped3A = tpu.sem_alloc : memref<!tpu.dma_semaphore, #tpu.memory_space<semaphore_mem>>
        %dma_start3A = tpu.memref_slice %arg8[%add3A_38] : memref<200704xf32, #tpu.memory_space<hbm>> -> memref<1568xf32, #tpu.memory_space<hbm>>
        %dma_start3A_40 = tpu.memref_slice %arg8[%add3A_38] : memref<200704xf32, #tpu.memory_space<hbm>> -> memref<1568xf32, #tpu.memory_space<hbm>>
        tpu.enqueue_dma source(%arg20 : memref<1568xf32, #tpu.memory_space<vmem>>) target(%dma_start3A_40 : memref<1568xf32, #tpu.memory_space<hbm>>) target_semaphore(%run_scoped3A : memref<!tpu.dma_semaphore, #tpu.memory_space<semaphore_mem>>)
        %dma_wait3A = tpu.memref_slice %arg8[%add3A_38] : memref<200704xf32, #tpu.memory_space<hbm>> -> memref<1568xf32, #tpu.memory_space<hbm>>
        %dma_wait3A_41 = tpu.memref_slice %arg8[%add3A_38] : memref<200704xf32, #tpu.memory_space<hbm>> -> memref<1568xf32, #tpu.memory_space<hbm>>
        tpu.wait_dma2 semaphore(%run_scoped3A : memref<!tpu.dma_semaphore, #tpu.memory_space<semaphore_mem>>) src(%arg20 : memref<1568xf32, #tpu.memory_space<vmem>>) dst(%dma_wait3A_41 : memref<1568xf32, #tpu.memory_space<hbm>>)
        tpu.yield
      }) : () -> ()
      "tpu.region"() ({
        %run_scoped3A = tpu.sem_alloc : memref<!tpu.dma_semaphore, #tpu.memory_space<semaphore_mem>>
        %dma_start3A = tpu.memref_slice %arg27[%add3A_35] : memref<100352xf32, #tpu.memory_space<vmem_shared>> -> memref<1568xf32, #tpu.memory_space<vmem_shared>>
        %dma_start3A_40 = tpu.memref_slice %arg27[%add3A_35] : memref<100352xf32, #tpu.memory_space<vmem_shared>> -> memref<1568xf32, #tpu.memory_space<vmem_shared>>
        tpu.enqueue_dma source(%dma_start3A_40 : memref<1568xf32, #tpu.memory_space<vmem_shared>>) target(%arg20 : memref<1568xf32, #tpu.memory_space<vmem>>) target_semaphore(%run_scoped3A : memref<!tpu.dma_semaphore, #tpu.memory_space<semaphore_mem>>)
        %dma_wait3A = tpu.memref_slice %arg27[%add3A_35] : memref<100352xf32, #tpu.memory_space<vmem_shared>> -> memref<1568xf32, #tpu.memory_space<vmem_shared>>
        %dma_wait3A_41 = tpu.memref_slice %arg27[%add3A_35] : memref<100352xf32, #tpu.memory_space<vmem_shared>> -> memref<1568xf32, #tpu.memory_space<vmem_shared>>
        tpu.wait_dma2 semaphore(%run_scoped3A : memref<!tpu.dma_semaphore, #tpu.memory_space<semaphore_mem>>) src(%dma_wait3A_41 : memref<1568xf32, #tpu.memory_space<vmem_shared>>) dst(%arg20 : memref<1568xf32, #tpu.memory_space<vmem>>)
        tpu.yield
      }) : () -> ()
      "tpu.region"() ({
        %run_scoped3A = tpu.sem_alloc : memref<!tpu.dma_semaphore, #tpu.memory_space<semaphore_mem>>
        %dma_start3A = tpu.memref_slice %arg9[%add3A_38] : memref<200704xf32, #tpu.memory_space<hbm>> -> memref<1568xf32, #tpu.memory_space<hbm>>
        %dma_start3A_40 = tpu.memref_slice %arg9[%add3A_38] : memref<200704xf32, #tpu.memory_space<hbm>> -> memref<1568xf32, #tpu.memory_space<hbm>>
        tpu.enqueue_dma source(%arg20 : memref<1568xf32, #tpu.memory_space<vmem>>) target(%dma_start3A_40 : memref<1568xf32, #tpu.memory_space<hbm>>) target_semaphore(%run_scoped3A : memref<!tpu.dma_semaphore, #tpu.memory_space<semaphore_mem>>)
        %dma_wait3A = tpu.memref_slice %arg9[%add3A_38] : memref<200704xf32, #tpu.memory_space<hbm>> -> memref<1568xf32, #tpu.memory_space<hbm>>
        %dma_wait3A_41 = tpu.memref_slice %arg9[%add3A_38] : memref<200704xf32, #tpu.memory_space<hbm>> -> memref<1568xf32, #tpu.memory_space<hbm>>
        tpu.wait_dma2 semaphore(%run_scoped3A : memref<!tpu.dma_semaphore, #tpu.memory_space<semaphore_mem>>) src(%arg20 : memref<1568xf32, #tpu.memory_space<vmem>>) dst(%dma_wait3A_41 : memref<1568xf32, #tpu.memory_space<hbm>>)
        tpu.yield
      }) : () -> ()
      %scan3A_39 = arith.constant 0 : i32
      scf.yield %scan3A_39 : i32
    }
    %scan3A_30 = arith.constant 2 : i32
    return
  }
}

#map = affine_map<(d0, d1) -> (0)>
module attributes {stable_mosaic.version = 14 : i64} {
  func.func @_k5_body(%arg0: i32, %arg1: i32, %arg2: memref<1600000xi32, #tpu.memory_space<hbm>>, %arg3: memref<1600000xi32, #tpu.memory_space<hbm>>, %arg4: memref<100352xf32, #tpu.memory_space<hbm>>, %arg5: memref<200704xf32, #tpu.memory_space<hbm>>, %arg6: memref<200704xf32, #tpu.memory_space<hbm>>, %arg7: memref<200704xf32, #tpu.memory_space<hbm>>, %arg8: memref<100352xf32, #tpu.memory_space<hbm>>, %arg9: memref<100352xi32, #tpu.memory_space<hbm>>, %arg10: memref<100352xf32, #tpu.memory_space<hbm>>, %arg11: memref<100352xf32, #tpu.memory_space<hbm>>, %arg12: memref<1600000xf32, #tpu.memory_space<hbm>>, %arg13: memref<2000xi32, #tpu.memory_space<vmem>>, %arg14: memref<2000xi32, #tpu.memory_space<vmem>>, %arg15: memref<2000xf32, #tpu.memory_space<vmem>>, %arg16: memref<2000xf32, #tpu.memory_space<vmem>>, %arg17: memref<2000xf32, #tpu.memory_space<vmem>>, %arg18: memref<2000xf32, #tpu.memory_space<vmem>>, %arg19: memref<2000xf32, #tpu.memory_space<vmem>>, %arg20: memref<2000xf32, #tpu.memory_space<vmem>>, %arg21: memref<2000xf32, #tpu.memory_space<vmem>>, %arg22: memref<6272xf32, #tpu.memory_space<vmem>>, %arg23: memref<6272xf32, #tpu.memory_space<vmem>>, %arg24: memref<6272xf32, #tpu.memory_space<vmem>>, %arg25: memref<6272xf32, #tpu.memory_space<vmem>>, %arg26: memref<6272xf32, #tpu.memory_space<vmem>>, %arg27: memref<6272xf32, #tpu.memory_space<vmem>>, %arg28: memref<6272xf32, #tpu.memory_space<vmem>>, %arg29: memref<6272xf32, #tpu.memory_space<vmem>>, %arg30: memref<6272xi32, #tpu.memory_space<vmem>>, %arg31: memref<6272xf32, #tpu.memory_space<vmem>>, %arg32: memref<6272xf32, #tpu.memory_space<vmem>>, %arg33: memref<6272xf32, #tpu.memory_space<vmem>>, %arg34: memref<6272xf32, #tpu.memory_space<vmem>>, %arg35: memref<!tpu.dma_semaphore, #tpu.memory_space<semaphore_mem>>, %arg36: memref<100352xf32, #tpu.memory_space<vmem_shared>>, %arg37: memref<100352xf32, #tpu.memory_space<vmem_shared>>, %arg38: memref<100352xf32, #tpu.memory_space<vmem_shared>>) attributes {dimension_semantics = [#tpu.dimension_semantics<core_parallel>, #tpu.dimension_semantics<subcore_parallel>], iteration_bounds = array<i64: 2, 16>, scalar_prefetch = 0 : i64, scratch_operands = 26 : i64, tpu.core_type = #tpu.core_type<sc_vector_subcore>, window_params = [{transform_indices = #map}, {transform_indices = #map}, {transform_indices = #map}, {transform_indices = #map}, {transform_indices = #map}, {transform_indices = #map}, {transform_indices = #map}, {transform_indices = #map}, {transform_indices = #map}, {transform_indices = #map}, {transform_indices = #map}]} {
    %mul3A = arith.constant 2 : i32
    %mul3A_0 = arith.muli %arg1, %mul3A : i32
    %add3A = arith.addi %mul3A_0, %arg0 : i32
    %mul3A_1 = arith.constant 6272 : i32
    %mul3A_2 = arith.muli %arg1, %mul3A_1 : i32
    "tpu.region"() ({
      %run_scoped3A = tpu.sem_alloc : memref<!tpu.dma_semaphore, #tpu.memory_space<semaphore_mem>>
      %dma_start3A = tpu.memref_slice %arg5[%mul3A_2] : memref<200704xf32, #tpu.memory_space<hbm>> -> memref<6272xf32, #tpu.memory_space<hbm>>
      %dma_start3A_22 = tpu.memref_slice %arg5[%mul3A_2] : memref<200704xf32, #tpu.memory_space<hbm>> -> memref<6272xf32, #tpu.memory_space<hbm>>
      tpu.enqueue_dma source(%dma_start3A_22 : memref<6272xf32, #tpu.memory_space<hbm>>) target(%arg23 : memref<6272xf32, #tpu.memory_space<vmem>>) target_semaphore(%run_scoped3A : memref<!tpu.dma_semaphore, #tpu.memory_space<semaphore_mem>>)
      %dma_wait3A = tpu.memref_slice %arg5[%mul3A_2] : memref<200704xf32, #tpu.memory_space<hbm>> -> memref<6272xf32, #tpu.memory_space<hbm>>
      %dma_wait3A_23 = tpu.memref_slice %arg5[%mul3A_2] : memref<200704xf32, #tpu.memory_space<hbm>> -> memref<6272xf32, #tpu.memory_space<hbm>>
      tpu.wait_dma2 semaphore(%run_scoped3A : memref<!tpu.dma_semaphore, #tpu.memory_space<semaphore_mem>>) src(%dma_wait3A_23 : memref<6272xf32, #tpu.memory_space<hbm>>) dst(%arg23 : memref<6272xf32, #tpu.memory_space<vmem>>)
      tpu.yield
    }) : () -> ()
    %add3A_3 = arith.constant 100352 : i32
    %add3A_4 = arith.addi %add3A_3, %mul3A_2 : i32
    "tpu.region"() ({
      %run_scoped3A = tpu.sem_alloc : memref<!tpu.dma_semaphore, #tpu.memory_space<semaphore_mem>>
      %dma_start3A = tpu.memref_slice %arg5[%add3A_4] : memref<200704xf32, #tpu.memory_space<hbm>> -> memref<6272xf32, #tpu.memory_space<hbm>>
      %dma_start3A_22 = tpu.memref_slice %arg5[%add3A_4] : memref<200704xf32, #tpu.memory_space<hbm>> -> memref<6272xf32, #tpu.memory_space<hbm>>
      tpu.enqueue_dma source(%dma_start3A_22 : memref<6272xf32, #tpu.memory_space<hbm>>) target(%arg24 : memref<6272xf32, #tpu.memory_space<vmem>>) target_semaphore(%run_scoped3A : memref<!tpu.dma_semaphore, #tpu.memory_space<semaphore_mem>>)
      %dma_wait3A = tpu.memref_slice %arg5[%add3A_4] : memref<200704xf32, #tpu.memory_space<hbm>> -> memref<6272xf32, #tpu.memory_space<hbm>>
      %dma_wait3A_23 = tpu.memref_slice %arg5[%add3A_4] : memref<200704xf32, #tpu.memory_space<hbm>> -> memref<6272xf32, #tpu.memory_space<hbm>>
      tpu.wait_dma2 semaphore(%run_scoped3A : memref<!tpu.dma_semaphore, #tpu.memory_space<semaphore_mem>>) src(%dma_wait3A_23 : memref<6272xf32, #tpu.memory_space<hbm>>) dst(%arg24 : memref<6272xf32, #tpu.memory_space<vmem>>)
      tpu.yield
    }) : () -> ()
    "tpu.region"() ({
      %run_scoped3A = tpu.sem_alloc : memref<!tpu.dma_semaphore, #tpu.memory_space<semaphore_mem>>
      %dma_start3A = tpu.memref_slice %arg6[%mul3A_2] : memref<200704xf32, #tpu.memory_space<hbm>> -> memref<6272xf32, #tpu.memory_space<hbm>>
      %dma_start3A_22 = tpu.memref_slice %arg6[%mul3A_2] : memref<200704xf32, #tpu.memory_space<hbm>> -> memref<6272xf32, #tpu.memory_space<hbm>>
      tpu.enqueue_dma source(%dma_start3A_22 : memref<6272xf32, #tpu.memory_space<hbm>>) target(%arg25 : memref<6272xf32, #tpu.memory_space<vmem>>) target_semaphore(%run_scoped3A : memref<!tpu.dma_semaphore, #tpu.memory_space<semaphore_mem>>)
      %dma_wait3A = tpu.memref_slice %arg6[%mul3A_2] : memref<200704xf32, #tpu.memory_space<hbm>> -> memref<6272xf32, #tpu.memory_space<hbm>>
      %dma_wait3A_23 = tpu.memref_slice %arg6[%mul3A_2] : memref<200704xf32, #tpu.memory_space<hbm>> -> memref<6272xf32, #tpu.memory_space<hbm>>
      tpu.wait_dma2 semaphore(%run_scoped3A : memref<!tpu.dma_semaphore, #tpu.memory_space<semaphore_mem>>) src(%dma_wait3A_23 : memref<6272xf32, #tpu.memory_space<hbm>>) dst(%arg25 : memref<6272xf32, #tpu.memory_space<vmem>>)
      tpu.yield
    }) : () -> ()
    %add3A_5 = arith.constant 100352 : i32
    %add3A_6 = arith.addi %add3A_5, %mul3A_2 : i32
    "tpu.region"() ({
      %run_scoped3A = tpu.sem_alloc : memref<!tpu.dma_semaphore, #tpu.memory_space<semaphore_mem>>
      %dma_start3A = tpu.memref_slice %arg6[%add3A_6] : memref<200704xf32, #tpu.memory_space<hbm>> -> memref<6272xf32, #tpu.memory_space<hbm>>
      %dma_start3A_22 = tpu.memref_slice %arg6[%add3A_6] : memref<200704xf32, #tpu.memory_space<hbm>> -> memref<6272xf32, #tpu.memory_space<hbm>>
      tpu.enqueue_dma source(%dma_start3A_22 : memref<6272xf32, #tpu.memory_space<hbm>>) target(%arg26 : memref<6272xf32, #tpu.memory_space<vmem>>) target_semaphore(%run_scoped3A : memref<!tpu.dma_semaphore, #tpu.memory_space<semaphore_mem>>)
      %dma_wait3A = tpu.memref_slice %arg6[%add3A_6] : memref<200704xf32, #tpu.memory_space<hbm>> -> memref<6272xf32, #tpu.memory_space<hbm>>
      %dma_wait3A_23 = tpu.memref_slice %arg6[%add3A_6] : memref<200704xf32, #tpu.memory_space<hbm>> -> memref<6272xf32, #tpu.memory_space<hbm>>
      tpu.wait_dma2 semaphore(%run_scoped3A : memref<!tpu.dma_semaphore, #tpu.memory_space<semaphore_mem>>) src(%dma_wait3A_23 : memref<6272xf32, #tpu.memory_space<hbm>>) dst(%arg26 : memref<6272xf32, #tpu.memory_space<vmem>>)
      tpu.yield
    }) : () -> ()
    "tpu.region"() ({
      %run_scoped3A = tpu.sem_alloc : memref<!tpu.dma_semaphore, #tpu.memory_space<semaphore_mem>>
      %dma_start3A = tpu.memref_slice %arg7[%mul3A_2] : memref<200704xf32, #tpu.memory_space<hbm>> -> memref<6272xf32, #tpu.memory_space<hbm>>
      %dma_start3A_22 = tpu.memref_slice %arg7[%mul3A_2] : memref<200704xf32, #tpu.memory_space<hbm>> -> memref<6272xf32, #tpu.memory_space<hbm>>
      tpu.enqueue_dma source(%dma_start3A_22 : memref<6272xf32, #tpu.memory_space<hbm>>) target(%arg27 : memref<6272xf32, #tpu.memory_space<vmem>>) target_semaphore(%run_scoped3A : memref<!tpu.dma_semaphore, #tpu.memory_space<semaphore_mem>>)
      %dma_wait3A = tpu.memref_slice %arg7[%mul3A_2] : memref<200704xf32, #tpu.memory_space<hbm>> -> memref<6272xf32, #tpu.memory_space<hbm>>
      %dma_wait3A_23 = tpu.memref_slice %arg7[%mul3A_2] : memref<200704xf32, #tpu.memory_space<hbm>> -> memref<6272xf32, #tpu.memory_space<hbm>>
      tpu.wait_dma2 semaphore(%run_scoped3A : memref<!tpu.dma_semaphore, #tpu.memory_space<semaphore_mem>>) src(%dma_wait3A_23 : memref<6272xf32, #tpu.memory_space<hbm>>) dst(%arg27 : memref<6272xf32, #tpu.memory_space<vmem>>)
      tpu.yield
    }) : () -> ()
    %add3A_7 = arith.constant 100352 : i32
    %add3A_8 = arith.addi %add3A_7, %mul3A_2 : i32
    "tpu.region"() ({
      %run_scoped3A = tpu.sem_alloc : memref<!tpu.dma_semaphore, #tpu.memory_space<semaphore_mem>>
      %dma_start3A = tpu.memref_slice %arg7[%add3A_8] : memref<200704xf32, #tpu.memory_space<hbm>> -> memref<6272xf32, #tpu.memory_space<hbm>>
      %dma_start3A_22 = tpu.memref_slice %arg7[%add3A_8] : memref<200704xf32, #tpu.memory_space<hbm>> -> memref<6272xf32, #tpu.memory_space<hbm>>
      tpu.enqueue_dma source(%dma_start3A_22 : memref<6272xf32, #tpu.memory_space<hbm>>) target(%arg28 : memref<6272xf32, #tpu.memory_space<vmem>>) target_semaphore(%run_scoped3A : memref<!tpu.dma_semaphore, #tpu.memory_space<semaphore_mem>>)
      %dma_wait3A = tpu.memref_slice %arg7[%add3A_8] : memref<200704xf32, #tpu.memory_space<hbm>> -> memref<6272xf32, #tpu.memory_space<hbm>>
      %dma_wait3A_23 = tpu.memref_slice %arg7[%add3A_8] : memref<200704xf32, #tpu.memory_space<hbm>> -> memref<6272xf32, #tpu.memory_space<hbm>>
      tpu.wait_dma2 semaphore(%run_scoped3A : memref<!tpu.dma_semaphore, #tpu.memory_space<semaphore_mem>>) src(%dma_wait3A_23 : memref<6272xf32, #tpu.memory_space<hbm>>) dst(%arg28 : memref<6272xf32, #tpu.memory_space<vmem>>)
      tpu.yield
    }) : () -> ()
    "tpu.region"() ({
      %run_scoped3A = tpu.sem_alloc : memref<!tpu.dma_semaphore, #tpu.memory_space<semaphore_mem>>
      %dma_start3A = tpu.memref_slice %arg8[%mul3A_2] : memref<100352xf32, #tpu.memory_space<hbm>> -> memref<6272xf32, #tpu.memory_space<hbm>>
      %dma_start3A_22 = tpu.memref_slice %arg8[%mul3A_2] : memref<100352xf32, #tpu.memory_space<hbm>> -> memref<6272xf32, #tpu.memory_space<hbm>>
      tpu.enqueue_dma source(%dma_start3A_22 : memref<6272xf32, #tpu.memory_space<hbm>>) target(%arg29 : memref<6272xf32, #tpu.memory_space<vmem>>) target_semaphore(%run_scoped3A : memref<!tpu.dma_semaphore, #tpu.memory_space<semaphore_mem>>)
      %dma_wait3A = tpu.memref_slice %arg8[%mul3A_2] : memref<100352xf32, #tpu.memory_space<hbm>> -> memref<6272xf32, #tpu.memory_space<hbm>>
      %dma_wait3A_23 = tpu.memref_slice %arg8[%mul3A_2] : memref<100352xf32, #tpu.memory_space<hbm>> -> memref<6272xf32, #tpu.memory_space<hbm>>
      tpu.wait_dma2 semaphore(%run_scoped3A : memref<!tpu.dma_semaphore, #tpu.memory_space<semaphore_mem>>) src(%dma_wait3A_23 : memref<6272xf32, #tpu.memory_space<hbm>>) dst(%arg29 : memref<6272xf32, #tpu.memory_space<vmem>>)
      tpu.yield
    }) : () -> ()
    "tpu.region"() ({
      %run_scoped3A = tpu.sem_alloc : memref<!tpu.dma_semaphore, #tpu.memory_space<semaphore_mem>>
      %dma_start3A = tpu.memref_slice %arg9[%mul3A_2] : memref<100352xi32, #tpu.memory_space<hbm>> -> memref<6272xi32, #tpu.memory_space<hbm>>
      %dma_start3A_22 = tpu.memref_slice %arg9[%mul3A_2] : memref<100352xi32, #tpu.memory_space<hbm>> -> memref<6272xi32, #tpu.memory_space<hbm>>
      tpu.enqueue_dma source(%dma_start3A_22 : memref<6272xi32, #tpu.memory_space<hbm>>) target(%arg30 : memref<6272xi32, #tpu.memory_space<vmem>>) target_semaphore(%run_scoped3A : memref<!tpu.dma_semaphore, #tpu.memory_space<semaphore_mem>>)
      %dma_wait3A = tpu.memref_slice %arg9[%mul3A_2] : memref<100352xi32, #tpu.memory_space<hbm>> -> memref<6272xi32, #tpu.memory_space<hbm>>
      %dma_wait3A_23 = tpu.memref_slice %arg9[%mul3A_2] : memref<100352xi32, #tpu.memory_space<hbm>> -> memref<6272xi32, #tpu.memory_space<hbm>>
      tpu.wait_dma2 semaphore(%run_scoped3A : memref<!tpu.dma_semaphore, #tpu.memory_space<semaphore_mem>>) src(%dma_wait3A_23 : memref<6272xi32, #tpu.memory_space<hbm>>) dst(%arg30 : memref<6272xi32, #tpu.memory_space<vmem>>)
      tpu.yield
    }) : () -> ()
    "tpu.region"() ({
      %run_scoped3A = tpu.sem_alloc : memref<!tpu.dma_semaphore, #tpu.memory_space<semaphore_mem>>
      %dma_start3A = tpu.memref_slice %arg10[%mul3A_2] : memref<100352xf32, #tpu.memory_space<hbm>> -> memref<6272xf32, #tpu.memory_space<hbm>>
      %dma_start3A_22 = tpu.memref_slice %arg10[%mul3A_2] : memref<100352xf32, #tpu.memory_space<hbm>> -> memref<6272xf32, #tpu.memory_space<hbm>>
      tpu.enqueue_dma source(%dma_start3A_22 : memref<6272xf32, #tpu.memory_space<hbm>>) target(%arg31 : memref<6272xf32, #tpu.memory_space<vmem>>) target_semaphore(%run_scoped3A : memref<!tpu.dma_semaphore, #tpu.memory_space<semaphore_mem>>)
      %dma_wait3A = tpu.memref_slice %arg10[%mul3A_2] : memref<100352xf32, #tpu.memory_space<hbm>> -> memref<6272xf32, #tpu.memory_space<hbm>>
      %dma_wait3A_23 = tpu.memref_slice %arg10[%mul3A_2] : memref<100352xf32, #tpu.memory_space<hbm>> -> memref<6272xf32, #tpu.memory_space<hbm>>
      tpu.wait_dma2 semaphore(%run_scoped3A : memref<!tpu.dma_semaphore, #tpu.memory_space<semaphore_mem>>) src(%dma_wait3A_23 : memref<6272xf32, #tpu.memory_space<hbm>>) dst(%arg31 : memref<6272xf32, #tpu.memory_space<vmem>>)
      tpu.yield
    }) : () -> ()
    "tpu.region"() ({
      %run_scoped3A = tpu.sem_alloc : memref<!tpu.dma_semaphore, #tpu.memory_space<semaphore_mem>>
      %dma_start3A = tpu.memref_slice %arg11[%mul3A_2] : memref<100352xf32, #tpu.memory_space<hbm>> -> memref<6272xf32, #tpu.memory_space<hbm>>
      %dma_start3A_22 = tpu.memref_slice %arg11[%mul3A_2] : memref<100352xf32, #tpu.memory_space<hbm>> -> memref<6272xf32, #tpu.memory_space<hbm>>
      tpu.enqueue_dma source(%dma_start3A_22 : memref<6272xf32, #tpu.memory_space<hbm>>) target(%arg32 : memref<6272xf32, #tpu.memory_space<vmem>>) target_semaphore(%run_scoped3A : memref<!tpu.dma_semaphore, #tpu.memory_space<semaphore_mem>>)
      %dma_wait3A = tpu.memref_slice %arg11[%mul3A_2] : memref<100352xf32, #tpu.memory_space<hbm>> -> memref<6272xf32, #tpu.memory_space<hbm>>
      %dma_wait3A_23 = tpu.memref_slice %arg11[%mul3A_2] : memref<100352xf32, #tpu.memory_space<hbm>> -> memref<6272xf32, #tpu.memory_space<hbm>>
      tpu.wait_dma2 semaphore(%run_scoped3A : memref<!tpu.dma_semaphore, #tpu.memory_space<semaphore_mem>>) src(%dma_wait3A_23 : memref<6272xf32, #tpu.memory_space<hbm>>) dst(%arg32 : memref<6272xf32, #tpu.memory_space<vmem>>)
      tpu.yield
    }) : () -> ()
    %scan3A = arith.constant 0 : i32
    %scan3A_9 = arith.constant 0 : i32
    %scan3A_10 = arith.constant 392 : i32
    %scan3A_11 = arith.addi %scan3A_9, %scan3A_10 : i32
    %scan3A_12 = arith.constant 1 : i32
    %scan3A_13 = scf.for %scan3A_22 = %scan3A_9 to %scan3A_11 step %scan3A_12 iter_args(%scan3A_23 = %scan3A) -> (i32)  : i32 {
      %mul3A_24 = arith.constant 16 : i32
      %mul3A_25 = arith.muli %scan3A_22, %mul3A_24 : i32
      %get3A = arith.index_cast %mul3A_25 : i32 to index
      %get3A_26 = tpu.vector_load %arg29[%get3A] {strides = array<i32>} : memref<6272xf32, #tpu.memory_space<vmem>>, vector<16xf32>,
      %get3A_27 = arith.index_cast %mul3A_25 : i32 to index
      %get3A_28 = tpu.vector_load %arg23[%get3A_27] {strides = array<i32>} : memref<6272xf32, #tpu.memory_space<vmem>>, vector<16xf32>,
      %add3A_29 = arith.addf %get3A_26, %get3A_28 : vector<16xf32>
      %get3A_30 = arith.index_cast %mul3A_25 : i32 to index
      %get3A_31 = tpu.vector_load %arg24[%get3A_30] {strides = array<i32>} : memref<6272xf32, #tpu.memory_space<vmem>>, vector<16xf32>,
      %add3A_32 = arith.addf %add3A_29, %get3A_31 : vector<16xf32>
      %get3A_33 = arith.index_cast %mul3A_25 : i32 to index
      %get3A_34 = tpu.vector_load %arg30[%get3A_33] {strides = array<i32>} : memref<6272xi32, #tpu.memory_space<vmem>>, vector<16xi32>,
      %ne3A = arith.constant 0 : i32
      %ne3A_35 = vector.broadcast %ne3A : i32 to vector<16xi32>
      %ne3A_36 = arith.cmpi ne, %get3A_34, %ne3A_35 : vector<16xi32>
      %jit3A = arith.constant 0.000000e+00 : f32
      %broadcast_in_dim3A = vector.broadcast %jit3A : f32 to vector<16xf32>
      %select_n3A = arith.select %ne3A_36, %broadcast_in_dim3A, %add3A_32 : vector<16xi1>, vector<16xf32>
      %bitcast3A = vector.bitcast %select_n3A : vector<16xf32> to vector<16xi32>
      %get3A_37 = arith.index_cast %mul3A_25 : i32 to index
      %get3A_38 = tpu.vector_load %arg32[%get3A_37] {strides = array<i32>} : memref<6272xf32, #tpu.memory_space<vmem>>, vector<16xf32>,
      %gt3A = arith.constant 5.000000e-01 : f32
      %gt3A_39 = vector.broadcast %gt3A : f32 to vector<16xf32>
      %gt3A_40 = arith.cmpf ogt, %get3A_38, %gt3A_39 : vector<16xf32>
      %or3A = arith.constant -2147483648 : i32
      %or3A_41 = vector.broadcast %or3A : i32 to vector<16xi32>
      %or3A_42 = arith.ori %bitcast3A, %or3A_41 : vector<16xi32>
      %select_n3A_43 = arith.select %gt3A_40, %or3A_42, %bitcast3A : vector<16xi1>, vector<16xi32>
      %bitcast3A_44 = vector.bitcast %select_n3A_43 : vector<16xi32> to vector<16xf32>
      %swap3A = arith.index_cast %mul3A_25 : i32 to index
      %swap3A_45 = tpu.vector_load %arg33[%swap3A] {strides = array<i32>} : memref<6272xf32, #tpu.memory_space<vmem>>, vector<16xf32>,
      tpu.vector_store %arg33[%swap3A], %bitcast3A_44 {strides = array<i32>} : memref<6272xf32, #tpu.memory_space<vmem>>, vector<16xf32>,
      %get3A_46 = arith.index_cast %mul3A_25 : i32 to index
      %get3A_47 = tpu.vector_load %arg25[%get3A_46] {strides = array<i32>} : memref<6272xf32, #tpu.memory_space<vmem>>, vector<16xf32>,
      %get3A_48 = arith.index_cast %mul3A_25 : i32 to index
      %get3A_49 = tpu.vector_load %arg26[%get3A_48] {strides = array<i32>} : memref<6272xf32, #tpu.memory_space<vmem>>, vector<16xf32>,
      %add3A_50 = arith.addf %get3A_47, %get3A_49 : vector<16xf32>
      %get3A_51 = arith.index_cast %mul3A_25 : i32 to index
      %get3A_52 = tpu.vector_load %arg27[%get3A_51] {strides = array<i32>} : memref<6272xf32, #tpu.memory_space<vmem>>, vector<16xf32>,
      %get3A_53 = arith.index_cast %mul3A_25 : i32 to index
      %get3A_54 = tpu.vector_load %arg28[%get3A_53] {strides = array<i32>} : memref<6272xf32, #tpu.memory_space<vmem>>, vector<16xf32>,
      %add3A_55 = arith.addf %get3A_52, %get3A_54 : vector<16xf32>
      %max3A = arith.constant 1.000000e+00 : f32
      %max3A_56 = vector.broadcast %max3A : f32 to vector<16xf32>
      %max3A_57 = arith.maximumf %add3A_55, %max3A_56 : vector<16xf32>
      %div3A = arith.divf %add3A_50, %max3A_57 : vector<16xf32>
      %abs3A = math.absf %div3A : vector<16xf32>
      %mul3A_58 = arith.constant 3.16887636E-8 : f32
      %mul3A_59 = vector.broadcast %mul3A_58 : f32 to vector<16xf32>
      %mul3A_60 = arith.mulf %abs3A, %mul3A_59 : vector<16xf32>
      %get3A_61 = arith.index_cast %mul3A_25 : i32 to index
      %get3A_62 = tpu.vector_load %arg31[%get3A_61] {strides = array<i32>} : memref<6272xf32, #tpu.memory_space<vmem>>, vector<16xf32>,
      %mul3A_63 = arith.mulf %mul3A_60, %mul3A_60 : vector<16xf32>
      %mul3A_64 = arith.constant 1.000000e-01 : f32
      %mul3A_65 = vector.broadcast %mul3A_64 : f32 to vector<16xf32>
      %mul3A_66 = arith.mulf %mul3A_63, %mul3A_65 : vector<16xf32>
      %mul3A_67 = arith.constant 5.000000e-25 : f32
      %mul3A_68 = vector.broadcast %mul3A_67 : f32 to vector<16xf32>
      %mul3A_69 = arith.mulf %mul3A_68, %get3A_62 : vector<16xf32>
      %mul3A_70 = arith.mulf %mul3A_69, %get3A_62 : vector<16xf32>
      %mul3A_71 = arith.mulf %mul3A_70, %get3A_62 : vector<16xf32>
      %mul3A_72 = arith.constant 4.000000e+00 : f32
      %mul3A_73 = vector.broadcast %mul3A_72 : f32 to vector<16xf32>
      %mul3A_74 = arith.mulf %mul3A_71, %mul3A_73 : vector<16xf32>
      %add3A_75 = arith.constant 1.000000e-30 : f32
      %add3A_76 = vector.broadcast %add3A_75 : f32 to vector<16xf32>
      %add3A_77 = arith.addf %mul3A_74, %add3A_76 : vector<16xf32>
      %div3A_78 = arith.divf %mul3A_66, %add3A_77 : vector<16xf32>
      %swap3A_79 = arith.index_cast %mul3A_25 : i32 to index
      %swap3A_80 = tpu.vector_load %arg34[%swap3A_79] {strides = array<i32>} : memref<6272xf32, #tpu.memory_space<vmem>>, vector<16xf32>,
      tpu.vector_store %arg34[%swap3A_79], %div3A_78 {strides = array<i32>} : memref<6272xf32, #tpu.memory_space<vmem>>, vector<16xf32>,
      %scan3A_81 = arith.constant 0 : i32
      scf.yield %scan3A_81 : i32
    }
    %scan3A_14 = arith.constant 392 : i32
    "tpu.region"() ({
      %run_scoped3A = tpu.sem_alloc : memref<!tpu.dma_semaphore, #tpu.memory_space<semaphore_mem>>
      %dma_start3A = tpu.memref_slice %arg38[%mul3A_2] : memref<100352xf32, #tpu.memory_space<vmem_shared>> -> memref<6272xf32, #tpu.memory_space<vmem_shared>>
      %dma_start3A_22 = tpu.memref_slice %arg38[%mul3A_2] : memref<100352xf32, #tpu.memory_space<vmem_shared>> -> memref<6272xf32, #tpu.memory_space<vmem_shared>>
      tpu.enqueue_dma source(%arg33 : memref<6272xf32, #tpu.memory_space<vmem>>) target(%dma_start3A_22 : memref<6272xf32, #tpu.memory_space<vmem_shared>>) target_semaphore(%run_scoped3A : memref<!tpu.dma_semaphore, #tpu.memory_space<semaphore_mem>>)
      %dma_wait3A = tpu.memref_slice %arg38[%mul3A_2] : memref<100352xf32, #tpu.memory_space<vmem_shared>> -> memref<6272xf32, #tpu.memory_space<vmem_shared>>
      %dma_wait3A_23 = tpu.memref_slice %arg38[%mul3A_2] : memref<100352xf32, #tpu.memory_space<vmem_shared>> -> memref<6272xf32, #tpu.memory_space<vmem_shared>>
      tpu.wait_dma2 semaphore(%run_scoped3A : memref<!tpu.dma_semaphore, #tpu.memory_space<semaphore_mem>>) src(%arg33 : memref<6272xf32, #tpu.memory_space<vmem>>) dst(%dma_wait3A_23 : memref<6272xf32, #tpu.memory_space<vmem_shared>>)
      tpu.yield
    }) : () -> ()
    "tpu.region"() ({
      %run_scoped3A = tpu.sem_alloc : memref<!tpu.dma_semaphore, #tpu.memory_space<semaphore_mem>>
      %dma_start3A = tpu.memref_slice %arg37[%mul3A_2] : memref<100352xf32, #tpu.memory_space<vmem_shared>> -> memref<6272xf32, #tpu.memory_space<vmem_shared>>
      %dma_start3A_22 = tpu.memref_slice %arg37[%mul3A_2] : memref<100352xf32, #tpu.memory_space<vmem_shared>> -> memref<6272xf32, #tpu.memory_space<vmem_shared>>
      tpu.enqueue_dma source(%arg34 : memref<6272xf32, #tpu.memory_space<vmem>>) target(%dma_start3A_22 : memref<6272xf32, #tpu.memory_space<vmem_shared>>) target_semaphore(%run_scoped3A : memref<!tpu.dma_semaphore, #tpu.memory_space<semaphore_mem>>)
      %dma_wait3A = tpu.memref_slice %arg37[%mul3A_2] : memref<100352xf32, #tpu.memory_space<vmem_shared>> -> memref<6272xf32, #tpu.memory_space<vmem_shared>>
      %dma_wait3A_23 = tpu.memref_slice %arg37[%mul3A_2] : memref<100352xf32, #tpu.memory_space<vmem_shared>> -> memref<6272xf32, #tpu.memory_space<vmem_shared>>
      tpu.wait_dma2 semaphore(%run_scoped3A : memref<!tpu.dma_semaphore, #tpu.memory_space<semaphore_mem>>) src(%arg34 : memref<6272xf32, #tpu.memory_space<vmem>>) dst(%dma_wait3A_23 : memref<6272xf32, #tpu.memory_space<vmem_shared>>)
      tpu.yield
    }) : () -> ()
    "tpu.region"() ({
      %run_scoped3A = tpu.sem_alloc : memref<!tpu.dma_semaphore, #tpu.memory_space<semaphore_mem>>
      %dma_start3A = tpu.memref_slice %arg4[%mul3A_2] : memref<100352xf32, #tpu.memory_space<hbm>> -> memref<6272xf32, #tpu.memory_space<hbm>>
      %dma_start3A_22 = tpu.memref_slice %arg4[%mul3A_2] : memref<100352xf32, #tpu.memory_space<hbm>> -> memref<6272xf32, #tpu.memory_space<hbm>>
      tpu.enqueue_dma source(%dma_start3A_22 : memref<6272xf32, #tpu.memory_space<hbm>>) target(%arg22 : memref<6272xf32, #tpu.memory_space<vmem>>) target_semaphore(%run_scoped3A : memref<!tpu.dma_semaphore, #tpu.memory_space<semaphore_mem>>)
      %dma_wait3A = tpu.memref_slice %arg4[%mul3A_2] : memref<100352xf32, #tpu.memory_space<hbm>> -> memref<6272xf32, #tpu.memory_space<hbm>>
      %dma_wait3A_23 = tpu.memref_slice %arg4[%mul3A_2] : memref<100352xf32, #tpu.memory_space<hbm>> -> memref<6272xf32, #tpu.memory_space<hbm>>
      tpu.wait_dma2 semaphore(%run_scoped3A : memref<!tpu.dma_semaphore, #tpu.memory_space<semaphore_mem>>) src(%dma_wait3A_23 : memref<6272xf32, #tpu.memory_space<hbm>>) dst(%arg22 : memref<6272xf32, #tpu.memory_space<vmem>>)
      tpu.yield
    }) : () -> ()
    "tpu.region"() ({
      %run_scoped3A = tpu.sem_alloc : memref<!tpu.dma_semaphore, #tpu.memory_space<semaphore_mem>>
      %dma_start3A = tpu.memref_slice %arg36[%mul3A_2] : memref<100352xf32, #tpu.memory_space<vmem_shared>> -> memref<6272xf32, #tpu.memory_space<vmem_shared>>
      %dma_start3A_22 = tpu.memref_slice %arg36[%mul3A_2] : memref<100352xf32, #tpu.memory_space<vmem_shared>> -> memref<6272xf32, #tpu.memory_space<vmem_shared>>
      tpu.enqueue_dma source(%arg22 : memref<6272xf32, #tpu.memory_space<vmem>>) target(%dma_start3A_22 : memref<6272xf32, #tpu.memory_space<vmem_shared>>) target_semaphore(%run_scoped3A : memref<!tpu.dma_semaphore, #tpu.memory_space<semaphore_mem>>)
      %dma_wait3A = tpu.memref_slice %arg36[%mul3A_2] : memref<100352xf32, #tpu.memory_space<vmem_shared>> -> memref<6272xf32, #tpu.memory_space<vmem_shared>>
      %dma_wait3A_23 = tpu.memref_slice %arg36[%mul3A_2] : memref<100352xf32, #tpu.memory_space<vmem_shared>> -> memref<6272xf32, #tpu.memory_space<vmem_shared>>
      tpu.wait_dma2 semaphore(%run_scoped3A : memref<!tpu.dma_semaphore, #tpu.memory_space<semaphore_mem>>) src(%arg22 : memref<6272xf32, #tpu.memory_space<vmem>>) dst(%dma_wait3A_23 : memref<6272xf32, #tpu.memory_space<vmem_shared>>)
      tpu.yield
    }) : () -> ()
    %barrier3A = arith.constant 0 : index
    tpu.barrier barrier_id(%barrier3A)
    %scan3A_15 = arith.constant 0 : i32
    %scan3A_16 = arith.constant 0 : i32
    %scan3A_17 = arith.constant 25 : i32
    %scan3A_18 = arith.addi %scan3A_16, %scan3A_17 : i32
    %scan3A_19 = arith.constant 1 : i32
    %scan3A_20 = scf.for %scan3A_22 = %scan3A_16 to %scan3A_18 step %scan3A_19 iter_args(%scan3A_23 = %scan3A_15) -> (i32)  : i32 {
      %mul3A_24 = arith.constant 50000 : i32
      %mul3A_25 = arith.muli %add3A, %mul3A_24 : i32
      %mul3A_26 = arith.constant 2000 : i32
      %mul3A_27 = arith.muli %scan3A_22, %mul3A_26 : i32
      %add3A_28 = arith.addi %mul3A_25, %mul3A_27 : i32
      %dma_start3A = tpu.memref_slice %arg2[%add3A_28] : memref<1600000xi32, #tpu.memory_space<hbm>> -> memref<2000xi32, #tpu.memory_space<hbm>>
      %dma_start3A_29 = tpu.memref_slice %arg2[%add3A_28] : memref<1600000xi32, #tpu.memory_space<hbm>> -> memref<2000xi32, #tpu.memory_space<hbm>>
      tpu.enqueue_dma source(%dma_start3A_29 : memref<2000xi32, #tpu.memory_space<hbm>>) target(%arg13 : memref<2000xi32, #tpu.memory_space<vmem>>) target_semaphore(%arg35 : memref<!tpu.dma_semaphore, #tpu.memory_space<semaphore_mem>>)
      %dma_start3A_30 = tpu.memref_slice %arg3[%add3A_28] : memref<1600000xi32, #tpu.memory_space<hbm>> -> memref<2000xi32, #tpu.memory_space<hbm>>
      %dma_start3A_31 = tpu.memref_slice %arg3[%add3A_28] : memref<1600000xi32, #tpu.memory_space<hbm>> -> memref<2000xi32, #tpu.memory_space<hbm>>
      tpu.enqueue_dma source(%dma_start3A_31 : memref<2000xi32, #tpu.memory_space<hbm>>) target(%arg14 : memref<2000xi32, #tpu.memory_space<vmem>>) target_semaphore(%arg35 : memref<!tpu.dma_semaphore, #tpu.memory_space<semaphore_mem>>)
      %dma_wait3A = tpu.memref_slice %arg2[%add3A_28] : memref<1600000xi32, #tpu.memory_space<hbm>> -> memref<2000xi32, #tpu.memory_space<hbm>>
      %dma_wait3A_32 = tpu.memref_slice %arg2[%add3A_28] : memref<1600000xi32, #tpu.memory_space<hbm>> -> memref<2000xi32, #tpu.memory_space<hbm>>
      tpu.wait_dma2 semaphore(%arg35 : memref<!tpu.dma_semaphore, #tpu.memory_space<semaphore_mem>>) src(%dma_wait3A_32 : memref<2000xi32, #tpu.memory_space<hbm>>) dst(%arg13 : memref<2000xi32, #tpu.memory_space<vmem>>)
      %dma_wait3A_33 = tpu.memref_slice %arg3[%add3A_28] : memref<1600000xi32, #tpu.memory_space<hbm>> -> memref<2000xi32, #tpu.memory_space<hbm>>
      %dma_wait3A_34 = tpu.memref_slice %arg3[%add3A_28] : memref<1600000xi32, #tpu.memory_space<hbm>> -> memref<2000xi32, #tpu.memory_space<hbm>>
      tpu.wait_dma2 semaphore(%arg35 : memref<!tpu.dma_semaphore, #tpu.memory_space<semaphore_mem>>) src(%dma_wait3A_34 : memref<2000xi32, #tpu.memory_space<hbm>>) dst(%arg14 : memref<2000xi32, #tpu.memory_space<vmem>>)
      %dma_start3A_35 = arith.constant 0 : i32
      %dma_start3A_36 = tpu.memref_slice %arg36[%dma_start3A_35] : memref<100352xf32, #tpu.memory_space<vmem_shared>> -> memref<100352xf32, #tpu.memory_space<vmem_shared>>
      tpu.enqueue_indirect_dma source(%dma_start3A_36 : memref<100352xf32, #tpu.memory_space<vmem_shared>>) target(%arg15 : memref<2000xf32, #tpu.memory_space<vmem>>) offsets(%arg13 : memref<2000xi32, #tpu.memory_space<vmem>>) semaphore(%arg35 : memref<!tpu.dma_semaphore, #tpu.memory_space<semaphore_mem>>)
      %dma_start3A_37 = arith.constant 0 : i32
      %dma_start3A_38 = tpu.memref_slice %arg36[%dma_start3A_37] : memref<100352xf32, #tpu.memory_space<vmem_shared>> -> memref<100352xf32, #tpu.memory_space<vmem_shared>>
      tpu.enqueue_indirect_dma source(%dma_start3A_38 : memref<100352xf32, #tpu.memory_space<vmem_shared>>) target(%arg16 : memref<2000xf32, #tpu.memory_space<vmem>>) offsets(%arg14 : memref<2000xi32, #tpu.memory_space<vmem>>) semaphore(%arg35 : memref<!tpu.dma_semaphore, #tpu.memory_space<semaphore_mem>>)
      %dma_start3A_39 = arith.constant 0 : i32
      %dma_start3A_40 = tpu.memref_slice %arg37[%dma_start3A_39] : memref<100352xf32, #tpu.memory_space<vmem_shared>> -> memref<100352xf32, #tpu.memory_space<vmem_shared>>
      tpu.enqueue_indirect_dma source(%dma_start3A_40 : memref<100352xf32, #tpu.memory_space<vmem_shared>>) target(%arg17 : memref<2000xf32, #tpu.memory_space<vmem>>) offsets(%arg13 : memref<2000xi32, #tpu.memory_space<vmem>>) semaphore(%arg35 : memref<!tpu.dma_semaphore, #tpu.memory_space<semaphore_mem>>)
      %dma_start3A_41 = arith.constant 0 : i32
      %dma_start3A_42 = tpu.memref_slice %arg37[%dma_start3A_41] : memref<100352xf32, #tpu.memory_space<vmem_shared>> -> memref<100352xf32, #tpu.memory_space<vmem_shared>>
      tpu.enqueue_indirect_dma source(%dma_start3A_42 : memref<100352xf32, #tpu.memory_space<vmem_shared>>) target(%arg18 : memref<2000xf32, #tpu.memory_space<vmem>>) offsets(%arg14 : memref<2000xi32, #tpu.memory_space<vmem>>) semaphore(%arg35 : memref<!tpu.dma_semaphore, #tpu.memory_space<semaphore_mem>>)
      %dma_start3A_43 = arith.constant 0 : i32
      %dma_start3A_44 = tpu.memref_slice %arg38[%dma_start3A_43] : memref<100352xf32, #tpu.memory_space<vmem_shared>> -> memref<100352xf32, #tpu.memory_space<vmem_shared>>
      tpu.enqueue_indirect_dma source(%dma_start3A_44 : memref<100352xf32, #tpu.memory_space<vmem_shared>>) target(%arg19 : memref<2000xf32, #tpu.memory_space<vmem>>) offsets(%arg13 : memref<2000xi32, #tpu.memory_space<vmem>>) semaphore(%arg35 : memref<!tpu.dma_semaphore, #tpu.memory_space<semaphore_mem>>)
      %dma_start3A_45 = arith.constant 0 : i32
      %dma_start3A_46 = tpu.memref_slice %arg38[%dma_start3A_45] : memref<100352xf32, #tpu.memory_space<vmem_shared>> -> memref<100352xf32, #tpu.memory_space<vmem_shared>>
      tpu.enqueue_indirect_dma source(%dma_start3A_46 : memref<100352xf32, #tpu.memory_space<vmem_shared>>) target(%arg20 : memref<2000xf32, #tpu.memory_space<vmem>>) offsets(%arg14 : memref<2000xi32, #tpu.memory_space<vmem>>) semaphore(%arg35 : memref<!tpu.dma_semaphore, #tpu.memory_space<semaphore_mem>>)
      %dma_wait3A_47 = arith.constant 0 : i32
      %dma_wait3A_48 = tpu.memref_slice %arg36[%dma_wait3A_47] : memref<100352xf32, #tpu.memory_space<vmem_shared>> -> memref<100352xf32, #tpu.memory_space<vmem_shared>>
      tpu.wait_indirect_dma semaphore(%arg35 : memref<!tpu.dma_semaphore, #tpu.memory_space<semaphore_mem>>) src(%dma_wait3A_48 : memref<100352xf32, #tpu.memory_space<vmem_shared>>) dst(%arg15 : memref<2000xf32, #tpu.memory_space<vmem>>)
      %dma_wait3A_49 = arith.constant 0 : i32
      %dma_wait3A_50 = tpu.memref_slice %arg36[%dma_wait3A_49] : memref<100352xf32, #tpu.memory_space<vmem_shared>> -> memref<100352xf32, #tpu.memory_space<vmem_shared>>
      tpu.wait_indirect_dma semaphore(%arg35 : memref<!tpu.dma_semaphore, #tpu.memory_space<semaphore_mem>>) src(%dma_wait3A_50 : memref<100352xf32, #tpu.memory_space<vmem_shared>>) dst(%arg16 : memref<2000xf32, #tpu.memory_space<vmem>>)
      %dma_wait3A_51 = arith.constant 0 : i32
      %dma_wait3A_52 = tpu.memref_slice %arg37[%dma_wait3A_51] : memref<100352xf32, #tpu.memory_space<vmem_shared>> -> memref<100352xf32, #tpu.memory_space<vmem_shared>>
      tpu.wait_indirect_dma semaphore(%arg35 : memref<!tpu.dma_semaphore, #tpu.memory_space<semaphore_mem>>) src(%dma_wait3A_52 : memref<100352xf32, #tpu.memory_space<vmem_shared>>) dst(%arg17 : memref<2000xf32, #tpu.memory_space<vmem>>)
      %dma_wait3A_53 = arith.constant 0 : i32
      %dma_wait3A_54 = tpu.memref_slice %arg37[%dma_wait3A_53] : memref<100352xf32, #tpu.memory_space<vmem_shared>> -> memref<100352xf32, #tpu.memory_space<vmem_shared>>
      tpu.wait_indirect_dma semaphore(%arg35 : memref<!tpu.dma_semaphore, #tpu.memory_space<semaphore_mem>>) src(%dma_wait3A_54 : memref<100352xf32, #tpu.memory_space<vmem_shared>>) dst(%arg18 : memref<2000xf32, #tpu.memory_space<vmem>>)
      %dma_wait3A_55 = arith.constant 0 : i32
      %dma_wait3A_56 = tpu.memref_slice %arg38[%dma_wait3A_55] : memref<100352xf32, #tpu.memory_space<vmem_shared>> -> memref<100352xf32, #tpu.memory_space<vmem_shared>>
      tpu.wait_indirect_dma semaphore(%arg35 : memref<!tpu.dma_semaphore, #tpu.memory_space<semaphore_mem>>) src(%dma_wait3A_56 : memref<100352xf32, #tpu.memory_space<vmem_shared>>) dst(%arg19 : memref<2000xf32, #tpu.memory_space<vmem>>)
      %dma_wait3A_57 = arith.constant 0 : i32
      %dma_wait3A_58 = tpu.memref_slice %arg38[%dma_wait3A_57] : memref<100352xf32, #tpu.memory_space<vmem_shared>> -> memref<100352xf32, #tpu.memory_space<vmem_shared>>
      tpu.wait_indirect_dma semaphore(%arg35 : memref<!tpu.dma_semaphore, #tpu.memory_space<semaphore_mem>>) src(%dma_wait3A_58 : memref<100352xf32, #tpu.memory_space<vmem_shared>>) dst(%arg20 : memref<2000xf32, #tpu.memory_space<vmem>>)
      %scan3A_59 = arith.constant 0 : i32
      %scan3A_60 = arith.constant 0 : i32
      %scan3A_61 = arith.constant 125 : i32
      %scan3A_62 = arith.addi %scan3A_60, %scan3A_61 : i32
      %scan3A_63 = arith.constant 1 : i32
      %scan3A_64 = scf.for %scan3A_67 = %scan3A_60 to %scan3A_62 step %scan3A_63 iter_args(%scan3A_68 = %scan3A_59) -> (i32)  : i32 {
        %mul3A_69 = arith.constant 16 : i32
        %mul3A_70 = arith.muli %scan3A_67, %mul3A_69 : i32
        %get3A = arith.index_cast %mul3A_70 : i32 to index
        %get3A_71 = tpu.vector_load %arg17[%get3A] {strides = array<i32>} : memref<2000xf32, #tpu.memory_space<vmem>>, vector<16xf32>,
        %get3A_72 = arith.index_cast %mul3A_70 : i32 to index
        %get3A_73 = tpu.vector_load %arg18[%get3A_72] {strides = array<i32>} : memref<2000xf32, #tpu.memory_space<vmem>>, vector<16xf32>,
        %add3A_74 = arith.addf %get3A_71, %get3A_73 : vector<16xf32>
        %mul3A_75 = arith.constant 5.000000e-01 : f32
        %mul3A_76 = vector.broadcast %mul3A_75 : f32 to vector<16xf32>
        %mul3A_77 = arith.mulf %mul3A_76, %add3A_74 : vector<16xf32>
        %get3A_78 = arith.index_cast %mul3A_70 : i32 to index
        %get3A_79 = tpu.vector_load %arg15[%get3A_78] {strides = array<i32>} : memref<2000xf32, #tpu.memory_space<vmem>>, vector<16xf32>,
        %get3A_80 = arith.index_cast %mul3A_70 : i32 to index
        %get3A_81 = tpu.vector_load %arg16[%get3A_80] {strides = array<i32>} : memref<2000xf32, #tpu.memory_space<vmem>>, vector<16xf32>,
        %sub3A = arith.subf %get3A_79, %get3A_81 : vector<16xf32>
        %mul3A_82 = arith.constant 0.00999999977 : f32
        %mul3A_83 = vector.broadcast %mul3A_82 : f32 to vector<16xf32>
        %mul3A_84 = arith.mulf %sub3A, %mul3A_83 : vector<16xf32>
        %abs3A = math.absf %mul3A_84 : vector<16xf32>
        %add3A_85 = arith.constant 9.99999996E-13 : f32
        %add3A_86 = vector.broadcast %add3A_85 : f32 to vector<16xf32>
        %add3A_87 = arith.addf %abs3A, %add3A_86 : vector<16xf32>
        %bitcast3A = vector.bitcast %add3A_87 : vector<16xf32> to vector<16xi32>
        %shift_right_logical3A = arith.constant 1 : i32
        %shift_right_logical3A_88 = vector.broadcast %shift_right_logical3A : i32 to vector<16xi32>
        %shift_right_logical3A_89 = arith.shrui %bitcast3A, %shift_right_logical3A_88 : vector<16xi32>
        %sub3A_90 = arith.constant 1597463007 : i32
        %sub3A_91 = vector.broadcast %sub3A_90 : i32 to vector<16xi32>
        %sub3A_92 = arith.subi %sub3A_91, %shift_right_logical3A_89 : vector<16xi32>
        %bitcast3A_93 = vector.bitcast %sub3A_92 : vector<16xi32> to vector<16xf32>
        %mul3A_94 = arith.constant 5.000000e-01 : f32
        %mul3A_95 = vector.broadcast %mul3A_94 : f32 to vector<16xf32>
        %mul3A_96 = arith.mulf %mul3A_95, %add3A_87 : vector<16xf32>
        %mul3A_97 = arith.mulf %mul3A_96, %bitcast3A_93 : vector<16xf32>
        %mul3A_98 = arith.mulf %mul3A_97, %bitcast3A_93 : vector<16xf32>
        %sub3A_99 = arith.constant 1.500000e+00 : f32
        %sub3A_100 = vector.broadcast %sub3A_99 : f32 to vector<16xf32>
        %sub3A_101 = arith.subf %sub3A_100, %mul3A_98 : vector<16xf32>
        %mul3A_102 = arith.mulf %bitcast3A_93, %sub3A_101 : vector<16xf32>
        %mul3A_103 = arith.constant 5.000000e-01 : f32
        %mul3A_104 = vector.broadcast %mul3A_103 : f32 to vector<16xf32>
        %mul3A_105 = arith.mulf %mul3A_104, %add3A_87 : vector<16xf32>
        %mul3A_106 = arith.mulf %mul3A_105, %mul3A_102 : vector<16xf32>
        %mul3A_107 = arith.mulf %mul3A_106, %mul3A_102 : vector<16xf32>
        %sub3A_108 = arith.constant 1.500000e+00 : f32
        %sub3A_109 = vector.broadcast %sub3A_108 : f32 to vector<16xf32>
        %sub3A_110 = arith.subf %sub3A_109, %mul3A_107 : vector<16xf32>
        %mul3A_111 = arith.mulf %mul3A_102, %sub3A_110 : vector<16xf32>
        %mul3A_112 = arith.constant 5.000000e-01 : f32
        %mul3A_113 = vector.broadcast %mul3A_112 : f32 to vector<16xf32>
        %mul3A_114 = arith.mulf %mul3A_113, %add3A_87 : vector<16xf32>
        %mul3A_115 = arith.mulf %mul3A_114, %mul3A_111 : vector<16xf32>
        %mul3A_116 = arith.mulf %mul3A_115, %mul3A_111 : vector<16xf32>
        %sub3A_117 = arith.constant 1.500000e+00 : f32
        %sub3A_118 = vector.broadcast %sub3A_117 : f32 to vector<16xf32>
        %sub3A_119 = arith.subf %sub3A_118, %mul3A_116 : vector<16xf32>
        %mul3A_120 = arith.mulf %mul3A_111, %sub3A_119 : vector<16xf32>
        %bitcast3A_121 = vector.bitcast %mul3A_77 : vector<16xf32> to vector<16xi32>
        %shift_right_logical3A_122 = arith.constant 1 : i32
        %shift_right_logical3A_123 = vector.broadcast %shift_right_logical3A_122 : i32 to vector<16xi32>
        %shift_right_logical3A_124 = arith.shrui %bitcast3A_121, %shift_right_logical3A_123 : vector<16xi32>
        %sub3A_125 = arith.constant 1597463007 : i32
        %sub3A_126 = vector.broadcast %sub3A_125 : i32 to vector<16xi32>
        %sub3A_127 = arith.subi %sub3A_126, %shift_right_logical3A_124 : vector<16xi32>
        %bitcast3A_128 = vector.bitcast %sub3A_127 : vector<16xi32> to vector<16xf32>
        %mul3A_129 = arith.constant 5.000000e-01 : f32
        %mul3A_130 = vector.broadcast %mul3A_129 : f32 to vector<16xf32>
        %mul3A_131 = arith.mulf %mul3A_130, %mul3A_77 : vector<16xf32>
        %mul3A_132 = arith.mulf %mul3A_131, %bitcast3A_128 : vector<16xf32>
        %mul3A_133 = arith.mulf %mul3A_132, %bitcast3A_128 : vector<16xf32>
        %sub3A_134 = arith.constant 1.500000e+00 : f32
        %sub3A_135 = vector.broadcast %sub3A_134 : f32 to vector<16xf32>
        %sub3A_136 = arith.subf %sub3A_135, %mul3A_133 : vector<16xf32>
        %mul3A_137 = arith.mulf %bitcast3A_128, %sub3A_136 : vector<16xf32>
        %mul3A_138 = arith.constant 5.000000e-01 : f32
        %mul3A_139 = vector.broadcast %mul3A_138 : f32 to vector<16xf32>
        %mul3A_140 = arith.mulf %mul3A_139, %mul3A_77 : vector<16xf32>
        %mul3A_141 = arith.mulf %mul3A_140, %mul3A_137 : vector<16xf32>
        %mul3A_142 = arith.mulf %mul3A_141, %mul3A_137 : vector<16xf32>
        %sub3A_143 = arith.constant 1.500000e+00 : f32
        %sub3A_144 = vector.broadcast %sub3A_143 : f32 to vector<16xf32>
        %sub3A_145 = arith.subf %sub3A_144, %mul3A_142 : vector<16xf32>
        %mul3A_146 = arith.mulf %mul3A_137, %sub3A_145 : vector<16xf32>
        %mul3A_147 = arith.constant 5.000000e-01 : f32
        %mul3A_148 = vector.broadcast %mul3A_147 : f32 to vector<16xf32>
        %mul3A_149 = arith.mulf %mul3A_148, %mul3A_77 : vector<16xf32>
        %mul3A_150 = arith.mulf %mul3A_149, %mul3A_146 : vector<16xf32>
        %mul3A_151 = arith.mulf %mul3A_150, %mul3A_146 : vector<16xf32>
        %sub3A_152 = arith.constant 1.500000e+00 : f32
        %sub3A_153 = vector.broadcast %sub3A_152 : f32 to vector<16xf32>
        %sub3A_154 = arith.subf %sub3A_153, %mul3A_151 : vector<16xf32>
        %mul3A_155 = arith.mulf %mul3A_146, %sub3A_154 : vector<16xf32>
        %bitcast3A_156 = vector.bitcast %mul3A_155 : vector<16xf32> to vector<16xi32>
        %shift_right_logical3A_157 = arith.constant 1 : i32
        %shift_right_logical3A_158 = vector.broadcast %shift_right_logical3A_157 : i32 to vector<16xi32>
        %shift_right_logical3A_159 = arith.shrui %bitcast3A_156, %shift_right_logical3A_158 : vector<16xi32>
        %sub3A_160 = arith.constant 1597463007 : i32
        %sub3A_161 = vector.broadcast %sub3A_160 : i32 to vector<16xi32>
        %sub3A_162 = arith.subi %sub3A_161, %shift_right_logical3A_159 : vector<16xi32>
        %bitcast3A_163 = vector.bitcast %sub3A_162 : vector<16xi32> to vector<16xf32>
        %mul3A_164 = arith.constant 5.000000e-01 : f32
        %mul3A_165 = vector.broadcast %mul3A_164 : f32 to vector<16xf32>
        %mul3A_166 = arith.mulf %mul3A_165, %mul3A_155 : vector<16xf32>
        %mul3A_167 = arith.mulf %mul3A_166, %bitcast3A_163 : vector<16xf32>
        %mul3A_168 = arith.mulf %mul3A_167, %bitcast3A_163 : vector<16xf32>
        %sub3A_169 = arith.constant 1.500000e+00 : f32
        %sub3A_170 = vector.broadcast %sub3A_169 : f32 to vector<16xf32>
        %sub3A_171 = arith.subf %sub3A_170, %mul3A_168 : vector<16xf32>
        %mul3A_172 = arith.mulf %bitcast3A_163, %sub3A_171 : vector<16xf32>
        %mul3A_173 = arith.constant 5.000000e-01 : f32
        %mul3A_174 = vector.broadcast %mul3A_173 : f32 to vector<16xf32>
        %mul3A_175 = arith.mulf %mul3A_174, %mul3A_155 : vector<16xf32>
        %mul3A_176 = arith.mulf %mul3A_175, %mul3A_172 : vector<16xf32>
        %mul3A_177 = arith.mulf %mul3A_176, %mul3A_172 : vector<16xf32>
        %sub3A_178 = arith.constant 1.500000e+00 : f32
        %sub3A_179 = vector.broadcast %sub3A_178 : f32 to vector<16xf32>
        %sub3A_180 = arith.subf %sub3A_179, %mul3A_177 : vector<16xf32>
        %mul3A_181 = arith.mulf %mul3A_172, %sub3A_180 : vector<16xf32>
        %mul3A_182 = arith.constant 5.000000e-01 : f32
        %mul3A_183 = vector.broadcast %mul3A_182 : f32 to vector<16xf32>
        %mul3A_184 = arith.mulf %mul3A_183, %mul3A_155 : vector<16xf32>
        %mul3A_185 = arith.mulf %mul3A_184, %mul3A_181 : vector<16xf32>
        %mul3A_186 = arith.mulf %mul3A_185, %mul3A_181 : vector<16xf32>
        %sub3A_187 = arith.constant 1.500000e+00 : f32
        %sub3A_188 = vector.broadcast %sub3A_187 : f32 to vector<16xf32>
        %sub3A_189 = arith.subf %sub3A_188, %mul3A_186 : vector<16xf32>
        %mul3A_190 = arith.mulf %mul3A_181, %sub3A_189 : vector<16xf32>
        %mul3A_191 = arith.constant -0.00999999977 : f32
        %mul3A_192 = vector.broadcast %mul3A_191 : f32 to vector<16xf32>
        %mul3A_193 = arith.mulf %mul3A_192, %mul3A_77 : vector<16xf32>
        %mul3A_194 = arith.mulf %mul3A_193, %mul3A_190 : vector<16xf32>
        %mul3A_195 = arith.mulf %mul3A_194, %mul3A_120 : vector<16xf32>
        %mul3A_196 = arith.mulf %mul3A_195, %mul3A_84 : vector<16xf32>
        %get3A_197 = arith.index_cast %mul3A_70 : i32 to index
        %get3A_198 = tpu.vector_load %arg19[%get3A_197] {strides = array<i32>} : memref<2000xf32, #tpu.memory_space<vmem>>, vector<16xf32>,
        %bitcast3A_199 = vector.bitcast %get3A_198 : vector<16xf32> to vector<16xi32>
        %get3A_200 = arith.index_cast %mul3A_70 : i32 to index
        %get3A_201 = tpu.vector_load %arg20[%get3A_200] {strides = array<i32>} : memref<2000xf32, #tpu.memory_space<vmem>>, vector<16xf32>,
        %bitcast3A_202 = vector.bitcast %get3A_201 : vector<16xf32> to vector<16xi32>
        %lt3A = arith.constant 0 : i32
        %lt3A_203 = vector.broadcast %lt3A : i32 to vector<16xi32>
        %lt3A_204 = arith.cmpi slt, %bitcast3A_199, %lt3A_203 : vector<16xi32>
        %lt3A_205 = arith.constant 0 : i32
        %lt3A_206 = vector.broadcast %lt3A_205 : i32 to vector<16xi32>
        %lt3A_207 = arith.cmpi slt, %bitcast3A_202, %lt3A_206 : vector<16xi32>
        %or3A = arith.ori %lt3A_204, %lt3A_207 : vector<16xi1>
        %jit3A = arith.constant 0.000000e+00 : f32
        %broadcast_in_dim3A = vector.broadcast %jit3A : f32 to vector<16xf32>
        %select_n3A = arith.select %or3A, %broadcast_in_dim3A, %mul3A_196 : vector<16xi1>, vector<16xf32>
        %get3A_208 = arith.index_cast %mul3A_70 : i32 to index
        %get3A_209 = tpu.vector_load %arg19[%get3A_208] {strides = array<i32>} : memref<2000xf32, #tpu.memory_space<vmem>>, vector<16xf32>,
        %abs3A_210 = math.absf %get3A_209 : vector<16xf32>
        %get3A_211 = arith.index_cast %mul3A_70 : i32 to index
        %get3A_212 = tpu.vector_load %arg20[%get3A_211] {strides = array<i32>} : memref<2000xf32, #tpu.memory_space<vmem>>, vector<16xf32>,
        %abs3A_213 = math.absf %get3A_212 : vector<16xf32>
        %add3A_214 = arith.addf %abs3A_210, %abs3A_213 : vector<16xf32>
        %mul3A_215 = arith.constant 5.000000e-01 : f32
        %mul3A_216 = vector.broadcast %mul3A_215 : f32 to vector<16xf32>
        %mul3A_217 = arith.mulf %mul3A_216, %add3A_214 : vector<16xf32>
        %sub3A_218 = arith.subf %select_n3A, %mul3A_217 : vector<16xf32>
        %abs3A_219 = math.absf %sub3A_218 : vector<16xf32>
        %swap3A = arith.index_cast %mul3A_70 : i32 to index
        %swap3A_220 = tpu.vector_load %arg21[%swap3A] {strides = array<i32>} : memref<2000xf32, #tpu.memory_space<vmem>>, vector<16xf32>,
        tpu.vector_store %arg21[%swap3A], %abs3A_219 {strides = array<i32>} : memref<2000xf32, #tpu.memory_space<vmem>>, vector<16xf32>,
        %scan3A_221 = arith.constant 0 : i32
        scf.yield %scan3A_221 : i32
      }
      %scan3A_65 = arith.constant 125 : i32
      "tpu.region"() ({
        %run_scoped3A = tpu.sem_alloc : memref<!tpu.dma_semaphore, #tpu.memory_space<semaphore_mem>>
        %dma_start3A_67 = tpu.memref_slice %arg12[%add3A_28] : memref<1600000xf32, #tpu.memory_space<hbm>> -> memref<2000xf32, #tpu.memory_space<hbm>>
        %dma_start3A_68 = tpu.memref_slice %arg12[%add3A_28] : memref<1600000xf32, #tpu.memory_space<hbm>> -> memref<2000xf32, #tpu.memory_space<hbm>>
        tpu.enqueue_dma source(%arg21 : memref<2000xf32, #tpu.memory_space<vmem>>) target(%dma_start3A_68 : memref<2000xf32, #tpu.memory_space<hbm>>) target_semaphore(%run_scoped3A : memref<!tpu.dma_semaphore, #tpu.memory_space<semaphore_mem>>)
        %dma_wait3A_69 = tpu.memref_slice %arg12[%add3A_28] : memref<1600000xf32, #tpu.memory_space<hbm>> -> memref<2000xf32, #tpu.memory_space<hbm>>
        %dma_wait3A_70 = tpu.memref_slice %arg12[%add3A_28] : memref<1600000xf32, #tpu.memory_space<hbm>> -> memref<2000xf32, #tpu.memory_space<hbm>>
        tpu.wait_dma2 semaphore(%run_scoped3A : memref<!tpu.dma_semaphore, #tpu.memory_space<semaphore_mem>>) src(%arg21 : memref<2000xf32, #tpu.memory_space<vmem>>) dst(%dma_wait3A_70 : memref<2000xf32, #tpu.memory_space<hbm>>)
        tpu.yield
      }) : () -> ()
      %scan3A_66 = arith.constant 0 : i32
      scf.yield %scan3A_66 : i32
    }
    %scan3A_21 = arith.constant 25 : i32
    return
  }
}

#map = affine_map<(d0, d1) -> (0)>
module attributes {stable_mosaic.version = 14 : i64} {
  func.func @_k1_body(%arg0: i32, %arg1: i32, %arg2: memref<100352xf32, #tpu.memory_space<hbm>>, %arg3: memref<100352xf32, #tpu.memory_space<hbm>>, %arg4: memref<100352xf32, #tpu.memory_space<hbm>>, %arg5: memref<100352xf32, #tpu.memory_space<hbm>>, %arg6: memref<100352xf32, #tpu.memory_space<hbm>>, %arg7: memref<100352xf32, #tpu.memory_space<hbm>>, %arg8: memref<100352xf32, #tpu.memory_space<hbm>>, %arg9: memref<3136xf32, #tpu.memory_space<vmem>>, %arg10: memref<3136xf32, #tpu.memory_space<vmem>>, %arg11: memref<3136xf32, #tpu.memory_space<vmem>>, %arg12: memref<3136xf32, #tpu.memory_space<vmem>>, %arg13: memref<3136xf32, #tpu.memory_space<vmem>>, %arg14: memref<3136xf32, #tpu.memory_space<vmem>>, %arg15: memref<3136xf32, #tpu.memory_space<vmem>>) attributes {dimension_semantics = [#tpu.dimension_semantics<core_parallel>, #tpu.dimension_semantics<subcore_parallel>], iteration_bounds = array<i64: 2, 16>, scalar_prefetch = 0 : i64, scratch_operands = 7 : i64, tpu.core_type = #tpu.core_type<sc_vector_subcore>, window_params = [{transform_indices = #map}, {transform_indices = #map}, {transform_indices = #map}, {transform_indices = #map}, {transform_indices = #map}, {transform_indices = #map}, {transform_indices = #map}]} {
    %mul3A = arith.constant 2 : i32
    %mul3A_0 = arith.muli %arg1, %mul3A : i32
    %add3A = arith.addi %mul3A_0, %arg0 : i32
    %mul3A_1 = arith.constant 3136 : i32
    %mul3A_2 = arith.muli %add3A, %mul3A_1 : i32
    "tpu.region"() ({
      %run_scoped3A = tpu.sem_alloc : memref<!tpu.dma_semaphore, #tpu.memory_space<semaphore_mem>>
      %dma_start3A = tpu.memref_slice %arg2[%mul3A_2] : memref<100352xf32, #tpu.memory_space<hbm>> -> memref<3136xf32, #tpu.memory_space<hbm>>
      %dma_start3A_9 = tpu.memref_slice %arg2[%mul3A_2] : memref<100352xf32, #tpu.memory_space<hbm>> -> memref<3136xf32, #tpu.memory_space<hbm>>
      tpu.enqueue_dma source(%dma_start3A_9 : memref<3136xf32, #tpu.memory_space<hbm>>) target(%arg9 : memref<3136xf32, #tpu.memory_space<vmem>>) target_semaphore(%run_scoped3A : memref<!tpu.dma_semaphore, #tpu.memory_space<semaphore_mem>>)
      %dma_wait3A = tpu.memref_slice %arg2[%mul3A_2] : memref<100352xf32, #tpu.memory_space<hbm>> -> memref<3136xf32, #tpu.memory_space<hbm>>
      %dma_wait3A_10 = tpu.memref_slice %arg2[%mul3A_2] : memref<100352xf32, #tpu.memory_space<hbm>> -> memref<3136xf32, #tpu.memory_space<hbm>>
      tpu.wait_dma2 semaphore(%run_scoped3A : memref<!tpu.dma_semaphore, #tpu.memory_space<semaphore_mem>>) src(%dma_wait3A_10 : memref<3136xf32, #tpu.memory_space<hbm>>) dst(%arg9 : memref<3136xf32, #tpu.memory_space<vmem>>)
      tpu.yield
    }) : () -> ()
    "tpu.region"() ({
      %run_scoped3A = tpu.sem_alloc : memref<!tpu.dma_semaphore, #tpu.memory_space<semaphore_mem>>
      %dma_start3A = tpu.memref_slice %arg3[%mul3A_2] : memref<100352xf32, #tpu.memory_space<hbm>> -> memref<3136xf32, #tpu.memory_space<hbm>>
      %dma_start3A_9 = tpu.memref_slice %arg3[%mul3A_2] : memref<100352xf32, #tpu.memory_space<hbm>> -> memref<3136xf32, #tpu.memory_space<hbm>>
      tpu.enqueue_dma source(%dma_start3A_9 : memref<3136xf32, #tpu.memory_space<hbm>>) target(%arg10 : memref<3136xf32, #tpu.memory_space<vmem>>) target_semaphore(%run_scoped3A : memref<!tpu.dma_semaphore, #tpu.memory_space<semaphore_mem>>)
      %dma_wait3A = tpu.memref_slice %arg3[%mul3A_2] : memref<100352xf32, #tpu.memory_space<hbm>> -> memref<3136xf32, #tpu.memory_space<hbm>>
      %dma_wait3A_10 = tpu.memref_slice %arg3[%mul3A_2] : memref<100352xf32, #tpu.memory_space<hbm>> -> memref<3136xf32, #tpu.memory_space<hbm>>
      tpu.wait_dma2 semaphore(%run_scoped3A : memref<!tpu.dma_semaphore, #tpu.memory_space<semaphore_mem>>) src(%dma_wait3A_10 : memref<3136xf32, #tpu.memory_space<hbm>>) dst(%arg10 : memref<3136xf32, #tpu.memory_space<vmem>>)
      tpu.yield
    }) : () -> ()
    "tpu.region"() ({
      %run_scoped3A = tpu.sem_alloc : memref<!tpu.dma_semaphore, #tpu.memory_space<semaphore_mem>>
      %dma_start3A = tpu.memref_slice %arg4[%mul3A_2] : memref<100352xf32, #tpu.memory_space<hbm>> -> memref<3136xf32, #tpu.memory_space<hbm>>
      %dma_start3A_9 = tpu.memref_slice %arg4[%mul3A_2] : memref<100352xf32, #tpu.memory_space<hbm>> -> memref<3136xf32, #tpu.memory_space<hbm>>
      tpu.enqueue_dma source(%dma_start3A_9 : memref<3136xf32, #tpu.memory_space<hbm>>) target(%arg11 : memref<3136xf32, #tpu.memory_space<vmem>>) target_semaphore(%run_scoped3A : memref<!tpu.dma_semaphore, #tpu.memory_space<semaphore_mem>>)
      %dma_wait3A = tpu.memref_slice %arg4[%mul3A_2] : memref<100352xf32, #tpu.memory_space<hbm>> -> memref<3136xf32, #tpu.memory_space<hbm>>
      %dma_wait3A_10 = tpu.memref_slice %arg4[%mul3A_2] : memref<100352xf32, #tpu.memory_space<hbm>> -> memref<3136xf32, #tpu.memory_space<hbm>>
      tpu.wait_dma2 semaphore(%run_scoped3A : memref<!tpu.dma_semaphore, #tpu.memory_space<semaphore_mem>>) src(%dma_wait3A_10 : memref<3136xf32, #tpu.memory_space<hbm>>) dst(%arg11 : memref<3136xf32, #tpu.memory_space<vmem>>)
      tpu.yield
    }) : () -> ()
    "tpu.region"() ({
      %run_scoped3A = tpu.sem_alloc : memref<!tpu.dma_semaphore, #tpu.memory_space<semaphore_mem>>
      %dma_start3A = tpu.memref_slice %arg5[%mul3A_2] : memref<100352xf32, #tpu.memory_space<hbm>> -> memref<3136xf32, #tpu.memory_space<hbm>>
      %dma_start3A_9 = tpu.memref_slice %arg5[%mul3A_2] : memref<100352xf32, #tpu.memory_space<hbm>> -> memref<3136xf32, #tpu.memory_space<hbm>>
      tpu.enqueue_dma source(%dma_start3A_9 : memref<3136xf32, #tpu.memory_space<hbm>>) target(%arg12 : memref<3136xf32, #tpu.memory_space<vmem>>) target_semaphore(%run_scoped3A : memref<!tpu.dma_semaphore, #tpu.memory_space<semaphore_mem>>)
      %dma_wait3A = tpu.memref_slice %arg5[%mul3A_2] : memref<100352xf32, #tpu.memory_space<hbm>> -> memref<3136xf32, #tpu.memory_space<hbm>>
      %dma_wait3A_10 = tpu.memref_slice %arg5[%mul3A_2] : memref<100352xf32, #tpu.memory_space<hbm>> -> memref<3136xf32, #tpu.memory_space<hbm>>
      tpu.wait_dma2 semaphore(%run_scoped3A : memref<!tpu.dma_semaphore, #tpu.memory_space<semaphore_mem>>) src(%dma_wait3A_10 : memref<3136xf32, #tpu.memory_space<hbm>>) dst(%arg12 : memref<3136xf32, #tpu.memory_space<vmem>>)
      tpu.yield
    }) : () -> ()
    %scan3A = arith.constant 0 : i32
    %scan3A_3 = arith.constant 0 : i32
    %scan3A_4 = arith.constant 196 : i32
    %scan3A_5 = arith.addi %scan3A_3, %scan3A_4 : i32
    %scan3A_6 = arith.constant 1 : i32
    %scan3A_7 = scf.for %scan3A_9 = %scan3A_3 to %scan3A_5 step %scan3A_6 iter_args(%scan3A_10 = %scan3A) -> (i32)  : i32 {
      %mul3A_11 = arith.constant 16 : i32
      %mul3A_12 = arith.muli %scan3A_9, %mul3A_11 : i32
      %get3A = arith.index_cast %mul3A_12 : i32 to index
      %get3A_13 = tpu.vector_load %arg9[%get3A] {strides = array<i32>} : memref<3136xf32, #tpu.memory_space<vmem>>, vector<16xf32>,
      %get3A_14 = arith.index_cast %mul3A_12 : i32 to index
      %get3A_15 = tpu.vector_load %arg10[%get3A_14] {strides = array<i32>} : memref<3136xf32, #tpu.memory_space<vmem>>, vector<16xf32>,
      %mul3A_16 = arith.constant 9.810000e+03 : f32
      %mul3A_17 = vector.broadcast %mul3A_16 : f32 to vector<16xf32>
      %mul3A_18 = arith.mulf %mul3A_17, %get3A_13 : vector<16xf32>
      %add3A_19 = arith.addf %mul3A_18, %get3A_15 : vector<16xf32>
      %swap3A = arith.index_cast %mul3A_12 : i32 to index
      %swap3A_20 = tpu.vector_load %arg13[%swap3A] {strides = array<i32>} : memref<3136xf32, #tpu.memory_space<vmem>>, vector<16xf32>,
      tpu.vector_store %arg13[%swap3A], %add3A_19 {strides = array<i32>} : memref<3136xf32, #tpu.memory_space<vmem>>, vector<16xf32>,
      %sub3A = arith.subf %add3A_19, %get3A_15 : vector<16xf32>
      %swap3A_21 = arith.index_cast %mul3A_12 : i32 to index
      %swap3A_22 = tpu.vector_load %arg15[%swap3A_21] {strides = array<i32>} : memref<3136xf32, #tpu.memory_space<vmem>>, vector<16xf32>,
      tpu.vector_store %arg15[%swap3A_21], %sub3A {strides = array<i32>} : memref<3136xf32, #tpu.memory_space<vmem>>, vector<16xf32>,
      %get3A_23 = arith.index_cast %mul3A_12 : i32 to index
      %get3A_24 = tpu.vector_load %arg11[%get3A_23] {strides = array<i32>} : memref<3136xf32, #tpu.memory_space<vmem>>, vector<16xf32>,
      %mul3A_25 = arith.constant 3.45569937E-8 : f32
      %mul3A_26 = vector.broadcast %mul3A_25 : f32 to vector<16xf32>
      %mul3A_27 = arith.mulf %get3A_24, %mul3A_26 : vector<16xf32>
      %get3A_28 = arith.index_cast %mul3A_12 : i32 to index
      %get3A_29 = tpu.vector_load %arg12[%get3A_28] {strides = array<i32>} : memref<3136xf32, #tpu.memory_space<vmem>>, vector<16xf32>,
      %add3A_30 = arith.addf %mul3A_27, %get3A_29 : vector<16xf32>
      %mul3A_31 = arith.constant 1.000000e+04 : f32
      %mul3A_32 = vector.broadcast %mul3A_31 : f32 to vector<16xf32>
      %mul3A_33 = arith.mulf %add3A_30, %mul3A_32 : vector<16xf32>
      %swap3A_34 = arith.index_cast %mul3A_12 : i32 to index
      %swap3A_35 = tpu.vector_load %arg14[%swap3A_34] {strides = array<i32>} : memref<3136xf32, #tpu.memory_space<vmem>>, vector<16xf32>,
      tpu.vector_store %arg14[%swap3A_34], %mul3A_33 {strides = array<i32>} : memref<3136xf32, #tpu.memory_space<vmem>>, vector<16xf32>,
      %scan3A_36 = arith.constant 0 : i32
      scf.yield %scan3A_36 : i32
    }
    %scan3A_8 = arith.constant 196 : i32
    "tpu.region"() ({
      %run_scoped3A = tpu.sem_alloc : memref<!tpu.dma_semaphore, #tpu.memory_space<semaphore_mem>>
      %dma_start3A = tpu.memref_slice %arg6[%mul3A_2] : memref<100352xf32, #tpu.memory_space<hbm>> -> memref<3136xf32, #tpu.memory_space<hbm>>
      %dma_start3A_9 = tpu.memref_slice %arg6[%mul3A_2] : memref<100352xf32, #tpu.memory_space<hbm>> -> memref<3136xf32, #tpu.memory_space<hbm>>
      tpu.enqueue_dma source(%arg13 : memref<3136xf32, #tpu.memory_space<vmem>>) target(%dma_start3A_9 : memref<3136xf32, #tpu.memory_space<hbm>>) target_semaphore(%run_scoped3A : memref<!tpu.dma_semaphore, #tpu.memory_space<semaphore_mem>>)
      %dma_wait3A = tpu.memref_slice %arg6[%mul3A_2] : memref<100352xf32, #tpu.memory_space<hbm>> -> memref<3136xf32, #tpu.memory_space<hbm>>
      %dma_wait3A_10 = tpu.memref_slice %arg6[%mul3A_2] : memref<100352xf32, #tpu.memory_space<hbm>> -> memref<3136xf32, #tpu.memory_space<hbm>>
      tpu.wait_dma2 semaphore(%run_scoped3A : memref<!tpu.dma_semaphore, #tpu.memory_space<semaphore_mem>>) src(%arg13 : memref<3136xf32, #tpu.memory_space<vmem>>) dst(%dma_wait3A_10 : memref<3136xf32, #tpu.memory_space<hbm>>)
      tpu.yield
    }) : () -> ()
    "tpu.region"() ({
      %run_scoped3A = tpu.sem_alloc : memref<!tpu.dma_semaphore, #tpu.memory_space<semaphore_mem>>
      %dma_start3A = tpu.memref_slice %arg7[%mul3A_2] : memref<100352xf32, #tpu.memory_space<hbm>> -> memref<3136xf32, #tpu.memory_space<hbm>>
      %dma_start3A_9 = tpu.memref_slice %arg7[%mul3A_2] : memref<100352xf32, #tpu.memory_space<hbm>> -> memref<3136xf32, #tpu.memory_space<hbm>>
      tpu.enqueue_dma source(%arg14 : memref<3136xf32, #tpu.memory_space<vmem>>) target(%dma_start3A_9 : memref<3136xf32, #tpu.memory_space<hbm>>) target_semaphore(%run_scoped3A : memref<!tpu.dma_semaphore, #tpu.memory_space<semaphore_mem>>)
      %dma_wait3A = tpu.memref_slice %arg7[%mul3A_2] : memref<100352xf32, #tpu.memory_space<hbm>> -> memref<3136xf32, #tpu.memory_space<hbm>>
      %dma_wait3A_10 = tpu.memref_slice %arg7[%mul3A_2] : memref<100352xf32, #tpu.memory_space<hbm>> -> memref<3136xf32, #tpu.memory_space<hbm>>
      tpu.wait_dma2 semaphore(%run_scoped3A : memref<!tpu.dma_semaphore, #tpu.memory_space<semaphore_mem>>) src(%arg14 : memref<3136xf32, #tpu.memory_space<vmem>>) dst(%dma_wait3A_10 : memref<3136xf32, #tpu.memory_space<hbm>>)
      tpu.yield
    }) : () -> ()
    "tpu.region"() ({
      %run_scoped3A = tpu.sem_alloc : memref<!tpu.dma_semaphore, #tpu.memory_space<semaphore_mem>>
      %dma_start3A = tpu.memref_slice %arg8[%mul3A_2] : memref<100352xf32, #tpu.memory_space<hbm>> -> memref<3136xf32, #tpu.memory_space<hbm>>
      %dma_start3A_9 = tpu.memref_slice %arg8[%mul3A_2] : memref<100352xf32, #tpu.memory_space<hbm>> -> memref<3136xf32, #tpu.memory_space<hbm>>
      tpu.enqueue_dma source(%arg15 : memref<3136xf32, #tpu.memory_space<vmem>>) target(%dma_start3A_9 : memref<3136xf32, #tpu.memory_space<hbm>>) target_semaphore(%run_scoped3A : memref<!tpu.dma_semaphore, #tpu.memory_space<semaphore_mem>>)
      %dma_wait3A = tpu.memref_slice %arg8[%mul3A_2] : memref<100352xf32, #tpu.memory_space<hbm>> -> memref<3136xf32, #tpu.memory_space<hbm>>
      %dma_wait3A_10 = tpu.memref_slice %arg8[%mul3A_2] : memref<100352xf32, #tpu.memory_space<hbm>> -> memref<3136xf32, #tpu.memory_space<hbm>>
      tpu.wait_dma2 semaphore(%run_scoped3A : memref<!tpu.dma_semaphore, #tpu.memory_space<semaphore_mem>>) src(%arg15 : memref<3136xf32, #tpu.memory_space<vmem>>) dst(%dma_wait3A_10 : memref<3136xf32, #tpu.memory_space<hbm>>)
      tpu.yield
    }) : () -> ()
    return
  }
}

#map = affine_map<(d0, d1) -> (0)>
module attributes {stable_mosaic.version = 14 : i64} {
  func.func @_k2_body(%arg0: i32, %arg1: i32, %arg2: memref<100352xf32, #tpu.memory_space<hbm>>, %arg3: memref<802816xi32, #tpu.memory_space<hbm>>, %arg4: memref<100352xi32, #tpu.memory_space<hbm>>, %arg5: memref<100352xf32, #tpu.memory_space<hbm>>, %arg6: memref<100352xf32, #tpu.memory_space<vmem>>, %arg7: memref<3136xi32, #tpu.memory_space<vmem>>, %arg8: memref<3136xi32, #tpu.memory_space<vmem>>, %arg9: memref<3136xf32, #tpu.memory_space<vmem>>, %arg10: memref<3136xf32, #tpu.memory_space<vmem>>) attributes {dimension_semantics = [#tpu.dimension_semantics<core_parallel>, #tpu.dimension_semantics<subcore_parallel>], iteration_bounds = array<i64: 2, 16>, scalar_prefetch = 0 : i64, scratch_operands = 5 : i64, tpu.core_type = #tpu.core_type<sc_vector_subcore>, window_params = [{transform_indices = #map}, {transform_indices = #map}, {transform_indices = #map}, {transform_indices = #map}]} {
    %mul3A = arith.constant 2 : i32
    %mul3A_0 = arith.muli %arg1, %mul3A : i32
    %add3A = arith.addi %mul3A_0, %arg0 : i32
    %mul3A_1 = arith.constant 3136 : i32
    %mul3A_2 = arith.muli %add3A, %mul3A_1 : i32
    "tpu.region"() ({
      %run_scoped3A = tpu.sem_alloc : memref<!tpu.dma_semaphore, #tpu.memory_space<semaphore_mem>>
      tpu.enqueue_dma source(%arg2 : memref<100352xf32, #tpu.memory_space<hbm>>) target(%arg6 : memref<100352xf32, #tpu.memory_space<vmem>>) target_semaphore(%run_scoped3A : memref<!tpu.dma_semaphore, #tpu.memory_space<semaphore_mem>>)
      tpu.wait_dma2 semaphore(%run_scoped3A : memref<!tpu.dma_semaphore, #tpu.memory_space<semaphore_mem>>) src(%arg2 : memref<100352xf32, #tpu.memory_space<hbm>>) dst(%arg6 : memref<100352xf32, #tpu.memory_space<vmem>>)
      tpu.yield
    }) : () -> ()
    "tpu.region"() ({
      %run_scoped3A = tpu.sem_alloc : memref<!tpu.dma_semaphore, #tpu.memory_space<semaphore_mem>>
      %dma_start3A = tpu.memref_slice %arg4[%mul3A_2] : memref<100352xi32, #tpu.memory_space<hbm>> -> memref<3136xi32, #tpu.memory_space<hbm>>
      %dma_start3A_23 = tpu.memref_slice %arg4[%mul3A_2] : memref<100352xi32, #tpu.memory_space<hbm>> -> memref<3136xi32, #tpu.memory_space<hbm>>
      tpu.enqueue_dma source(%dma_start3A_23 : memref<3136xi32, #tpu.memory_space<hbm>>) target(%arg8 : memref<3136xi32, #tpu.memory_space<vmem>>) target_semaphore(%run_scoped3A : memref<!tpu.dma_semaphore, #tpu.memory_space<semaphore_mem>>)
      %dma_wait3A = tpu.memref_slice %arg4[%mul3A_2] : memref<100352xi32, #tpu.memory_space<hbm>> -> memref<3136xi32, #tpu.memory_space<hbm>>
      %dma_wait3A_24 = tpu.memref_slice %arg4[%mul3A_2] : memref<100352xi32, #tpu.memory_space<hbm>> -> memref<3136xi32, #tpu.memory_space<hbm>>
      tpu.wait_dma2 semaphore(%run_scoped3A : memref<!tpu.dma_semaphore, #tpu.memory_space<semaphore_mem>>) src(%dma_wait3A_24 : memref<3136xi32, #tpu.memory_space<hbm>>) dst(%arg8 : memref<3136xi32, #tpu.memory_space<vmem>>)
      tpu.yield
    }) : () -> ()
    %scan3A = arith.constant 0 : i32
    %scan3A_3 = arith.constant 0 : i32
    %scan3A_4 = arith.constant 196 : i32
    %scan3A_5 = arith.addi %scan3A_3, %scan3A_4 : i32
    %scan3A_6 = arith.constant 1 : i32
    %scan3A_7 = scf.for %scan3A_23 = %scan3A_3 to %scan3A_5 step %scan3A_6 iter_args(%scan3A_24 = %scan3A) -> (i32)  : i32 {
      %broadcast_in_dim3A = arith.constant 0.000000e+00 : f32
      %broadcast_in_dim3A_25 = vector.broadcast %broadcast_in_dim3A : f32 to vector<16xf32>
      %mul3A_26 = arith.constant 16 : i32
      %mul3A_27 = arith.muli %scan3A_23, %mul3A_26 : i32
      %swap3A = arith.index_cast %mul3A_27 : i32 to index
      %swap3A_28 = tpu.vector_load %arg9[%swap3A] {strides = array<i32>} : memref<3136xf32, #tpu.memory_space<vmem>>, vector<16xf32>,
      tpu.vector_store %arg9[%swap3A], %broadcast_in_dim3A_25 {strides = array<i32>} : memref<3136xf32, #tpu.memory_space<vmem>>, vector<16xf32>,
      %scan3A_29 = arith.constant 0 : i32
      scf.yield %scan3A_29 : i32
    }
    %scan3A_8 = arith.constant 196 : i32
    %scan3A_9 = arith.constant 0 : i32
    %scan3A_10 = arith.constant 0 : i32
    %scan3A_11 = arith.constant 8 : i32
    %scan3A_12 = arith.addi %scan3A_10, %scan3A_11 : i32
    %scan3A_13 = arith.constant 1 : i32
    %scan3A_14 = scf.for %scan3A_23 = %scan3A_10 to %scan3A_12 step %scan3A_13 iter_args(%scan3A_24 = %scan3A_9) -> (i32)  : i32 {
      %mul3A_25 = arith.constant 100352 : i32
      %mul3A_26 = arith.muli %scan3A_23, %mul3A_25 : i32
      %add3A_27 = arith.addi %mul3A_26, %mul3A_2 : i32
      %multiple_of3A = tpu.assume_multiple %add3A_27, 8 : i32
      "tpu.region"() ({
        %run_scoped3A = tpu.sem_alloc : memref<!tpu.dma_semaphore, #tpu.memory_space<semaphore_mem>>
        %dma_start3A = tpu.memref_slice %arg3[%multiple_of3A] : memref<802816xi32, #tpu.memory_space<hbm>> -> memref<3136xi32, #tpu.memory_space<hbm>>
        %dma_start3A_36 = tpu.memref_slice %arg3[%multiple_of3A] : memref<802816xi32, #tpu.memory_space<hbm>> -> memref<3136xi32, #tpu.memory_space<hbm>>
        tpu.enqueue_dma source(%dma_start3A_36 : memref<3136xi32, #tpu.memory_space<hbm>>) target(%arg7 : memref<3136xi32, #tpu.memory_space<vmem>>) target_semaphore(%run_scoped3A : memref<!tpu.dma_semaphore, #tpu.memory_space<semaphore_mem>>)
        %dma_wait3A = tpu.memref_slice %arg3[%multiple_of3A] : memref<802816xi32, #tpu.memory_space<hbm>> -> memref<3136xi32, #tpu.memory_space<hbm>>
        %dma_wait3A_37 = tpu.memref_slice %arg3[%multiple_of3A] : memref<802816xi32, #tpu.memory_space<hbm>> -> memref<3136xi32, #tpu.memory_space<hbm>>
        tpu.wait_dma2 semaphore(%run_scoped3A : memref<!tpu.dma_semaphore, #tpu.memory_space<semaphore_mem>>) src(%dma_wait3A_37 : memref<3136xi32, #tpu.memory_space<hbm>>) dst(%arg7 : memref<3136xi32, #tpu.memory_space<vmem>>)
        tpu.yield
      }) : () -> ()
      %scan3A_28 = arith.constant 0 : i32
      %scan3A_29 = arith.constant 0 : i32
      %scan3A_30 = arith.constant 196 : i32
      %scan3A_31 = arith.addi %scan3A_29, %scan3A_30 : i32
      %scan3A_32 = arith.constant 1 : i32
      %scan3A_33 = scf.for %scan3A_36 = %scan3A_29 to %scan3A_31 step %scan3A_32 iter_args(%scan3A_37 = %scan3A_28) -> (i32)  : i32 {
        %mul3A_38 = arith.constant 16 : i32
        %mul3A_39 = arith.muli %scan3A_36, %mul3A_38 : i32
        %get3A = arith.index_cast %mul3A_39 : i32 to index
        %get3A_40 = tpu.vector_load %arg7[%get3A] {strides = array<i32>} : memref<3136xi32, #tpu.memory_space<vmem>>, vector<16xi32>,
        %get3A_41 = arith.index_cast %mul3A_39 : i32 to index
        %get3A_42 = tpu.vector_load %arg9[%get3A_41] {strides = array<i32>} : memref<3136xf32, #tpu.memory_space<vmem>>, vector<16xf32>,
        %gather3A = tpu.vector_load_idx %arg6[%get3A_40] : memref<100352xf32, #tpu.memory_space<vmem>>[vector<16xi32>], vector<16xf32>,
        %add3A_43 = arith.addf %get3A_42, %gather3A : vector<16xf32>
        %swap3A = arith.index_cast %mul3A_39 : i32 to index
        %swap3A_44 = tpu.vector_load %arg9[%swap3A] {strides = array<i32>} : memref<3136xf32, #tpu.memory_space<vmem>>, vector<16xf32>,
        tpu.vector_store %arg9[%swap3A], %add3A_43 {strides = array<i32>} : memref<3136xf32, #tpu.memory_space<vmem>>, vector<16xf32>,
        %scan3A_45 = arith.constant 0 : i32
        scf.yield %scan3A_45 : i32
      }
      %scan3A_34 = arith.constant 196 : i32
      %scan3A_35 = arith.constant 0 : i32
      scf.yield %scan3A_35 : i32
    }
    %scan3A_15 = arith.constant 8 : i32
    %scan3A_16 = arith.constant 0 : i32
    %scan3A_17 = arith.constant 0 : i32
    %scan3A_18 = arith.constant 196 : i32
    %scan3A_19 = arith.addi %scan3A_17, %scan3A_18 : i32
    %scan3A_20 = arith.constant 1 : i32
    %scan3A_21 = scf.for %scan3A_23 = %scan3A_17 to %scan3A_19 step %scan3A_20 iter_args(%scan3A_24 = %scan3A_16) -> (i32)  : i32 {
      %mul3A_25 = arith.constant 16 : i32
      %mul3A_26 = arith.muli %scan3A_23, %mul3A_25 : i32
      %get3A = arith.index_cast %mul3A_26 : i32 to index
      %get3A_27 = tpu.vector_load %arg9[%get3A] {strides = array<i32>} : memref<3136xf32, #tpu.memory_space<vmem>>, vector<16xf32>,
      %mul3A_28 = arith.constant 1.250000e-01 : f32
      %mul3A_29 = vector.broadcast %mul3A_28 : f32 to vector<16xf32>
      %mul3A_30 = arith.mulf %get3A_27, %mul3A_29 : vector<16xf32>
      %mul3A_31 = arith.constant 16 : i32
      %mul3A_32 = arith.muli %scan3A_23, %mul3A_31 : i32
      %add3A_33 = arith.addi %mul3A_2, %mul3A_32 : i32
      %get3A_34 = arith.index_cast %add3A_33 : i32 to index
      %get3A_35 = tpu.vector_load %arg6[%get3A_34] {strides = array<i32>} : memref<100352xf32, #tpu.memory_space<vmem>>, vector<16xf32>,
      %gt3A = arith.cmpf ogt, %get3A_35, %mul3A_30 : vector<16xf32>
      %jit3A = arith.constant 1.000000e+00 : f32
      %jit3A_36 = arith.constant -1.000000e+00 : f32
      %broadcast_in_dim3A = vector.broadcast %jit3A : f32 to vector<16xf32>
      %broadcast_in_dim3A_37 = vector.broadcast %jit3A_36 : f32 to vector<16xf32>
      %select_n3A = arith.select %gt3A, %broadcast_in_dim3A, %broadcast_in_dim3A_37 : vector<16xi1>, vector<16xf32>
      %get3A_38 = arith.index_cast %mul3A_26 : i32 to index
      %get3A_39 = tpu.vector_load %arg8[%get3A_38] {strides = array<i32>} : memref<3136xi32, #tpu.memory_space<vmem>>, vector<16xi32>,
      %gt3A_40 = arith.constant 0 : i32
      %gt3A_41 = vector.broadcast %gt3A_40 : i32 to vector<16xi32>
      %gt3A_42 = arith.cmpi sgt, %get3A_39, %gt3A_41 : vector<16xi32>
      %jit3A_43 = arith.constant 0.000000e+00 : f32
      %broadcast_in_dim3A_44 = vector.broadcast %jit3A_43 : f32 to vector<16xf32>
      %select_n3A_45 = arith.select %gt3A_42, %select_n3A, %broadcast_in_dim3A_44 : vector<16xi1>, vector<16xf32>
      %swap3A = arith.index_cast %mul3A_26 : i32 to index
      %swap3A_46 = tpu.vector_load %arg10[%swap3A] {strides = array<i32>} : memref<3136xf32, #tpu.memory_space<vmem>>, vector<16xf32>,
      tpu.vector_store %arg10[%swap3A], %select_n3A_45 {strides = array<i32>} : memref<3136xf32, #tpu.memory_space<vmem>>, vector<16xf32>,
      %scan3A_47 = arith.constant 0 : i32
      scf.yield %scan3A_47 : i32
    }
    %scan3A_22 = arith.constant 196 : i32
    "tpu.region"() ({
      %run_scoped3A = tpu.sem_alloc : memref<!tpu.dma_semaphore, #tpu.memory_space<semaphore_mem>>
      %dma_start3A = tpu.memref_slice %arg5[%mul3A_2] : memref<100352xf32, #tpu.memory_space<hbm>> -> memref<3136xf32, #tpu.memory_space<hbm>>
      %dma_start3A_23 = tpu.memref_slice %arg5[%mul3A_2] : memref<100352xf32, #tpu.memory_space<hbm>> -> memref<3136xf32, #tpu.memory_space<hbm>>
      tpu.enqueue_dma source(%arg10 : memref<3136xf32, #tpu.memory_space<vmem>>) target(%dma_start3A_23 : memref<3136xf32, #tpu.memory_space<hbm>>) target_semaphore(%run_scoped3A : memref<!tpu.dma_semaphore, #tpu.memory_space<semaphore_mem>>)
      %dma_wait3A = tpu.memref_slice %arg5[%mul3A_2] : memref<100352xf32, #tpu.memory_space<hbm>> -> memref<3136xf32, #tpu.memory_space<hbm>>
      %dma_wait3A_24 = tpu.memref_slice %arg5[%mul3A_2] : memref<100352xf32, #tpu.memory_space<hbm>> -> memref<3136xf32, #tpu.memory_space<hbm>>
      tpu.wait_dma2 semaphore(%run_scoped3A : memref<!tpu.dma_semaphore, #tpu.memory_space<semaphore_mem>>) src(%arg10 : memref<3136xf32, #tpu.memory_space<vmem>>) dst(%dma_wait3A_24 : memref<3136xf32, #tpu.memory_space<hbm>>)
      tpu.yield
    }) : () -> ()
    return
  }
}

</mosaic_0001>

<sc_bundles>
// kernel: kernel.12.cloned.1.call-start
scs
__scs_entry_jumppad:
0x0: {  	(pc) =	sbr.rel $0x88, $3  }
0x1: {  	(tag) =	ssettag $0x0;
	lr =	simm.s32 $0x1  }
0x2: {  	[smem:$0x3F99] =	sst lr;
	_ =	strace $0xD0000000  }
0x3: {  	_ = 	snop  }
0x4: {  	_ = 	snop  }
0x5: {  	_ = 	snop  }
0x6: {  	_ = 	snop  }
0x7: {  	_ = 	snop  }
__scs_overlays_trampoline_lowered:
0x8: {  	[smem:$0x3FA8] =	sst s0  }
0x9: {  	[smem:$0x3FA9] =	sst s1  }
0xa: {  	[smem:$0x3FAA] =	sst s2  }
0xb: {  	[smem:$0x3FAB] =	sst s3  }
0xc: {  	[smem:$0x3FAC] =	sst s4  }
0xd: {  	[smem:$0x3FAD] =	sst s5  }
0xe: {  	[smem:$0x3FAE] =	sst s6  }
0xf: {  	[smem:$0x3FAF] =	sst s7  }
0x10: {  	[smem:$0x3FB0] =	sst s8  }
0x11: {  	[smem:$0x3FB1] =	sst s9;
	s0 =	simm.s32 @!p0 $0x0  }
0x12: {  	s1 =	sld [smem:$0x3F97];
	s0 =	simm.s32 @p0 $0x1  }
0x13: {  	[smem:$0x3FB2] =	sst s0;
	s0 =	simm.s32 @!p1 $0x0  }
0x14: {  	s2 =	sld [smem:$0x3F96];
	s0 =	simm.s32 @p1 $0x1  }
0x15: {  	[smem:$0x3FB3] =	sst s0;
	s0 =	simm.s32 @!p2 $0x0  }
0x16: {  	s3 =	sld [smem:$0x3FDB];
	s0 =	simm.s32 @p2 $0x1  }
0x17: {  	s4 =	simm.s32 $0x1BF5;
	[smem:$0x3FB5] =	sst s0  }
0x18: {  	s0 =	sld [smem:$0x3F98];
	_ =	swait.ge [sflag:s4], $0x0  }
0x19: {  	s7 =	sld [smem:$0x3F99]  }
0x1a: {  	s8 =	sadd.s32 $0xFFFFE003, lr  }
0x1b: {  	s9 =	sadd.s32 $0xFFFFFEF7, lr;
	s5 =	simm.s32 $0xFFFFFFFF;
	p2 =	slt.u32 s8, $0xFFFFF086  }
0x1c: {  	p1 =	slt.u32 s9, $0xF7A;
	s5 =	simm.s32 @!p2 $0x0  }
0x1d: {  	s5 =	simm.s32 @p1 $0x1;
	p0 =	seq.s32 s7, s2  }
0x1e: {  	s7 =	smul.u32 @!p0 $0xF7A, s2;
	p2 =	seq.s32 @!p0 s5, $0x0  }
0x1f: {  	s9 =	smul.u32 $0xF7A, s1;
	s8 =	simm.s32 @!p0 $0x1BF5;
	p2 =	por !p2, p0  }
0x20: {  	[sflag:s8] =	ssyncset.s32 @!p0 $0xFFFFF086;
	s6 =	sadd.s32 @!p0 s3, s7;
	s7 =	simm.s32 @!p0 $0x108  }
0x21: {  	s3 =	sadd.s32 s3, s9;
	s6 =	sadd.s32 @!p0 $0x88, s6;
	s7 =	simm.s32 @p2 $0x1082  }
0x22: {  	[simem:s7], [sflag:s8] =	dma.local @!p0 [hbm:s6], $0xF7A  }
0x23: {  	s9 =	sor.u32 $0xD0000000, s2;
	s6 =	simm.s32 $0x108;
	_ =	swait.ge @!p0 [sflag:s8], $0x0  }
0x24: {  	s3 =	sadd.s32 $0x88, s3;
	s6 =	simm.s32 @!p1 $0x1082;
	[sflag:s4] =	ssyncset.s32 $0xFFFFF086  }
0x25: {  	[simem:s6], [sflag:s4] =	dma.local [hbm:s3], $0xF7A  }
0x26: {  	[smem:$0x3F99] =	sst s1;
	(tag) =	ssettag s2;
	_ =	strace s9  }
0x27: {  	s1 =	sld [smem:$0x3FA9]  }
0x28: {  	s2 =	sld [smem:$0x3FAA]  }
0x29: {  	s4 =	sld [smem:$0x3FAC]  }
0x2a: {  	p0 =	seq.s32 s5, $0x0;
	s5 =	sld [smem:$0x3FAD]  }
0x2b: {  	s6 =	sld [smem:$0x3FAE]  }
0x2c: {  	s7 =	sld [smem:$0x3FAF]  }
0x2d: {  	s3 =	simm.s32 $0x108;
	s8 =	sld [smem:$0x3FB0]  }
0x2e: {  	s3 =	simm.s32 @!p0 $0x1082;
	s9 =	sld [smem:$0x3FB1]  }
0x2f: {  	lr =	sadd.s32 s0, s3;
	s0 =	sld [smem:$0x3FA8]  }
0x30: {  	s3 =	sld [smem:$0x3FAB]  }
0x31: {  	[smem:$0x3FB4] =	sst s10  }
0x32: {  	s10 =	sld [smem:$0x3FB2];
	_ =	sdelay $0x3  }
0x33: {  	p0 =	seq.s32 s10, $0x1;
	s10 =	sld [smem:$0x3FB4];
	_ =	sdelay $0x3  }
0x34: {  	[smem:$0x3FB4] =	sst s10  }
0x35: {  	s10 =	sld [smem:$0x3FB3];
	_ =	sdelay $0x3  }
0x36: {  	p1 =	seq.s32 s10, $0x1;
	s10 =	sld [smem:$0x3FB4];
	_ =	sdelay $0x3  }
0x37: {  	[smem:$0x3FB4] =	sst s10  }
0x38: {  	s10 =	sld [smem:$0x3FB5]  }
0x39: {  	_ = 	snop;
	(pc) =	sbr.ind lr, $3  }
0x3a: {  	_ = 	snop  }
0x3b: {  	_ = 	snop  }
0x3c: {  	p2 =	seq.s32 s10, $0x1;
	s10 =	sld [smem:$0x3FB4]  }
0x3d: {  	_ =	shalt  }
0x3e: {  	_ =	shalt  }
0x3f: {  	_ =	shalt  }
0x40: {  	_ =	shalt  }
0x41: {  	_ =	shalt  }
0x42: {  	_ =	shalt  }
0x43: {  	_ =	shalt  }
0x44: {  	_ =	shalt  }
0x45: {  	_ =	shalt  }
0x46: {  	_ =	shalt  }
0x47: {  	_ =	shalt  }
0x48: {  	_ =	shalt  }
0x49: {  	_ =	shalt  }
0x4a: {  	_ =	shalt  }
0x4b: {  	_ =	shalt  }
0x4c: {  	_ =	shalt  }
0x4d: {  	_ =	shalt  }
0x4e: {  	_ =	shalt  }
0x4f: {  	_ =	shalt  }
0x50: {  	_ =	shalt  }
0x51: {  	_ =	shalt  }
0x52: {  	_ =	shalt  }
0x53: {  	_ =	shalt  }
0x54: {  	_ =	shalt  }
0x55: {  	_ =	shalt  }
0x56: {  	_ =	shalt  }
0x57: {  	_ =	shalt  }
0x58: {  	_ =	shalt  }
0x59: {  	_ =	shalt  }
0x5a: {  	_ =	shalt  }
0x5b: {  	_ =	shalt  }
0x5c: {  	_ =	shalt  }
0x5d: {  	_ =	shalt  }
0x5e: {  	_ =	shalt  }
0x5f: {  	_ =	shalt  }
0x60: {  	_ =	shalt  }
0x61: {  	_ =	shalt  }
0x62: {  	_ =	shalt  }
0x63: {  	_ =	shalt  }
0x64: {  	_ =	shalt  }
0x65: {  	_ =	shalt  }
0x66: {  	_ =	shalt  }
0x67: {  	_ =	shalt  }
0x68: {  	_ =	shalt  }
0x69: {  	_ =	shalt  }
0x6a: {  	_ =	shalt  }
0x6b: {  	_ =	shalt  }
0x6c: {  	_ =	shalt  }
0x6d: {  	_ =	shalt  }
0x6e: {  	_ =	shalt  }
0x6f: {  	_ =	shalt  }
0x70: {  	_ =	shalt  }
0x71: {  	_ =	shalt  }
0x72: {  	_ =	shalt  }
0x73: {  	_ =	shalt  }
0x74: {  	_ =	shalt  }
0x75: {  	_ =	shalt  }
0x76: {  	_ =	shalt  }
0x77: {  	_ =	shalt  }
0x78: {  	_ =	shalt  }
0x79: {  	_ =	shalt  }
0x7a: {  	_ =	shalt  }
0x7b: {  	_ =	shalt  }
0x7c: {  	_ =	shalt  }
0x7d: {  	_ =	shalt  }
0x7e: {  	_ =	shalt  }
0x7f: {  	_ =	shalt  }
0x80: {  	_ =	shalt  }
0x81: {  	_ =	shalt  }
0x82: {  	_ =	shalt  }
0x83: {  	_ =	shalt  }
0x84: {  	_ =	shalt  }
0x85: {  	_ =	shalt  }
0x86: {  	_ =	shalt  }
0x87: {  	_ =	shalt  }
.Lfunc_end0:
.L_simem_size_0:
called_computation.2_lowered:
.L_overlay_start_0:
0x88: {  	s2 =	sld [smem:$0x3FD9]  }
0x89: {  	s3 =	sld [smem:$0x3FFE];
	_ =	sdelay $0x1  }
0x8a: {  	s1 =	srdreg.scid  }
0x8b: {  	s0 =	sand.u32 $0x1, s1  }
0x8c: {  	s17 =	sshll.u32 s0, $0xA;
	s2 =	sadd.s32 s3, s2  }
0x8d: {  	s2 =	sadd.s32 s2, s17  }
0x8e: {  	[smem:$0x3FC0] =	sst s2  }
0x8f: {  	_ = 	snop  }
0x90: {  	s18 =	sld [smem:$0x3FC2];
	(tm) =	ssettm $0x1  }
0x91: {  	s19 =	sld [smem:$0x3FFB];
	_ =	sdelay $0x3  }
0x92: {  	_ =	strace s19  }
0x93: {  	s2 =	sld [smem:$0x3FFC];
	_ =	sdelay $0x3  }
0x94: {  	_ =	strace s2  }
0x95: {  	s2 =	sld [smem:$0x3FFD];
	_ =	sdelay $0x3  }
0x96: {  	_ =	strace s2  }
0x97: {  	_ =	strace $0x8FFFFFFF  }
0x98: {  	s20 =	sld [smem:$0x3FDB];
	_ =	sdelay $0x1  }
0x99: {  	s4 =	simm.s32 $_scs_section_size  }
0x9a: {  	s5 =	simm.s32 $_size__tile_overlayer_lowered;
	s6 =	simm.s32 $_tile_overlayer_lowered  }
0x9b: {  	s7 =	simm.s32 $0x1BFF;
	s21 =	sshll.u32 s6, $0x1;
	s4 =	sadd.s32 s4, s20  }
0x9c: {  	s22 =	simm.s32 $0x0;
	s5 =	sshll.u32 s5, $0x1;
	s6 =	sadd.s32 s21, s4  }
0x9d: {  	[timem:s22], [sflag:s7] =	dma.local [hbm:s6], s5  }
0x9e: {  	_ =	swait.ge [sflag:s7], s5  }
0x9f: {  	s5 =	ssub.s32 $0x0, s5;
	[sflag:s7] =	ssyncset.done $0x0  }
0xa0: {  	[sflag:s7] =	ssyncadd.s32 s5;
	_ =	sdelay $0x1  }
0xa1: {  	s23 =	simm.s32 $0x1B8B  }
0xa2: {  	_ =	swait.ge [sflag:s23], $0x1  }
0xa3: {  	[sflag:s23] =	ssyncset.done $0x0  }
0xa4: {  	[sflag:s23] =	ssyncadd.s32 $0xFFFFFFFF  }
0xa5: {  	s5 =	sld [smem:$0x0]  }
0xa6: {  	s6 =	sand.u32 $0xFFFFFFFE, s1  }
0xa7: {  	p0 =	sne.s32 s1, s6  }
0xa8: {  	s6 =	sshll.u32 @p0 s6, $0xE  }
0xa9: {  	s6 =	sadd.s32 @p0 $0x11B8D, s6;
	s7 =	sshll.u32 @p0 s5, $0x11  }
0xaa: {  	s6 =	sor.u32 @p0 s7, s6  }
0xab: {  	[sflag:s6] =	ssyncadd.remote.s32 @p0 $0x1;
	_ =	sdelay $0x1  }
0xac: {  	s6 =	simm.s32 @p0 $0x1B8D  }
0xad: {  	_ =	swait.eq @p0 [sflag:s6], $0x1  }
0xae: {  	[sflag:s6] =	ssyncadd.s32 @p0 $0xFFFFFFFF  }
0xaf: {  	s7 =	sshll.u32 @!p0 s1, $0xE  }
0xb0: {  	s7 =	sor.u32 @!p0 $0x4000, s7;
	s6 =	simm.s32 @!p0 $0x1B8D  }
0xb1: {  	s5 =	sshll.u32 @!p0 s5, $0x11;
	s7 =	sadd.s32 @!p0 $0x11B8D, s7;
	_ =	swait.eq @!p0 [sflag:s6], $0x1  }
0xb2: {  	s5 =	sor.u32 @!p0 s5, s7;
	[sflag:s6] =	ssyncadd.s32 @!p0 $0xFFFFFFFF  }
0xb3: {  	s25 =	simm.s32 $0x1B8E;
	s24 =	sld [smem:$0x3FFE];
	[sflag:s5] =	ssyncadd.remote.s32 @!p0 $0x1  }
0xb4: {  	s26 =	simm.s32 $execute0_lowered;
	[smem:$0x3FD2] =	sst s25  }
0xb5: {  	s6 =	sshll.u32 s26, $0x1;
	_ =	strace $0x8000004C;
	[dreg:$0x1] =	wrdreg $0xFFFFFFFF  }
0xb6: {  	s28 =	simm.s32 $_size_execute0_lowered;
	s4 =	sadd.s32 s4, s6;
	[dreg:$0x0] =	wrdreg $0x0  }
0xb7: {  	s6 =	sshll.u32 s28, $0x1;
	[dreg:$0x2] =	wrdreg s4  }
0xb8: {  	[dreg:$0x3] =	wrdreg s6  }
0xb9: {  	[dreg:$0x4] =	wrdreg $0xC0  }
0xba: {  	_ =	task [dreg:s22], $0x5FFFF  }
0xbb: {  	[dreg:$0x1] =	wrdreg $0xFFFFFFFF  }
0xbc: {  	[dreg:$0x0] =	wrdreg $0x60  }
0xbd: {  	[dreg:$0x2] =	wrdreg s24  }
0xbe: {  	[dreg:$0x3] =	wrdreg s18  }
0xbf: {  	[dreg:$0x4] =	wrdreg $0x87800  }
0xc0: {  	[dreg:$0x5] =	wrdreg $0xA0000  }
0xc1: {  	[dreg:$0x6] =	wrdreg $0xB8800  }
0xc2: {  	[dreg:$0x7] =	wrdreg $0x6F000  }
0xc3: {  	[dreg:$0x8] =	wrdreg $0x56800  }
0xc4: {  	[dreg:$0x9] =	wrdreg $0xA  }
0xc5: {  	_ =	task.clear_ibuf [dreg:s22], $0xAFFFF;
	_ =	strace $0x9000004C  }
0xc6: {  	s29 =	simm.s32 $0xA;
	_ =	strace $0x8000004E  }
0xc7: {  	_ =	swait.ge [sflag:s29], $0x1  }
0xc8: {  	[sflag:s29] =	ssyncadd.s32 $0xFFFFFFFF  }
0xc9: {  	_ =	strace $0x9000004E  }
0xca: {  	_ =	sfence  }
0xcb: {  	s30 =	sld [smem:$0x0];
	_ =	sdelay $0x2  }
0xcc: {  	s31 =	sshll.u32 s1, $0xD;
	s1 =	sshrl.u32 s1, $0x2  }
0xcd: {  	s4 =	sand.u32 $0x4000, s31;
	s1 =	sadd.s32 s1, s30  }
0xce: {  	s0 =	sor.u32 s4, s0;
	s1 =	sshll.u32 s1, $0x11  }
0xcf: {  	s0 =	sor.u32 s1, s0  }
0xd0: {  	s0 =	sadd.s32 $0x8F2B, s0  }
0xd1: {  	[sflag:s0] =	ssyncadd.remote.s32 $0x1  }
0xd2: {  	_ =	sfence.sel $0xFFFF  }
0xd3: {  	[dreg:$0x0] =	wrdreg $0xFFFFFFFF;
	(pc) =	sbr.abs _section_cstart, $3  }
0xd4: {  	[dreg:$0x1] =	wrdreg $0xFFFFFFFF  }
0xd5: {  	_ =	task.clear_ibuf [dreg:s22], $0x2FFFF;
	_ =	strace $0x9FFFFFFF  }
0xd6: {  	(tm) =	ssettm $0x7FFFFFFF  }
0xd7: {  	_ =	shalt  }
tec
execute0_lowered:
.L_overlay_start_1:
0x0: {  	(tag) =	ssettag $0x1  }
0x1: {  	s0 =	rddreg [dreg:$0x0]  }
0x2: {  	s1 =	rddreg [dreg:$0x1]  }
0x3: {  	s2 =	rddreg [dreg:$0x2]  }
0x4: {  	s3 =	rddreg [dreg:$0x3]  }
0x5: {  	s4 =	rddreg [dreg:$0x4]  }
0x6: {  	s5 =	rddreg [dreg:$0x5]  }
0x7: {  	s6 =	rddreg [dreg:$0x6]  }
0x8: {  	s7 =	simm.s32 $0x0;
	s11 =	srdreg.scid;
	s18 =	stileid.u32  }
0x9: {  	s28 =	simm.s32 $0x3000;
	[smem:$0x7FF] =	sst s7;
	s8 =	sadd.s32 $0x4C200, s0  }
0xa: {  	s9 =	sadd.s32 $0x1B400, s0;
	s10 =	sadd.s32 $0xEC00, s0;
	s12 =	sadd.s32 $0x11E00, s0  }
0xb: {  	s13 =	sadd.s32 $0x8800, s0;
	s11 =	sand.u32 $0x1, s11;
	s14 =	sadd.s32 $0x7D000, s0  }
0xc: {  	s17 =	sshll.u32 s18, $0x1;
	s18 =	smul.u32 $0xC40, s18;
	s0 =	sadd.s32 $0x83200, s0  }
0xd: {  	_ =	strace $0x8000004D;
	s15 =	ssub.s32 $0x2, s11;
	s26 =	sor.u32 s11, s17  }
0xe: {  	s31 =	smul.u32 $0x18800, s11;
	s19 =	sshrl.u32 s18, $0x3;
	s30 =	sadd.s32 s18, s3  }
0xf: {  	s20 =	sadd.s32 $0x620, s18;
	s21 =	sadd.s32 s12, s19;
	[dreg:$0x13] =	wrdreg s30  }
0x10: {  	s22 =	sshrl.u32 s20, $0x3;
	s19 =	sadd.s32 s10, s19;
	[dreg:$0x8] =	wrdreg s21  }
0x11: {  	s16 =	sshrl.u32 s15, $0x1;
	[dreg:$0x9] =	wrdreg s19;
	s12 =	sadd.s32 s12, s22  }
0x12: {  	s15 =	ssub.s32 s15, s16;
	s10 =	sadd.s32 s10, s22;
	[dreg:$0xa] =	wrdreg s12  }
0x13: {  	s11 =	smul.u32 $0xC350, s26;
	s17 =	smax.u32 s15, $0x1;
	[dreg:$0xb] =	wrdreg s10  }
0x14: {  	s29 =	sadd.s32 s18, s2;
	s19 =	sadd.s32 s18, s4;
	[dreg:$0x12] =	wrdreg s17  }
0x15: {  	s23 =	sadd.s32 s31, s18;
	s21 =	sadd.s32 s18, s5;
	[dreg:$0x14] =	wrdreg s19  }
0x16: {  	s25 =	sadd.s32 s31, s20;
	s22 =	sadd.s32 s18, s6;
	[dreg:$0x15] =	wrdreg s21  }
0x17: {  	s24 =	sshrl.u32 s23, $0x3;
	s23 =	sadd.s32 s20, s2;
	[dreg:$0x16] =	wrdreg s22  }
0x18: {  	s15 =	simm.s32 $0x800;
	s26 =	sadd.s32 s13, s24;
	[dreg:$0x17] =	wrdreg s23  }
0x19: {  	s18 =	simm.s32 $0x7D0;
	s31 =	sadd.s32 s14, s24;
	[dreg:$0xc] =	wrdreg s26  }
0x1a: {  	s12 =	sshrl.u32 s25, $0x3;
	s10 =	sadd.s32 s0, s24;
	[dreg:$0xd] =	wrdreg s31  }
0x1b: {  	s24 =	sadd.s32 s20, s3;
	s25 =	sadd.s32 s20, s4;
	[dreg:$0xe] =	wrdreg s10  }
0x1c: {  	s17 =	simm.s32 $0x1;
	s19 =	simm.s32 $0x4000;
	[dreg:$0x18] =	wrdreg s24  }
0x1d: {  	s21 =	simm.s32 $0x2000;
	s13 =	sadd.s32 s13, s12;
	[dreg:$0x19] =	wrdreg s25  }
0x1e: {  	s23 =	simm.s32 $0x2800;
	s16 =	sadd.s32 s14, s12;
	[dreg:$0xf] =	wrdreg s13  }
0x1f: {  	s0 =	sadd.s32 s0, s12;
	s26 =	sadd.s32 s20, s5;
	[dreg:$0x10] =	wrdreg s16  }
0x20: {  	s31 =	sadd.s32 s20, s6;
	s12 =	simm.s32 $0x3800;
	[dreg:$0x11] =	wrdreg s0  }
0x21: {  	s14 =	simm.s32 $0x5000;
	s20 =	simm.s32 $0x4800;
	[dreg:$0x1a] =	wrdreg s26  }
0x22: {  	s10 =	simm.s32 $0x0;
	[dreg:$0x1b] =	wrdreg s31;
	s13 =	simm.s32 $0x3  }
0x23: {  	v0 =	vimm.f32 $0.0e+00;
	v1 =	vimm.f32 $1.000000000e+00;
	s16 =	simm.s32 $0x1000;
	s26 =	simm.s32 $0x1800;
	s0 =	simm.s32 $0x2  }
.LBB2_1:
0x24: {  	s22 =	simm.s32 $0x40;
	s24 =	simm.s32 $0x0  }
.LBB2_2:
0x25: {  	p0 =	sne.s32 s22, $0x1F00;
	[tilespmem:s24+$0x3800] =	vst v0;
	s25 =	smov.u32 s22;
	s22 =	sadd.s32 $0x40, s22  }
.Ltmp0:
0x26: {  	[tilespmem:s24+$0x3000] =	vst v1;
	(pc) =	sbr.rel @p0 .LBB2_2-.Ltmp0, $2  }
0x27: {  	_ =	sdelay $0x2  }
0x28: {  	s24 =	sshra.s32 s25, $0x2  }
0x29: {  	[tilespmem:s24+$0x3800] =	vst v0  }
0x2a: {  	[tilespmem:s24+$0x3000] =	vst v1  }
0x2b: {  	[spmem:s29] =	stream.linear.scatter [tilespmem:s12], [sflag:$0x3], $0x620, $0x38;
	[tilespmem:$0xD100] =	vst v63  }
0x2c: {  	_ =	swait.ge [sflag:s13], $0x620  }
0x2d: {  	[sflag:s13] =	ssyncset.done $0x0  }
0x2e: {  	[sflag:s13] =	ssyncadd.s32 $0xFFFFF9E0  }
0x2f: {  	[spmem:s30] =	stream.linear.scatter [tilespmem:s12], [sflag:$0x3], $0x620, $0x38;
	[tilespmem:$0xD100] =	vst v63  }
0x30: {  	_ =	swait.ge [sflag:s13], $0x620  }
0x31: {  	[sflag:s13] =	ssyncset.done $0x0  }
0x32: {  	s22 =	rddreg [dreg:$0x14];
	[sflag:s13] =	ssyncadd.s32 $0xFFFFF9E0  }
0x33: {  	[spmem:s22] =	stream.linear.scatter [tilespmem:s12], [sflag:$0x3], $0x620, $0x38;
	[tilespmem:$0xD100] =	vst v63  }
0x34: {  	_ =	swait.ge [sflag:s13], $0x620  }
0x35: {  	s31 =	smov.u32 s29;
	[sflag:s13] =	ssyncset.done $0x0  }
0x36: {  	s22 =	simm.s32 $0x0;
	s29 =	rddreg [dreg:$0x8];
	[sflag:s13] =	ssyncadd.s32 $0xFFFFF9E0  }
0x37: {  	[tilespmem:s14], [sflag:$0x3] =	stream.linear.gather [hbm4b:s29+s22], $0x620, $0x38;
	[tilespmem:$0xD100] =	vst v63  }
0x38: {  	_ =	swait.ge [sflag:s13], $0x620  }
0x39: {  	[sflag:s13] =	ssyncset.done $0x0  }
0x3a: {  	s30 =	rddreg [dreg:$0x15];
	[sflag:s13] =	ssyncadd.s32 $0xFFFFF9E0  }
0x3b: {  	[spmem:s30] =	stream.linear.scatter [tilespmem:s14], [sflag:$0x3], $0x620, $0x38;
	[tilespmem:$0xD100] =	vst v63  }
0x3c: {  	_ =	swait.ge [sflag:s13], $0x620  }
0x3d: {  	[sflag:s13] =	ssyncset.done $0x0  }
0x3e: {  	s25 =	rddreg [dreg:$0x9];
	[sflag:s13] =	ssyncadd.s32 $0xFFFFF9E0  }
0x3f: {  	[tilespmem:s14], [sflag:$0x3] =	stream.linear.gather [hbm4b:s25+s22], $0x620, $0x38;
	[tilespmem:$0xD100] =	vst v63  }
0x40: {  	_ =	swait.ge [sflag:s13], $0x620  }
0x41: {  	[sflag:s13] =	ssyncset.done $0x0  }
0x42: {  	s29 =	rddreg [dreg:$0x16];
	[sflag:s13] =	ssyncadd.s32 $0xFFFFF9E0  }
0x43: {  	[spmem:s29] =	stream.linear.scatter [tilespmem:s14], [sflag:$0x3], $0x620, $0x38;
	[tilespmem:$0xD100] =	vst v63  }
0x44: {  	_ =	swait.ge [sflag:s13], $0x620  }
0x45: {  	[sflag:s13] =	ssyncset.done $0x0  }
0x46: {  	s30 =	rddreg [dreg:$0x17];
	[sflag:s13] =	ssyncadd.s32 $0xFFFFF9E0  }
0x47: {  	[spmem:s30] =	stream.linear.scatter [tilespmem:s12], [sflag:$0x3], $0x620, $0x38;
	[tilespmem:$0xD100] =	vst v63  }
0x48: {  	_ =	swait.ge [sflag:s13], $0x620  }
0x49: {  	[sflag:s13] =	ssyncset.done $0x0  }
0x4a: {  	s25 =	rddreg [dreg:$0x18];
	[sflag:s13] =	ssyncadd.s32 $0xFFFFF9E0  }
0x4b: {  	[spmem:s25] =	stream.linear.scatter [tilespmem:s12], [sflag:$0x3], $0x620, $0x38;
	[tilespmem:$0xD100] =	vst v63  }
0x4c: {  	_ =	swait.ge [sflag:s13], $0x620  }
0x4d: {  	[sflag:s13] =	ssyncset.done $0x0  }
0x4e: {  	s29 =	rddreg [dreg:$0x19];
	[sflag:s13] =	ssyncadd.s32 $0xFFFFF9E0  }
0x4f: {  	[spmem:s29] =	stream.linear.scatter [tilespmem:s12], [sflag:$0x3], $0x620, $0x38;
	[tilespmem:$0xD100] =	vst v63  }
0x50: {  	_ =	swait.ge [sflag:s13], $0x620  }
0x51: {  	[sflag:s13] =	ssyncset.done $0x0  }
0x52: {  	s30 =	rddreg [dreg:$0xa];
	[sflag:s13] =	ssyncadd.s32 $0xFFFFF9E0  }
0x53: {  	[tilespmem:s14], [sflag:$0x3] =	stream.linear.gather [hbm4b:s30+s22], $0x620, $0x38;
	[tilespmem:$0xD100] =	vst v63  }
0x54: {  	_ =	swait.ge [sflag:s13], $0x620  }
0x55: {  	[sflag:s13] =	ssyncset.done $0x0  }
0x56: {  	s25 =	rddreg [dreg:$0x1a];
	[sflag:s13] =	ssyncadd.s32 $0xFFFFF9E0  }
0x57: {  	[spmem:s25] =	stream.linear.scatter [tilespmem:s14], [sflag:$0x3], $0x620, $0x38;
	[tilespmem:$0xD100] =	vst v63  }
0x58: {  	_ =	swait.ge [sflag:s13], $0x620  }
0x59: {  	[sflag:s13] =	ssyncset.done $0x0  }
0x5a: {  	s29 =	rddreg [dreg:$0xb];
	[sflag:s13] =	ssyncadd.s32 $0xFFFFF9E0  }
0x5b: {  	[tilespmem:s14], [sflag:$0x3] =	stream.linear.gather [hbm4b:s29+s22], $0x620, $0x38;
	[tilespmem:$0xD100] =	vst v63  }
0x5c: {  	_ =	swait.ge [sflag:s13], $0x620  }
0x5d: {  	[sflag:s13] =	ssyncset.done $0x0  }
0x5e: {  	s30 =	rddreg [dreg:$0x1b];
	[sflag:s13] =	ssyncadd.s32 $0xFFFFF9E0  }
0x5f: {  	[spmem:s30] =	stream.linear.scatter [tilespmem:s14], [sflag:$0x3], $0x620, $0x38;
	[tilespmem:$0xD100] =	vst v63  }
0x60: {  	_ =	swait.ge [sflag:s13], $0x620  }
0x61: {  	[sflag:s13] =	ssyncset.done $0x0  }
0x62: {  	[sflag:s13] =	ssyncadd.s32 $0xFFFFF9E0  }
0x63: {  	s24 =	simm.s32 $0x0;
	[bflag:$0x0] =	sbarrier.arrive $0xFFFF  }
.LBB2_4:
0x64: {  	s25 =	smul.u32 $0x7D0, s24;
	_ =	sdelay $0x1  }
0x65: {  	s25 =	sadd.s32 s11, s25  }
0x66: {  	s25 =	sshrl.u32 s25, $0x3  }
0x67: {  	s29 =	sadd.s32 s8, s25  }
0x68: {  	[tilespmem:s22], [sflag:$0x1] =	stream.linear.gather [hbm4b:s29+s22], $0x7D0, $0x38;
	[tilespmem:$0xD100] =	vst v63  }
0x69: {  	s29 =	sadd.s32 s9, s25  }
0x6a: {  	[tilespmem:s15], [sflag:$0x1] =	stream.linear.gather [hbm4b:s29+s22], $0x7D0, $0x38;
	[tilespmem:$0xD100] =	vst v63  }
0x6b: {  	s25 =	sadd.s32 s1, s25  }
0x6c: {  	[tilespmem:s16], [sflag:$0x1] =	stream.linear.gather [hbm4b:s25+s22], $0x7D0, $0x38;
	[tilespmem:$0xD100] =	vst v63  }
0x6d: {  	_ =	swait.ge [sflag:s17], $0x7D0  }
0x6e: {  	[sflag:s17] =	ssyncset.done $0x0  }
0x6f: {  	[sflag:s17] =	ssyncadd.s32 $0xFFFFF830  }
0x70: {  	_ =	swait.ge [sflag:s17], $0x7D0  }
0x71: {  	[sflag:s17] =	ssyncset.done $0x0  }
0x72: {  	[sflag:s17] =	ssyncadd.s32 $0xFFFFF830  }
0x73: {  	_ =	swait.ge [sflag:s17], $0x7D0  }
0x74: {  	[sflag:s17] =	ssyncset.done $0x0  }
0x75: {  	[sflag:s17] =	ssyncadd.s32 $0xFFFFF830  }
0x76: {  	[tilespmem:s19], [sflag:$0x1] =	stream.indirect.gather [spmem:s6], $0x1, s22, s18, $0xb8;
	[tilespmem:$0xD100] =	vst v63  }
0x77: {  	_ = 	snop  }
0x78: {  	[tilespmem:s20], [sflag:$0x1] =	stream.indirect.gather [spmem:s6], $0x1, s15, s18, $0xb8;
	[tilespmem:$0xD100] =	vst v63  }
0x79: {  	_ =	swait.ge [sflag:s17], $0x7D0  }
0x7a: {  	[sflag:s17] =	ssyncset.done $0x0  }
0x7b: {  	[sflag:s17] =	ssyncadd.s32 $0xFFFFF830  }
0x7c: {  	_ =	swait.ge [sflag:s17], $0x7D0  }
0x7d: {  	[sflag:s17] =	ssyncset.done $0x0  }
0x7e: {  	s25 =	simm.s32 $0x0;
	[sflag:s17] =	ssyncadd.s32 $0xFFFFF830  }
0x7f: {  	v2 =	vld [tilespmem:s25+$0x0]  }
0x80: {  	v3 =	vld [tilespmem:s25+$0x4800]  }
0x81: {  	v5 =	vld [tilespmem:s25+$0x4000]  }
0x82: {  	v4 =	vld [tilespmem:s25+$0x800]  }
0x83: {  	s29 =	simm.s32 $0x40  }
.LBB2_5:
0x84: {  	s30 =	sshra.s32 s29, $0x2;
	v6 =	vmov v2;
	p0 =	sne.s32 s29, $0x1F00  }
.Ltmp1:
0x85: {  	v2 =	vld [tilespmem:s30+$0x0];
	(pc) =	sbr.rel @p0 .LBB2_5-.Ltmp1, $4  }
0x86: {  	s29 =	sadd.s32 $0x40, s29;
	vm0 =	vgt.f32 v3, v5;
	v3 =	vld [tilespmem:s30+$0x4800]  }
0x87: {  	v5 =	vld [tilespmem:s30+$0x4000];
	v7 =	vsel vm0, v6, v4;
	v6 =	vsel vm0, v4, v6  }
0x88: {  	v4 =	vld [tilespmem:s30+$0x800];
	[tilespmem:s25+$0x2000] =	vst v6  }
0x89: {  	[tilespmem:s25+$0x1800] =	vst v7;
	s25 =	smov.u32 s30  }
0x8a: {  	_ =	sdelay $0x1  }
0x8b: {  	vm0 =	vgt.f32 v3, v5  }
0x8c: {  	v3 =	vsel vm0, v4, v2  }
0x8d: {  	v2 =	vsel vm0, v2, v4;
	[tilespmem:s25+$0x2000] =	vst v3  }
0x8e: {  	[tilespmem:s25+$0x1800] =	vst v2  }
0x8f: {  	[tilespmem:s23], [sflag:$0x3] =	stream.indirect.gather [spmem:s5], $0x1, s21, s18, $0xb8;
	[tilespmem:$0xD100] =	vst v63  }
0x90: {  	_ =	swait.ge [sflag:s13], $0x7D0  }
0x91: {  	[sflag:s13] =	ssyncset.done $0x0  }
0x92: {  	[sflag:s13] =	ssyncadd.s32 $0xFFFFF830  }
0x93: {  	[spmem:s2] =	stream.indirect.scatter.add.f32 [tilespmem:s23], [sflag:$0x2], $0x1, s26, s18, $0xb8;
	[tilespmem:$0xD100] =	vst v63  }
0x94: {  	_ = 	snop  }
0x95: {  	[spmem:s3] =	stream.indirect.scatter.add.f32 [tilespmem:s16], [sflag:$0x2], $0x1, s7, s18, $0xb8;
	[tilespmem:$0xD100] =	vst v63  }
0x96: {  	_ = 	snop  }
0x97: {  	[spmem:s3] =	stream.indirect.scatter.add.f32 [tilespmem:s16], [sflag:$0x2], $0x1, s15, s18, $0xb8;
	[tilespmem:$0xD100] =	vst v63  }
0x98: {  	_ = 	snop  }
0x99: {  	[spmem:s4] =	stream.indirect.scatter.add.f32 [tilespmem:s28], [sflag:$0x2], $0x1, s7, s18, $0xb8;
	[tilespmem:$0xD100] =	vst v63  }
0x9a: {  	_ = 	snop  }
0x9b: {  	[spmem:s4] =	stream.indirect.scatter.add.f32 [tilespmem:s28], [sflag:$0x2], $0x1, s15, s18, $0xb8;
	[tilespmem:$0xD100] =	vst v63  }
0x9c: {  	_ =	swait.ge [sflag:s0], $0x7D0  }
0x9d: {  	[sflag:s0] =	ssyncset.done $0x0  }
0x9e: {  	[sflag:s0] =	ssyncadd.s32 $0xFFFFF830  }
0x9f: {  	_ =	swait.ge [sflag:s0], $0x7D0  }
0xa0: {  	[sflag:s0] =	ssyncset.done $0x0  }
0xa1: {  	[sflag:s0] =	ssyncadd.s32 $0xFFFFF830  }
0xa2: {  	_ =	swait.ge [sflag:s0], $0x7D0  }
0xa3: {  	[sflag:s0] =	ssyncset.done $0x0  }
0xa4: {  	s24 =	sadd.s32 $0x1, s24;
	[sflag:s0] =	ssyncadd.s32 $0xFFFFF830  }
0xa5: {  	p0 =	sne.s32 s24, $0x19;
	_ =	swait.ge [sflag:s0], $0x7D0  }
.Ltmp2:
0xa6: {  	[sflag:s0] =	ssyncset.done $0x0;
	(pc) =	sbr.rel @p0 .LBB2_4-.Ltmp2, $4  }
0xa7: {  	[sflag:s0] =	ssyncadd.s32 $0xFFFFF830  }
0xa8: {  	_ =	swait.ge [sflag:s0], $0x7D0  }
0xa9: {  	[sflag:s0] =	ssyncset.done $0x0  }
0xaa: {  	[sflag:s0] =	ssyncadd.s32 $0xFFFFF830  }
0xab: {  	[bflag:$0x0] =	sbarrier.arrive $0xFFFF  }
0xac: {  	[tilespmem:s14], [sflag:$0x3] =	stream.linear.gather [spmem:s31], $0x620, $0x38;
	[tilespmem:$0xD100] =	vst v63  }
0xad: {  	_ =	swait.ge [sflag:s13], $0x620  }
0xae: {  	[sflag:s13] =	ssyncset.done $0x0  }
0xaf: {  	s22 =	rddreg [dreg:$0xc];
	[sflag:s13] =	ssyncadd.s32 $0xFFFFF9E0  }
0xb0: {  	[hbm4b:s22+s7] =	stream.linear.scatter [tilespmem:s14], [sflag:$0x3], $0x620, $0x38;
	[tilespmem:$0xD100] =	vst v63  }
0xb1: {  	_ =	swait.ge [sflag:s13], $0x620  }
0xb2: {  	[sflag:s13] =	ssyncset.done $0x0  }
0xb3: {  	s30 =	rddreg [dreg:$0x13];
	[sflag:s13] =	ssyncadd.s32 $0xFFFFF9E0  }
0xb4: {  	[tilespmem:s14], [sflag:$0x3] =	stream.linear.gather [spmem:s30], $0x620, $0x38;
	[tilespmem:$0xD100] =	vst v63  }
0xb5: {  	_ =	swait.ge [sflag:s13], $0x620  }
0xb6: {  	[sflag:s13] =	ssyncset.done $0x0  }
0xb7: {  	s29 =	smov.u32 s31;
	s31 =	rddreg [dreg:$0xd];
	[sflag:s13] =	ssyncadd.s32 $0xFFFFF9E0  }
0xb8: {  	[hbm4b:s31+s7] =	stream.linear.scatter [tilespmem:s14], [sflag:$0x3], $0x620, $0x38;
	[tilespmem:$0xD100] =	vst v63  }
0xb9: {  	_ =	swait.ge [sflag:s13], $0x620  }
0xba: {  	[sflag:s13] =	ssyncset.done $0x0  }
0xbb: {  	s24 =	rddreg [dreg:$0x14];
	[sflag:s13] =	ssyncadd.s32 $0xFFFFF9E0  }
0xbc: {  	[tilespmem:s14], [sflag:$0x3] =	stream.linear.gather [spmem:s24], $0x620, $0x38;
	[tilespmem:$0xD100] =	vst v63  }
0xbd: {  	_ =	swait.ge [sflag:s13], $0x620  }
0xbe: {  	[sflag:s13] =	ssyncset.done $0x0  }
0xbf: {  	s25 =	rddreg [dreg:$0xe];
	[sflag:s13] =	ssyncadd.s32 $0xFFFFF9E0  }
0xc0: {  	[hbm4b:s25+s7] =	stream.linear.scatter [tilespmem:s14], [sflag:$0x3], $0x620, $0x38;
	[tilespmem:$0xD100] =	vst v63  }
0xc1: {  	_ =	swait.ge [sflag:s13], $0x620  }
0xc2: {  	[sflag:s13] =	ssyncset.done $0x0  }
0xc3: {  	s31 =	rddreg [dreg:$0x17];
	[sflag:s13] =	ssyncadd.s32 $0xFFFFF9E0  }
0xc4: {  	[tilespmem:s14], [sflag:$0x3] =	stream.linear.gather [spmem:s31], $0x620, $0x38;
	[tilespmem:$0xD100] =	vst v63  }
0xc5: {  	_ =	swait.ge [sflag:s13], $0x620  }
0xc6: {  	[sflag:s13] =	ssyncset.done $0x0  }
0xc7: {  	s24 =	rddreg [dreg:$0xf];
	[sflag:s13] =	ssyncadd.s32 $0xFFFFF9E0  }
0xc8: {  	[hbm4b:s24+s7] =	stream.linear.scatter [tilespmem:s14], [sflag:$0x3], $0x620, $0x38;
	[tilespmem:$0xD100] =	vst v63  }
0xc9: {  	_ =	swait.ge [sflag:s13], $0x620  }
0xca: {  	[sflag:s13] =	ssyncset.done $0x0  }
0xcb: {  	s25 =	rddreg [dreg:$0x18];
	[sflag:s13] =	ssyncadd.s32 $0xFFFFF9E0  }
0xcc: {  	[tilespmem:s14], [sflag:$0x3] =	stream.linear.gather [spmem:s25], $0x620, $0x38;
	[tilespmem:$0xD100] =	vst v63  }
0xcd: {  	_ =	swait.ge [sflag:s13], $0x620  }
0xce: {  	[sflag:s13] =	ssyncset.done $0x0  }
0xcf: {  	s31 =	rddreg [dreg:$0x10];
	[sflag:s13] =	ssyncadd.s32 $0xFFFFF9E0  }
0xd0: {  	[hbm4b:s31+s7] =	stream.linear.scatter [tilespmem:s14], [sflag:$0x3], $0x620, $0x38;
	[tilespmem:$0xD100] =	vst v63  }
0xd1: {  	_ =	swait.ge [sflag:s13], $0x620  }
0xd2: {  	[sflag:s13] =	ssyncset.done $0x0  }
0xd3: {  	s24 =	rddreg [dreg:$0x19];
	[sflag:s13] =	ssyncadd.s32 $0xFFFFF9E0  }
0xd4: {  	[tilespmem:s14], [sflag:$0x3] =	stream.linear.gather [spmem:s24], $0x620, $0x38;
	[tilespmem:$0xD100] =	vst v63  }
0xd5: {  	_ =	swait.ge [sflag:s13], $0x620  }
0xd6: {  	[sflag:s13] =	ssyncset.done $0x0  }
0xd7: {  	s25 =	rddreg [dreg:$0x11];
	[sflag:s13] =	ssyncadd.s32 $0xFFFFF9E0  }
0xd8: {  	[hbm4b:s25+s7] =	stream.linear.scatter [tilespmem:s14], [sflag:$0x3], $0x620, $0x38;
	[tilespmem:$0xD100] =	vst v63  }
0xd9: {  	_ =	swait.ge [sflag:s13], $0x620  }
0xda: {  	s10 =	sadd.s32 $0x1, s10;
	s31 =	rddreg [dreg:$0x12]  }
0xdb: {  	p0 =	sne.s32 s10, s31  }
.Ltmp3:
0xdc: {  	_ = 	snop;
	(pc) =	sbr.rel @p0 .LBB2_1-.Ltmp3, $3  }
0xdd: {  	_ =	sdelay $0x1  }
0xde: {  	[sflag:s13] =	ssyncset.done $0x0  }
0xdf: {  	[sflag:s13] =	ssyncadd.s32 $0xFFFFF9E0  }
0xe0: {  	_ =	sfence.sel $0x180000  }
0xe1: {  	[bflag:$0x0] =	sbarrier.arrive $0xFFFF  }
0xe2: {  	_ =	strace $0x9000004D  }
0xe3: {  	s0 =	stileid.u32;
	[bflag:$0x2] =	sbarrier.arrive $0xFFFF  }
0xe4: {  	p0 =	sne.s32 s0, $0x0;
	s0 =	rddreg [dreg:$0x7]  }
0xe5: {  	s0 =	sadd.s32 @!p0 $0x100000, s0  }
0xe6: {  	[sflag:s0] =	ssyncadd.tile.s32 @!p0 $0x1;
	_ =	shalt  }
.Lfunc_end2:
_tile_overlayer_lowered:
.L_overlay_start_2:
0xe7: {  	(tag) =	ssettag $0x2  }
0xe8: {  	s0 =	rddreg [dreg:$0x0];
	s2 =	stileid.u32  }
0xe9: {  	s1 =	rddreg [dreg:$0x1];
	p0 =	sne.s32 s2, $0x0  }
0xea: {  	s3 =	rddreg [dreg:$0x2];
	[bflag:$0x3] =	sbarrier.arrive $0xFFFF;
	s2 =	simm.s32 @!p0 $0x1C03  }
0xeb: {  	[timem:s3], [sflag:s2] =	dma.local @!p0 [hbm:s0], s1  }
0xec: {  	s0 =	simm.s32 @!p0 $0x3  }
0xed: {  	_ =	swait.ge @!p0 [sflag:s0], s1  }
0xee: {  	s1 =	ssub.s32 @!p0 $0x0, s1;
	[sflag:s0] =	ssyncset.done @!p0 $0x0  }
0xef: {  	[sflag:s0] =	ssyncadd.s32 @!p0 s1  }
0xf0: {  	[bflag:$0x3] =	sbarrier.arrive $0xFFFF  }
0xf1: {  	_ =	shalt  }

// kernel: kernel.15.cloned.1.call-start
scs
__scs_entry_jumppad:
0x0: {  	(pc) =	sbr.rel $0x88, $3  }
0x1: {  	(tag) =	ssettag $0x0;
	lr =	simm.s32 $0x1  }
0x2: {  	[smem:$0x3F99] =	sst lr;
	_ =	strace $0xD0000000  }
0x3: {  	_ = 	snop  }
0x4: {  	_ = 	snop  }
0x5: {  	_ = 	snop  }
0x6: {  	_ = 	snop  }
0x7: {  	_ = 	snop  }
__scs_overlays_trampoline_lowered:
0x8: {  	[smem:$0x3FA8] =	sst s0  }
0x9: {  	[smem:$0x3FA9] =	sst s1  }
0xa: {  	[smem:$0x3FAA] =	sst s2  }
0xb: {  	[smem:$0x3FAB] =	sst s3  }
0xc: {  	[smem:$0x3FAC] =	sst s4  }
0xd: {  	[smem:$0x3FAD] =	sst s5  }
0xe: {  	[smem:$0x3FAE] =	sst s6  }
0xf: {  	[smem:$0x3FAF] =	sst s7  }
0x10: {  	[smem:$0x3FB0] =	sst s8  }
0x11: {  	[smem:$0x3FB1] =	sst s9;
	s0 =	simm.s32 @!p0 $0x0  }
0x12: {  	s1 =	sld [smem:$0x3F97];
	s0 =	simm.s32 @p0 $0x1  }
0x13: {  	[smem:$0x3FB2] =	sst s0;
	s0 =	simm.s32 @!p1 $0x0  }
0x14: {  	s2 =	sld [smem:$0x3F96];
	s0 =	simm.s32 @p1 $0x1  }
0x15: {  	[smem:$0x3FB3] =	sst s0;
	s0 =	simm.s32 @!p2 $0x0  }
0x16: {  	s3 =	sld [smem:$0x3FDB];
	s0 =	simm.s32 @p2 $0x1  }
0x17: {  	s4 =	simm.s32 $0x1BF5;
	[smem:$0x3FB5] =	sst s0  }
0x18: {  	s0 =	sld [smem:$0x3F98];
	_ =	swait.ge [sflag:s4], $0x0  }
0x19: {  	s7 =	sld [smem:$0x3F99]  }
0x1a: {  	s8 =	sadd.s32 $0xFFFFE003, lr  }
0x1b: {  	s9 =	sadd.s32 $0xFFFFFEF7, lr;
	s5 =	simm.s32 $0xFFFFFFFF;
	p2 =	slt.u32 s8, $0xFFFFF086  }
0x1c: {  	p1 =	slt.u32 s9, $0xF7A;
	s5 =	simm.s32 @!p2 $0x0  }
0x1d: {  	s5 =	simm.s32 @p1 $0x1;
	p0 =	seq.s32 s7, s2  }
0x1e: {  	s7 =	smul.u32 @!p0 $0xF7A, s2;
	p2 =	seq.s32 @!p0 s5, $0x0  }
0x1f: {  	s9 =	smul.u32 $0xF7A, s1;
	s8 =	simm.s32 @!p0 $0x1BF5;
	p2 =	por !p2, p0  }
0x20: {  	[sflag:s8] =	ssyncset.s32 @!p0 $0xFFFFF086;
	s6 =	sadd.s32 @!p0 s3, s7;
	s7 =	simm.s32 @!p0 $0x108  }
0x21: {  	s3 =	sadd.s32 s3, s9;
	s6 =	sadd.s32 @!p0 $0x88, s6;
	s7 =	simm.s32 @p2 $0x1082  }
0x22: {  	[simem:s7], [sflag:s8] =	dma.local @!p0 [hbm:s6], $0xF7A  }
0x23: {  	s9 =	sor.u32 $0xD0000000, s2;
	s6 =	simm.s32 $0x108;
	_ =	swait.ge @!p0 [sflag:s8], $0x0  }
0x24: {  	s3 =	sadd.s32 $0x88, s3;
	s6 =	simm.s32 @!p1 $0x1082;
	[sflag:s4] =	ssyncset.s32 $0xFFFFF086  }
0x25: {  	[simem:s6], [sflag:s4] =	dma.local [hbm:s3], $0xF7A  }
0x26: {  	[smem:$0x3F99] =	sst s1;
	(tag) =	ssettag s2;
	_ =	strace s9  }
0x27: {  	s1 =	sld [smem:$0x3FA9]  }
0x28: {  	s2 =	sld [smem:$0x3FAA]  }
0x29: {  	s4 =	sld [smem:$0x3FAC]  }
0x2a: {  	p0 =	seq.s32 s5, $0x0;
	s5 =	sld [smem:$0x3FAD]  }
0x2b: {  	s6 =	sld [smem:$0x3FAE]  }
0x2c: {  	s7 =	sld [smem:$0x3FAF]  }
0x2d: {  	s3 =	simm.s32 $0x108;
	s8 =	sld [smem:$0x3FB0]  }
0x2e: {  	s3 =	simm.s32 @!p0 $0x1082;
	s9 =	sld [smem:$0x3FB1]  }
0x2f: {  	lr =	sadd.s32 s0, s3;
	s0 =	sld [smem:$0x3FA8]  }
0x30: {  	s3 =	sld [smem:$0x3FAB]  }
0x31: {  	[smem:$0x3FB4] =	sst s10  }
0x32: {  	s10 =	sld [smem:$0x3FB2];
	_ =	sdelay $0x3  }
0x33: {  	p0 =	seq.s32 s10, $0x1;
	s10 =	sld [smem:$0x3FB4];
	_ =	sdelay $0x3  }
0x34: {  	[smem:$0x3FB4] =	sst s10  }
0x35: {  	s10 =	sld [smem:$0x3FB3];
	_ =	sdelay $0x3  }
0x36: {  	p1 =	seq.s32 s10, $0x1;
	s10 =	sld [smem:$0x3FB4];
	_ =	sdelay $0x3  }
0x37: {  	[smem:$0x3FB4] =	sst s10  }
0x38: {  	s10 =	sld [smem:$0x3FB5]  }
0x39: {  	_ = 	snop;
	(pc) =	sbr.ind lr, $3  }
0x3a: {  	_ = 	snop  }
0x3b: {  	_ = 	snop  }
0x3c: {  	p2 =	seq.s32 s10, $0x1;
	s10 =	sld [smem:$0x3FB4]  }
0x3d: {  	_ =	shalt  }
0x3e: {  	_ =	shalt  }
0x3f: {  	_ =	shalt  }
0x40: {  	_ =	shalt  }
0x41: {  	_ =	shalt  }
0x42: {  	_ =	shalt  }
0x43: {  	_ =	shalt  }
0x44: {  	_ =	shalt  }
0x45: {  	_ =	shalt  }
0x46: {  	_ =	shalt  }
0x47: {  	_ =	shalt  }
0x48: {  	_ =	shalt  }
0x49: {  	_ =	shalt  }
0x4a: {  	_ =	shalt  }
0x4b: {  	_ =	shalt  }
0x4c: {  	_ =	shalt  }
0x4d: {  	_ =	shalt  }
0x4e: {  	_ =	shalt  }
0x4f: {  	_ =	shalt  }
0x50: {  	_ =	shalt  }
0x51: {  	_ =	shalt  }
0x52: {  	_ =	shalt  }
0x53: {  	_ =	shalt  }
0x54: {  	_ =	shalt  }
0x55: {  	_ =	shalt  }
0x56: {  	_ =	shalt  }
0x57: {  	_ =	shalt  }
0x58: {  	_ =	shalt  }
0x59: {  	_ =	shalt  }
0x5a: {  	_ =	shalt  }
0x5b: {  	_ =	shalt  }
0x5c: {  	_ =	shalt  }
0x5d: {  	_ =	shalt  }
0x5e: {  	_ =	shalt  }
0x5f: {  	_ =	shalt  }
0x60: {  	_ =	shalt  }
0x61: {  	_ =	shalt  }
0x62: {  	_ =	shalt  }
0x63: {  	_ =	shalt  }
0x64: {  	_ =	shalt  }
0x65: {  	_ =	shalt  }
0x66: {  	_ =	shalt  }
0x67: {  	_ =	shalt  }
0x68: {  	_ =	shalt  }
0x69: {  	_ =	shalt  }
0x6a: {  	_ =	shalt  }
0x6b: {  	_ =	shalt  }
0x6c: {  	_ =	shalt  }
0x6d: {  	_ =	shalt  }
0x6e: {  	_ =	shalt  }
0x6f: {  	_ =	shalt  }
0x70: {  	_ =	shalt  }
0x71: {  	_ =	shalt  }
0x72: {  	_ =	shalt  }
0x73: {  	_ =	shalt  }
0x74: {  	_ =	shalt  }
0x75: {  	_ =	shalt  }
0x76: {  	_ =	shalt  }
0x77: {  	_ =	shalt  }
0x78: {  	_ =	shalt  }
0x79: {  	_ =	shalt  }
0x7a: {  	_ =	shalt  }
0x7b: {  	_ =	shalt  }
0x7c: {  	_ =	shalt  }
0x7d: {  	_ =	shalt  }
0x7e: {  	_ =	shalt  }
0x7f: {  	_ =	shalt  }
0x80: {  	_ =	shalt  }
0x81: {  	_ =	shalt  }
0x82: {  	_ =	shalt  }
0x83: {  	_ =	shalt  }
0x84: {  	_ =	shalt  }
0x85: {  	_ =	shalt  }
0x86: {  	_ =	shalt  }
0x87: {  	_ =	shalt  }
.Lfunc_end0:
.L_simem_size_0:
called_computation.3_lowered:
.L_overlay_start_0:
0x88: {  	s2 =	sld [smem:$0x3FD9]  }
0x89: {  	s3 =	sld [smem:$0x3FFE];
	_ =	sdelay $0x1  }
0x8a: {  	s1 =	srdreg.scid  }
0x8b: {  	s0 =	sand.u32 $0x1, s1  }
0x8c: {  	s17 =	sshll.u32 s0, $0xA;
	s2 =	sadd.s32 s3, s2  }
0x8d: {  	s2 =	sadd.s32 s2, s17  }
0x8e: {  	[smem:$0x3FC0] =	sst s2  }
0x8f: {  	_ = 	snop  }
0x90: {  	s2 =	sld [smem:$0x3FD0];
	(tm) =	ssettm $0x1  }
0x91: {  	s18 =	sld [smem:$0x3FFB];
	_ =	sdelay $0x3  }
0x92: {  	_ =	strace s18  }
0x93: {  	s3 =	sld [smem:$0x3FFC];
	_ =	sdelay $0x3  }
0x94: {  	_ =	strace s3  }
0x95: {  	s3 =	sld [smem:$0x3FFD];
	_ =	sdelay $0x3  }
0x96: {  	_ =	strace s3  }
0x97: {  	_ =	strace $0x8FFFFFFF  }
0x98: {  	s19 =	sld [smem:$0x3FDB];
	_ =	sdelay $0x1  }
0x99: {  	s4 =	simm.s32 $_scs_section_size  }
0x9a: {  	s5 =	simm.s32 $_size__tile_overlayer_lowered;
	s6 =	simm.s32 $_tile_overlayer_lowered  }
0x9b: {  	s22 =	simm.s32 $0x1BFF;
	s21 =	sshll.u32 s6, $0x1;
	s3 =	sadd.s32 s4, s19  }
0x9c: {  	s7 =	simm.s32 $0x0;
	s20 =	sshll.u32 s5, $0x1;
	s5 =	sadd.s32 s21, s3  }
0x9d: {  	[timem:s7], [sflag:s22] =	dma.local [hbm:s5], s20  }
0x9e: {  	_ =	swait.ge [sflag:s22], s20  }
0x9f: {  	s4 =	ssub.s32 $0x0, s20;
	[sflag:s22] =	ssyncset.done $0x0  }
0xa0: {  	[sflag:s22] =	ssyncadd.s32 s4;
	_ =	sdelay $0x1  }
0xa1: {  	s23 =	simm.s32 $0x1B8B  }
0xa2: {  	_ =	swait.ge [sflag:s23], $0x1  }
0xa3: {  	[sflag:s23] =	ssyncset.done $0x0  }
0xa4: {  	s25 =	simm.s32 $0x1B8E;
	s24 =	sld [smem:$0x3FFE];
	[sflag:s23] =	ssyncadd.s32 $0xFFFFFFFF  }
0xa5: {  	s26 =	simm.s32 $execute0_lowered;
	[smem:$0x3FD2] =	sst s25  }
0xa6: {  	s5 =	sshll.u32 s26, $0x1;
	_ =	strace $0x8000004F;
	[dreg:$0x1] =	wrdreg $0xFFFFFFFF  }
0xa7: {  	s28 =	simm.s32 $_size_execute0_lowered;
	s3 =	sadd.s32 s3, s5;
	[dreg:$0x0] =	wrdreg $0x0  }
0xa8: {  	s5 =	sshll.u32 s28, $0x1;
	[dreg:$0x2] =	wrdreg s3  }
0xa9: {  	[dreg:$0x3] =	wrdreg s5  }
0xaa: {  	[dreg:$0x4] =	wrdreg $0xC0  }
0xab: {  	_ =	task [dreg:s7], $0x5FFFF  }
0xac: {  	[dreg:$0x1] =	wrdreg $0xFFFFFFFF  }
0xad: {  	[dreg:$0x0] =	wrdreg $0x60  }
0xae: {  	[dreg:$0x2] =	wrdreg s24  }
0xaf: {  	[dreg:$0x3] =	wrdreg s2  }
0xb0: {  	[dreg:$0x4] =	wrdreg $0x1B7800  }
0xb1: {  	[dreg:$0x5] =	wrdreg $0x19F000  }
0xb2: {  	[dreg:$0x6] =	wrdreg $0x186800  }
0xb3: {  	[dreg:$0x7] =	wrdreg $0x9  }
0xb4: {  	_ =	task.clear_ibuf [dreg:s7], $0x8FFFF;
	_ =	strace $0x9000004F  }
0xb5: {  	s29 =	simm.s32 $0x9;
	_ =	strace $0x80000051  }
0xb6: {  	_ =	swait.ge [sflag:s29], $0x1  }
0xb7: {  	[sflag:s29] =	ssyncadd.s32 $0xFFFFFFFF  }
0xb8: {  	_ =	strace $0x90000051  }
0xb9: {  	_ =	sfence  }
0xba: {  	s30 =	sld [smem:$0x0];
	_ =	sdelay $0x2  }
0xbb: {  	s31 =	sshll.u32 s1, $0xD;
	s1 =	sshrl.u32 s1, $0x2  }
0xbc: {  	s3 =	sand.u32 $0x4000, s31;
	s1 =	sadd.s32 s1, s30  }
0xbd: {  	s0 =	sor.u32 s3, s0;
	s1 =	sshll.u32 s1, $0x11  }
0xbe: {  	s0 =	sor.u32 s1, s0  }
0xbf: {  	s0 =	sadd.s32 $0x8F2B, s0  }
0xc0: {  	[sflag:s0] =	ssyncadd.remote.s32 $0x1  }
0xc1: {  	_ =	sfence.sel $0xFFFF  }
0xc2: {  	[dreg:$0x0] =	wrdreg $0xFFFFFFFF;
	(pc) =	sbr.abs _section_cstart, $3  }
0xc3: {  	[dreg:$0x1] =	wrdreg $0xFFFFFFFF  }
0xc4: {  	_ =	task.clear_ibuf [dreg:s7], $0x2FFFF;
	_ =	strace $0x9FFFFFFF  }
0xc5: {  	(tm) =	ssettm $0x7FFFFFFF  }
tec
execute0_lowered:
.L_overlay_start_1:
0x0: {  	(tag) =	ssettag $0x1  }
0x1: {  	s0 =	rddreg [dreg:$0x0]  }
0x2: {  	s1 =	rddreg [dreg:$0x1]  }
0x3: {  	s2 =	rddreg [dreg:$0x2]  }
0x4: {  	s4 =	rddreg [dreg:$0x3]  }
0x5: {  	s5 =	rddreg [dreg:$0x4];
	s6 =	simm.s32 $0x0;
	s16 =	stileid.u32  }
0x6: {  	s9 =	srdreg.scid;
	s28 =	simm.s32 $0x7D0;
	s29 =	simm.s32 $0x1000  }
0x7: {  	s30 =	simm.s32 $0x1800;
	[smem:$0x7FF] =	sst s6;
	s3 =	smul.u32 $0x1880, s16  }
0x8: {  	s7 =	sadd.s32 $0x4C200, s0;
	s8 =	sadd.s32 $0x1B400, s0;
	s9 =	sand.u32 $0x1, s9  }
0x9: {  	s12 =	sadd.s32 $0x8800, s0;
	s25 =	sshll.u32 s16, $0x1;
	_ =	strace $0x80000050  }
0xa: {  	s13 =	ssub.s32 $0x2, s9;
	s9 =	sor.u32 s9, s25;
	s24 =	sadd.s32 s3, s2  }
0xb: {  	s10 =	sshrl.u32 s3, $0x3;
	s25 =	sadd.s32 s3, s4;
	[dreg:$0x10] =	wrdreg s24  }
0xc: {  	s14 =	sadd.s32 $0x7D000, s0;
	s17 =	sadd.s32 s12, s10;
	[dreg:$0x11] =	wrdreg s25  }
0xd: {  	s26 =	sadd.s32 $0x3100, s10;
	s18 =	sadd.s32 s14, s10;
	[dreg:$0x6] =	wrdreg s17  }
0xe: {  	s11 =	sadd.s32 s10, s0;
	s12 =	sadd.s32 s12, s26;
	[dreg:$0x8] =	wrdreg s18  }
0xf: {  	s0 =	sadd.s32 $0x83200, s0;
	s19 =	sadd.s32 s14, s26;
	[dreg:$0x7] =	wrdreg s12  }
0x10: {  	s31 =	simm.s32 $0x2000;
	s10 =	sadd.s32 s0, s10;
	[dreg:$0x9] =	wrdreg s19  }
0x11: {  	s15 =	sshrl.u32 s13, $0x1;
	s0 =	sadd.s32 s0, s26;
	[dreg:$0xa] =	wrdreg s10  }
0x12: {  	s13 =	ssub.s32 s13, s15;
	s20 =	sadd.s32 $0x11E00, s11;
	[dreg:$0xb] =	wrdreg s0  }
0x13: {  	s25 =	simm.s32 $0x1;
	s21 =	sadd.s32 $0x18200, s11;
	[dreg:$0xc] =	wrdreg s20  }
0x14: {  	s22 =	sadd.s32 $0x2400, s11;
	s23 =	sadd.s32 $0x5600, s11;
	[dreg:$0xd] =	wrdreg s21  }
0x15: {  	s26 =	sadd.s32 $0x15000, s11;
	s24 =	smax.u32 s13, $0x1;
	[dreg:$0xe] =	wrdreg s22  }
0x16: {  	s11 =	simm.s32 $0x3800;
	s13 =	simm.s32 $0x0;
	[dreg:$0xf] =	wrdreg s23  }
0x17: {  	[dreg:$0x12] =	wrdreg s26;
	s22 =	sadd.s32 s3, s5;
	s23 =	smul.u32 $0xC350, s9  }
0x18: {  	s26 =	simm.s32 $0x2;
	s0 =	simm.s32 $0x4800;
	s3 =	simm.s32 $0x800  }
0x19: {  	s9 =	simm.s32 $0x2800;
	s10 =	simm.s32 $0x3000;
	s12 =	simm.s32 $0x4000  }
.LBB2_1:
0x1a: {  	s14 =	rddreg [dreg:$0x6];
	s15 =	simm.s32 $0x6080  }
0x1b: {  	[tilespmem:s15], [sflag:$0x2] =	stream.linear.gather [hbm4b:s14+s6], $0x1880, $0x38;
	[tilespmem:$0x1D000] =	vst v63  }
0x1c: {  	_ =	swait.ge [sflag:s26], $0x1880  }
0x1d: {  	[sflag:s26] =	ssyncset.done $0x0  }
0x1e: {  	s17 =	simm.s32 $0x7900;
	s16 =	rddreg [dreg:$0x7];
	[sflag:s26] =	ssyncadd.s32 $0xFFFFE780  }
0x1f: {  	[tilespmem:s17], [sflag:$0x2] =	stream.linear.gather [hbm4b:s16+s6], $0x1880, $0x38;
	[tilespmem:$0x1D000] =	vst v63  }
0x20: {  	_ =	swait.ge [sflag:s26], $0x1880  }
0x21: {  	[sflag:s26] =	ssyncset.done $0x0  }
0x22: {  	s19 =	simm.s32 $0x9180;
	s18 =	rddreg [dreg:$0x8];
	[sflag:s26] =	ssyncadd.s32 $0xFFFFE780  }
0x23: {  	[tilespmem:s19], [sflag:$0x2] =	stream.linear.gather [hbm4b:s18+s6], $0x1880, $0x38;
	[tilespmem:$0x1D000] =	vst v63  }
0x24: {  	_ =	swait.ge [sflag:s26], $0x1880  }
0x25: {  	[sflag:s26] =	ssyncset.done $0x0  }
0x26: {  	s21 =	simm.s32 $0xAA00;
	s20 =	rddreg [dreg:$0x9];
	[sflag:s26] =	ssyncadd.s32 $0xFFFFE780  }
0x27: {  	[tilespmem:s21], [sflag:$0x2] =	stream.linear.gather [hbm4b:s20+s6], $0x1880, $0x38;
	[tilespmem:$0x1D000] =	vst v63  }
0x28: {  	_ =	swait.ge [sflag:s26], $0x1880  }
0x29: {  	[sflag:s26] =	ssyncset.done $0x0  }
0x2a: {  	s17 =	simm.s32 $0xC280;
	s16 =	rddreg [dreg:$0xa];
	[sflag:s26] =	ssyncadd.s32 $0xFFFFE780  }
0x2b: {  	[tilespmem:s17], [sflag:$0x2] =	stream.linear.gather [hbm4b:s16+s6], $0x1880, $0x38;
	[tilespmem:$0x1D000] =	vst v63  }
0x2c: {  	_ =	swait.ge [sflag:s26], $0x1880  }
0x2d: {  	[sflag:s26] =	ssyncset.done $0x0  }
0x2e: {  	s19 =	simm.s32 $0xDB00;
	s18 =	rddreg [dreg:$0xb];
	[sflag:s26] =	ssyncadd.s32 $0xFFFFE780  }
0x2f: {  	[tilespmem:s19], [sflag:$0x2] =	stream.linear.gather [hbm4b:s18+s6], $0x1880, $0x38;
	[tilespmem:$0x1D000] =	vst v63  }
0x30: {  	_ =	swait.ge [sflag:s26], $0x1880  }
0x31: {  	[sflag:s26] =	ssyncset.done $0x0  }
0x32: {  	s21 =	simm.s32 $0xF380;
	s20 =	rddreg [dreg:$0xc];
	[sflag:s26] =	ssyncadd.s32 $0xFFFFE780  }
0x33: {  	[tilespmem:s21], [sflag:$0x2] =	stream.linear.gather [hbm4b:s20+s6], $0x1880, $0x38;
	[tilespmem:$0x1D000] =	vst v63  }
0x34: {  	_ =	swait.ge [sflag:s26], $0x1880  }
0x35: {  	[sflag:s26] =	ssyncset.done $0x0  }
0x36: {  	s17 =	simm.s32 $0x10C00;
	s16 =	rddreg [dreg:$0xd];
	[sflag:s26] =	ssyncadd.s32 $0xFFFFE780  }
0x37: {  	[tilespmem:s17], [sflag:$0x2] =	stream.linear.gather [hbm4b:s16+s6], $0x1880, $0x38;
	[tilespmem:$0x1D000] =	vst v63  }
0x38: {  	_ =	swait.ge [sflag:s26], $0x1880  }
0x39: {  	[sflag:s26] =	ssyncset.done $0x0  }
0x3a: {  	s19 =	simm.s32 $0x12480;
	s18 =	rddreg [dreg:$0xe];
	[sflag:s26] =	ssyncadd.s32 $0xFFFFE780  }
0x3b: {  	[tilespmem:s19], [sflag:$0x2] =	stream.linear.gather [hbm4b:s18+s6], $0x1880, $0x38;
	[tilespmem:$0x1D000] =	vst v63  }
0x3c: {  	_ =	swait.ge [sflag:s26], $0x1880  }
0x3d: {  	[sflag:s26] =	ssyncset.done $0x0  }
0x3e: {  	s21 =	simm.s32 $0x13D00;
	s20 =	rddreg [dreg:$0xf];
	[sflag:s26] =	ssyncadd.s32 $0xFFFFE780  }
0x3f: {  	[tilespmem:s21], [sflag:$0x2] =	stream.linear.gather [hbm4b:s20+s6], $0x1880, $0x38;
	[tilespmem:$0x1D000] =	vst v63  }
0x40: {  	_ =	swait.ge [sflag:s26], $0x1880  }
0x41: {  	[sflag:s26] =	ssyncset.done $0x0  }
0x42: {  	s14 =	simm.s32 $0x0;
	[sflag:s26] =	ssyncadd.s32 $0xFFFFE780  }
0x43: {  	v0 =	vld [tilespmem:s14+$0xC280]  }
0x44: {  	v1 =	vld [tilespmem:s14+$0xDB00]  }
0x45: {  	v2 =	vld [tilespmem:s14+$0x12480]  }
0x46: {  	v3 =	vld [tilespmem:s14+$0xF380]  }
0x47: {  	v4 =	vld [tilespmem:s14+$0x6080]  }
0x48: {  	v5 =	vld [tilespmem:s14+$0x7900]  }
0x49: {  	v6 =	vld [tilespmem:s14+$0x10C00];
	v0 =	vadd.f32 v1, v0  }
0x4a: {  	v7 =	vld [tilespmem:s14+$0x13D00]  }
0x4b: {  	v8 =	vld [tilespmem:s14+$0x9180];
	v0 =	vmax.f32 v0, $1.000000000e+00  }
0x4c: {  	s15 =	simm.s32 $0x10;
	v9 =	vld [tilespmem:s14+$0xAA00];
	v1 =	vmul.f32 $5.000000100e-25, v2;
	v3 =	vadd.f32 v4, v3;
	(erf) = vrcp.f32 v0  }
0x4d: {  	v10 =	vld [tilespmem:s15+$0xC280]  }
0x4e: {  	v11 =	vld [tilespmem:s15+$0xDB00];
	v3 =	vadd.f32 v5, v3;
	v0 =	vmul.f32 v1, v2  }
0x4f: {  	v12 =	vld [tilespmem:s15+$0x6080];
	vm0 =	veq.s32 v6, $0x0  }
0x50: {  	v1 =	vld [tilespmem:s15+$0x12480];
	v0 =	vmul.f32 v0, v2;
	v2 =	vnsel vm0, $0x0, v3  }
0x51: {  	v6 =	vld [tilespmem:s15+$0xF380];
	vm15 =	vgt.f32 v7, $5.000000000e-01;
	v4 =	vor.u32 $0x80000000, v2  }
0x52: {  	v3 =	vld [tilespmem:s15+$0x7900];
	v0 =	vmul.f32 $4.000000000e+00, v0;
	v2 =	vsel vm15, v4, v2  }
0x53: {  	v7 =	vadd.f32 v11, v10;
	v4 =	vld [tilespmem:s15+$0x10C00];
	[tilespmem:s14+$0x15580] =	vst v2  }
0x54: {  	v9 =	vadd.f32 v9, v8;
	v2 =	vadd.f32 $1.000000000e-30, v0;
	v5 =	vld [tilespmem:s15+$0x13D00]  }
0x55: {  	v7 =	vmax.f32 v7, $1.000000000e+00;
	v10 =	vmul.f32 $5.000000100e-25, v1;
	v0 =	vld [tilespmem:s15+$0x9180];
	v11 =	vpop (erf)  }
0x56: {  	s16 =	simm.s32 $0x20;
	v8 =	vadd.f32 v12, v6;
	(erf) = vrcp.f32 v2;
	v2 =	vld [tilespmem:s15+$0xAA00];
	v6 =	vmul.f32 v11, v9  }
0x57: {  	s17 =	simm.s32 $0xC0;
	(erf) = vrcp.f32 v7;
	v7 =	vld [tilespmem:s16+$0xC280];
	v9 =	vmul.f32 v10, v1  }
.LBB2_2:
0x58: {  	p0 =	sne.s32 s17, $0x61C0;
	v10 =	vld [tilespmem:s16+$0xDB00];
	v3 =	vadd.f32 v3, v8;
	vm0 =	veq.s32 v4, $0x0;
	v4 =	vand.u32 $0x7FFFFFFF, v6;
	s18 =	smov.u32 s16  }
0x59: {  	vm1 =	vgt.f32 v5, $5.000000000e-01;
	v5 =	vmul.f32 v9, v1;
	v1 =	vld [tilespmem:s18+$0x12480];
	v4 =	vmul.f32 $3.168876360e-08, v4  }
0x5a: {  	v6 =	vld [tilespmem:s18+$0xF380];
	v8 =	vnsel vm0, $0x0, v3  }
0x5b: {  	v9 =	vld [tilespmem:s18+$0x6080];
	v11 =	vor.u32 $0x80000000, v8;
	v5 =	vmul.f32 $4.000000000e+00, v5;
	v12 =	vmul.f32 v4, v4  }
0x5c: {  	v3 =	vld [tilespmem:s18+$0x7900];
	v8 =	vsel vm1, v11, v8  }
0x5d: {  	v4 =	vld [tilespmem:s18+$0x10C00]  }
.Ltmp0:
0x5e: {  	v7 =	vadd.f32 v10, v7;
	[tilespmem:s15+$0x15580] =	vst v8;
	v8 =	vadd.f32 $1.000000000e-30, v5;
	v10 =	vmul.f32 $1.000000010e-01, v12;
	(pc) =	sbr.rel @p0 .LBB2_2-.Ltmp0, $4  }
0x5f: {  	v12 =	vadd.f32 v2, v0;
	v5 =	vld [tilespmem:s18+$0x13D00];
	v11 =	vmul.f32 $5.000000100e-25, v1;
	v2 =	vpop (erf)  }
0x60: {  	v0 =	vld [tilespmem:s18+$0x9180];
	v7 =	vmax.f32 v7, $1.000000000e+00;
	v13 =	vpop (erf);
	(erf) = vrcp.f32 v8;
	v10 =	vmul.f32 v10, v2  }
0x61: {  	s16 =	sshra.s32 s17, $0x2;
	v8 =	vadd.f32 v9, v6;
	v2 =	vld [tilespmem:s18+$0xAA00];
	(erf) = vrcp.f32 v7;
	v6 =	vmul.f32 v13, v12  }
0x62: {  	s17 =	sadd.s32 $0x40, s17;
	v9 =	vmul.f32 v11, v1;
	v7 =	vld [tilespmem:s16+$0xC280];
	[tilespmem:s14+$0x16E00] =	vst v10;
	s14 =	smov.u32 s15;
	s15 =	smov.u32 s18  }
0x63: {  	v10 =	vld [tilespmem:s16+$0xDB00]  }
0x64: {  	v1 =	vmul.f32 v9, v1  }
0x65: {  	v44 =	vld [tilespmem:s16+$0x12480]  }
0x66: {  	v3 =	vadd.f32 v3, v8;
	v1 =	vmul.f32 $4.000000000e+00, v1  }
0x67: {  	vm0 =	veq.s32 v4, $0x0  }
0x68: {  	v3 =	vnsel vm0, $0x0, v3;
	v7 =	vadd.f32 v10, v7;
	v1 =	vadd.f32 $1.000000000e-30, v1  }
0x69: {  	v45 =	vld [tilespmem:s16+$0xF380];
	vm13 =	vgt.f32 v5, $5.000000000e-01;
	v47 =	vor.u32 $0x80000000, v3  }
0x6a: {  	v46 =	vld [tilespmem:s16+$0x6080];
	v11 =	vmul.f32 $5.000000100e-25, v44;
	v7 =	vmax.f32 v7, $1.000000000e+00;
	(erf) = vrcp.f32 v1  }
0x6b: {  	v48 =	vld [tilespmem:s16+$0x7900];
	v49 =	vsel vm13, v47, v3;
	(erf) = vrcp.f32 v7  }
0x6c: {  	v50 =	vld [tilespmem:s16+$0x10C00];
	[tilespmem:s15+$0x15580] =	vst v49;
	v51 =	vmul.f32 v11, v44  }
0x6d: {  	v52 =	vld [tilespmem:s16+$0x9180]  }
0x6e: {  	v53 =	vld [tilespmem:s16+$0xAA00];
	v1 =	vmul.f32 v51, v44;
	_ =	sdelay $0x1  }
0x6f: {  	v1 =	vmul.f32 $4.000000000e+00, v1  }
0x70: {  	v54 =	vpop (erf)  }
0x71: {  	v6 =	vand.u32 $0x7FFFFFFF, v6;
	v0 =	vadd.f32 v2, v0;
	v55 =	vpop (erf);
	v1 =	vadd.f32 $1.000000000e-30, v1  }
0x72: {  	v56 =	vmul.f32 $3.168876360e-08, v6;
	v57 =	vadd.f32 v53, v52;
	v58 =	vpop (erf)  }
0x73: {  	v0 =	vmul.f32 v55, v0;
	(erf) = vrcp.f32 v1;
	v59 =	vpop (erf)  }
0x74: {  	v60 =	vmul.f32 v59, v57  }
0x75: {  	v2 =	vmul.f32 v56, v56;
	v0 =	vand.u32 $0x7FFFFFFF, v0  }
0x76: {  	v4 =	vadd.f32 v46, v45;
	v61 =	vld [tilespmem:s16+$0x13D00];
	v0 =	vmul.f32 $3.168876360e-08, v0;
	v1 =	vand.u32 $0x7FFFFFFF, v60  }
0x77: {  	v1 =	vmul.f32 $3.168876360e-08, v1  }
0x78: {  	v2 =	vmul.f32 $1.000000010e-01, v2;
	v4 =	vadd.f32 v48, v4;
	v0 =	vmul.f32 v0, v0  }
0x79: {  	vm14 =	veq.s32 v50, $0x0;
	v1 =	vmul.f32 v1, v1  }
0x7a: {  	v2 =	vmul.f32 v2, v54;
	v3 =	vnsel vm14, $0x0, v4;
	v0 =	vmul.f32 $1.000000010e-01, v0  }
0x7b: {  	v4 =	vor.u32 $0x80000000, v3;
	vm15 =	vgt.f32 v61, $5.000000000e-01;
	v1 =	vmul.f32 $1.000000010e-01, v1  }
0x7c: {  	[tilespmem:s14+$0x16E00] =	vst v2;
	v62 =	vsel vm15, v4, v3;
	v0 =	vmul.f32 v0, v58;
	v63 =	vpop (erf)  }
0x7d: {  	[tilespmem:s16+$0x15580] =	vst v62;
	v1 =	vmul.f32 v1, v63  }
0x7e: {  	[tilespmem:s15+$0x16E00] =	vst v0  }
0x7f: {  	s17 =	rddreg [dreg:$0x10];
	s18 =	simm.s32 $0x15580;
	[tilespmem:s16+$0x16E00] =	vst v1  }
0x80: {  	[spmem:s17] =	stream.linear.scatter [tilespmem:s18], [sflag:$0x2], $0x1880, $0x38;
	[tilespmem:$0x1D000] =	vst v63  }
0x81: {  	_ =	swait.ge [sflag:s26], $0x1880  }
0x82: {  	[sflag:s26] =	ssyncset.done $0x0  }
0x83: {  	s20 =	simm.s32 $0x16E00;
	s19 =	rddreg [dreg:$0x11];
	[sflag:s26] =	ssyncadd.s32 $0xFFFFE780  }
0x84: {  	[spmem:s19] =	stream.linear.scatter [tilespmem:s20], [sflag:$0x2], $0x1880, $0x38;
	[tilespmem:$0x1D000] =	vst v63  }
0x85: {  	_ =	swait.ge [sflag:s26], $0x1880  }
0x86: {  	[sflag:s26] =	ssyncset.done $0x0  }
0x87: {  	s14 =	simm.s32 $0x0;
	s21 =	rddreg [dreg:$0x12];
	[sflag:s26] =	ssyncadd.s32 $0xFFFFE780  }
0x88: {  	[tilespmem:s0], [sflag:$0x2] =	stream.linear.gather [hbm4b:s21+s14], $0x1880, $0x38;
	[tilespmem:$0x1D000] =	vst v63  }
0x89: {  	_ =	swait.ge [sflag:s26], $0x1880  }
0x8a: {  	[sflag:s26] =	ssyncset.done $0x0  }
0x8b: {  	[sflag:s26] =	ssyncadd.s32 $0xFFFFE780  }
0x8c: {  	[spmem:s22] =	stream.linear.scatter [tilespmem:s0], [sflag:$0x2], $0x1880, $0x38;
	[tilespmem:$0x1D000] =	vst v63  }
0x8d: {  	_ =	swait.ge [sflag:s26], $0x1880  }
0x8e: {  	[sflag:s26] =	ssyncset.done $0x0  }
0x8f: {  	[sflag:s26] =	ssyncadd.s32 $0xFFFFE780  }
0x90: {  	s15 =	simm.s32 $0x0;
	[bflag:$0x0] =	sbarrier.arrive $0xFFFF  }
.LBB2_4:
0x91: {  	s16 =	smul.u32 $0x7D0, s15;
	_ =	sdelay $0x1  }
0x92: {  	s16 =	sadd.s32 s23, s16  }
0x93: {  	s16 =	sshrl.u32 s16, $0x3  }
0x94: {  	s17 =	sadd.s32 s7, s16  }
0x95: {  	[tilespmem:s14], [sflag:$0x1] =	stream.linear.gather [hbm4b:s17+s14], $0x7D0, $0x38;
	[tilespmem:$0x1D000] =	vst v63  }
0x96: {  	s21 =	sadd.s32 s8, s16  }
0x97: {  	[tilespmem:s3], [sflag:$0x1] =	stream.linear.gather [hbm4b:s21+s14], $0x7D0, $0x38;
	[tilespmem:$0x1D000] =	vst v63  }
0x98: {  	_ =	swait.ge [sflag:s25], $0x7D0  }
0x99: {  	[sflag:s25] =	ssyncset.done $0x0  }
0x9a: {  	[sflag:s25] =	ssyncadd.s32 $0xFFFFF830  }
0x9b: {  	_ =	swait.ge [sflag:s25], $0x7D0  }
0x9c: {  	[sflag:s25] =	ssyncset.done $0x0  }
0x9d: {  	[sflag:s25] =	ssyncadd.s32 $0xFFFFF830  }
0x9e: {  	[tilespmem:s29], [sflag:$0x1] =	stream.indirect.gather [spmem:s5], $0x1, s14, s28, $0xb8;
	[tilespmem:$0x1D000] =	vst v63  }
0x9f: {  	_ = 	snop  }
0xa0: {  	[tilespmem:s30], [sflag:$0x1] =	stream.indirect.gather [spmem:s5], $0x1, s3, s28, $0xb8;
	[tilespmem:$0x1D000] =	vst v63  }
0xa1: {  	_ = 	snop  }
0xa2: {  	[tilespmem:s31], [sflag:$0x1] =	stream.indirect.gather [spmem:s4], $0x1, s14, s28, $0xb8;
	[tilespmem:$0x1D000] =	vst v63  }
0xa3: {  	_ = 	snop  }
0xa4: {  	[tilespmem:s9], [sflag:$0x1] =	stream.indirect.gather [spmem:s4], $0x1, s3, s28, $0xb8;
	[tilespmem:$0x1D000] =	vst v63  }
0xa5: {  	_ = 	snop  }
0xa6: {  	[tilespmem:s10], [sflag:$0x1] =	stream.indirect.gather [spmem:s2], $0x1, s14, s28, $0xb8;
	[tilespmem:$0x1D000] =	vst v63  }
0xa7: {  	_ = 	snop  }
0xa8: {  	[tilespmem:s11], [sflag:$0x1] =	stream.indirect.gather [spmem:s2], $0x1, s3, s28, $0xb8;
	[tilespmem:$0x1D000] =	vst v63  }
0xa9: {  	_ =	swait.ge [sflag:s25], $0x7D0  }
0xaa: {  	[sflag:s25] =	ssyncset.done $0x0  }
0xab: {  	[sflag:s25] =	ssyncadd.s32 $0xFFFFF830  }
0xac: {  	_ =	swait.ge [sflag:s25], $0x7D0  }
0xad: {  	[sflag:s25] =	ssyncset.done $0x0  }
0xae: {  	[sflag:s25] =	ssyncadd.s32 $0xFFFFF830  }
0xaf: {  	_ =	swait.ge [sflag:s25], $0x7D0  }
0xb0: {  	[sflag:s25] =	ssyncset.done $0x0  }
0xb1: {  	[sflag:s25] =	ssyncadd.s32 $0xFFFFF830  }
0xb2: {  	_ =	swait.ge [sflag:s25], $0x7D0  }
0xb3: {  	[sflag:s25] =	ssyncset.done $0x0  }
0xb4: {  	[sflag:s25] =	ssyncadd.s32 $0xFFFFF830  }
0xb5: {  	_ =	swait.ge [sflag:s25], $0x7D0  }
0xb6: {  	[sflag:s25] =	ssyncset.done $0x0  }
0xb7: {  	[sflag:s25] =	ssyncadd.s32 $0xFFFFF830  }
0xb8: {  	_ =	swait.ge [sflag:s25], $0x7D0  }
0xb9: {  	[sflag:s25] =	ssyncset.done $0x0  }
0xba: {  	s20 =	simm.s32 $0x0;
	[sflag:s25] =	ssyncadd.s32 $0xFFFFF830  }
0xbb: {  	v0 =	vld [tilespmem:s20+$0x2000]  }
0xbc: {  	v1 =	vld [tilespmem:s20+$0x2800];
	_ =	sdelay $0x4  }
0xbd: {  	v0 =	vadd.f32 v1, v0;
	_ =	sdelay $0x1  }
0xbe: {  	v3 =	vmul.f32 $5.000000000e-01, v0;
	_ =	sdelay $0x1  }
0xbf: {  	v0 =	vshrl.u32 v3, $0x1;
	v1 =	vmul.f32 $5.000000000e-01, v3  }
0xc0: {  	v0 =	vsub.s32 $0x5F3759DF, v0  }
0xc1: {  	v2 =	vmul.f32 v0, v1;
	_ =	sdelay $0x1  }
0xc2: {  	v2 =	vmul.f32 v0, v2;
	_ =	sdelay $0x1  }
0xc3: {  	v2 =	vsub.f32 $1.500000000e+00, v2;
	_ =	sdelay $0x1  }
0xc4: {  	v0 =	vmul.f32 v0, v2;
	_ =	sdelay $0x1  }
0xc5: {  	v2 =	vmul.f32 v0, v1  }
0xc6: {  	s18 =	simm.s32 $0x10;
	v4 =	vld [tilespmem:s20+$0x1000]  }
0xc7: {  	v5 =	vld [tilespmem:s18+$0x2000];
	v2 =	vmul.f32 v2, v0  }
0xc8: {  	v6 =	vld [tilespmem:s18+$0x2800]  }
0xc9: {  	v7 =	vld [tilespmem:s20+$0x1800];
	v2 =	vsub.f32 $1.500000000e+00, v2;
	_ =	sdelay $0x1  }
0xca: {  	v0 =	vmul.f32 v2, v0;
	_ =	sdelay $0x1  }
0xcb: {  	v2 =	vadd.f32 v6, v5;
	v1 =	vmul.f32 v0, v1  }
0xcc: {  	v4 =	vsub.f32 v4, v7  }
0xcd: {  	v2 =	vmul.f32 $5.000000000e-01, v2;
	v1 =	vmul.f32 v1, v0  }
0xce: {  	v12 =	vmul.f32 $9.999999770e-03, v4  }
0xcf: {  	v4 =	vshrl.u32 v2, $0x1;
	v5 =	vmul.f32 $5.000000000e-01, v2;
	v1 =	vsub.f32 $1.500000000e+00, v1  }
0xd0: {  	v4 =	vsub.s32 $0x5F3759DF, v4  }
0xd1: {  	v6 =	vand.u32 $0x7FFFFFFF, v12;
	v7 =	vmul.f32 v4, v5;
	v0 =	vmul.f32 v1, v0  }
0xd2: {  	v1 =	vadd.f32 $9.999999960e-13, v6  }
0xd3: {  	v6 =	vmul.f32 v4, v7;
	v7 =	vshrl.u32 v0, $0x1;
	v8 =	vmul.f32 $5.000000000e-01, v0  }
0xd4: {  	s17 =	simm.s32 $0x20;
	v10 =	vld [tilespmem:s18+$0x1800];
	v9 =	vmul.f32 $5.000000000e-01, v1;
	v1 =	vshrl.u32 v1, $0x1;
	v7 =	vsub.s32 $0x5F3759DF, v7  }
0xd5: {  	v13 =	vld [tilespmem:s17+$0x2000];
	v6 =	vsub.f32 $1.500000000e+00, v6;
	v1 =	vsub.s32 $0x5F3759DF, v1;
	v11 =	vmul.f32 v7, v8  }
0xd6: {  	v0 =	vld [tilespmem:s18+$0x1000];
	v14 =	vmul.f32 v1, v9  }
0xd7: {  	v15 =	vld [tilespmem:s17+$0x2800];
	v4 =	vmul.f32 v4, v6;
	v6 =	vmul.f32 v7, v11  }
0xd8: {  	v11 =	vmul.f32 v1, v14  }
0xd9: {  	v14 =	vmul.f32 v4, v5;
	v6 =	vsub.f32 $1.500000000e+00, v6  }
0xda: {  	v11 =	vsub.f32 $1.500000000e+00, v11  }
0xdb: {  	v0 =	vsub.f32 v0, v10;
	v10 =	vmul.f32 v14, v4;
	v6 =	vmul.f32 v7, v6  }
0xdc: {  	v7 =	vadd.f32 v15, v13;
	v11 =	vmul.f32 v1, v11  }
0xdd: {  	v1 =	vmul.f32 $9.999999770e-03, v0;
	v10 =	vsub.f32 $1.500000000e+00, v10;
	v13 =	vmul.f32 v6, v8  }
0xde: {  	v0 =	vmul.f32 $5.000000000e-01, v7;
	v7 =	vmul.f32 v11, v9  }
0xdf: {  	v4 =	vmul.f32 v10, v4;
	v10 =	vmul.f32 v13, v6  }
0xe0: {  	v13 =	vmul.f32 $-9.999999770e-03, v3;
	v3 =	vand.u32 $0x7FFFFFFF, v1;
	v7 =	vmul.f32 v7, v11  }
0xe1: {  	v14 =	vshrl.u32 v0, $0x1;
	v15 =	vmul.f32 v4, v5;
	v10 =	vsub.f32 $1.500000000e+00, v10  }
0xe2: {  	v5 =	vmul.f32 $5.000000000e-01, v0;
	v16 =	vadd.f32 $9.999999960e-13, v3;
	v3 =	vsub.f32 $1.500000000e+00, v7  }
0xe3: {  	v17 =	vld [tilespmem:s20+$0x3000];
	v14 =	vsub.s32 $0x5F3759DF, v14;
	v7 =	vmul.f32 v15, v4;
	v6 =	vmul.f32 v10, v6  }
0xe4: {  	s19 =	simm.s32 $0x30;
	v20 =	vld [tilespmem:s17+$0x1800];
	v10 =	vmul.f32 v14, v5;
	v11 =	vmul.f32 v3, v11  }
0xe5: {  	v21 =	vld [tilespmem:s19+$0x2800];
	v3 =	vmul.f32 $5.000000000e-01, v16;
	v7 =	vsub.f32 $1.500000000e+00, v7;
	v19 =	vmul.f32 v6, v8  }
0xe6: {  	v15 =	vld [tilespmem:s17+$0x1000];
	v10 =	vmul.f32 v14, v10;
	v8 =	vshrl.u32 v16, $0x1;
	v9 =	vmul.f32 v11, v9  }
0xe7: {  	v16 =	vld [tilespmem:s19+$0x2000];
	v4 =	vmul.f32 v7, v4;
	v8 =	vsub.s32 $0x5F3759DF, v8;
	v19 =	vmul.f32 v19, v6  }
0xe8: {  	v18 =	vld [tilespmem:s20+$0x3800];
	v23 =	vand.u32 $0x7FFFFFFF, v17;
	v22 =	vmul.f32 v8, v3;
	v9 =	vmul.f32 v9, v11  }
0xe9: {  	v24 =	vshrl.u32 v4, $0x1;
	v7 =	vmul.f32 $5.000000000e-01, v4;
	v4 =	vsub.f32 $1.500000000e+00, v19  }
0xea: {  	v10 =	vsub.f32 $1.500000000e+00, v10;
	v61 =	vsub.s32 $0x5F3759DF, v24;
	v9 =	vsub.f32 $1.500000000e+00, v9  }
0xeb: {  	v15 =	vsub.f32 v15, v20;
	v24 =	vmul.f32 v61, v7;
	v4 =	vmul.f32 v4, v6  }
0xec: {  	v10 =	vmul.f32 v14, v10;
	v14 =	vadd.f32 v21, v16;
	v9 =	vmul.f32 v9, v11  }
0xed: {  	v6 =	vand.u32 $0x7FFFFFFF, v18;
	v16 =	vmul.f32 v61, v24;
	v4 =	vmul.f32 v4, v13  }
0xee: {  	v62 =	vmul.f32 v8, v22;
	v11 =	vadd.f32 v6, v23;
	v13 =	vmul.f32 v10, v5  }
0xef: {  	v6 =	vmul.f32 $9.999999770e-03, v15;
	v16 =	vsub.f32 $1.500000000e+00, v16;
	v63 =	vmul.f32 v4, v9  }
0xf0: {  	v15 =	vsub.f32 $1.500000000e+00, v62;
	v4 =	vmul.f32 $5.000000000e-01, v14;
	v13 =	vmul.f32 v13, v10  }
0xf1: {  	s21 =	simm.s32 $0x100;
	v9 =	vmul.f32 v61, v16;
	v14 =	vor.u32 v17, v18;
	v12 =	vmul.f32 v63, v12  }
.LBB2_5:
0xf2: {  	p0 =	sne.s32 s21, $0x1F00;
	v8 =	vmul.f32 v8, v15;
	vm0 =	vgt.s32 v14, $0xFFFFFFFF;
	v11 =	vmul.f32 $5.000000000e-01, v11;
	v16 =	vmovc v6  }
0xf3: {  	v6 =	vsub.f32 $1.500000000e+00, v13;
	v13 =	vmul.f32 v9, v7;
	v12 =	vnsel vm0, $0x0, v12  }
0xf4: {  	v15 =	vmul.f32 $-9.999999770e-03, v2;
	v2 =	vmovc v0;
	v0 =	vmovc v4;
	v14 =	vmul.f32 v8, v3;
	v11 =	vsub.f32 v12, v11  }
0xf5: {  	v4 =	vmul.f32 v6, v10;
	v6 =	vmul.f32 v13, v9  }
0xf6: {  	v10 =	vand.u32 $0x7FFFFFFF, v16;
	v12 =	vmul.f32 v14, v8;
	v11 =	vand.u32 $0x7FFFFFFF, v11  }
0xf7: {  	v13 =	vshrl.u32 v0, $0x1;
	v14 =	vmul.f32 v4, v5;
	v6 =	vsub.f32 $1.500000000e+00, v6;
	[tilespmem:s20+$0x4000] =	vst v11;
	s20 =	smov.u32 s18;
	s18 =	smov.u32 s17;
	s17 =	smov.u32 s19  }
0xf8: {  	v10 =	vadd.f32 $9.999999960e-13, v10;
	v5 =	vmul.f32 $5.000000000e-01, v0;
	v11 =	vsub.f32 $1.500000000e+00, v12  }
0xf9: {  	v12 =	vsub.s32 $0x5F3759DF, v13;
	v13 =	vmul.f32 v14, v4;
	v6 =	vmul.f32 v6, v9;
	v14 =	vld [tilespmem:s20+$0x3000]  }
0xfa: {  	v9 =	vmul.f32 v12, v5;
	v11 =	vmul.f32 v11, v8;
	v17 =	vld [tilespmem:s20+$0x3800]  }
0xfb: {  	v19 =	vmul.f32 $5.000000000e-01, v10;
	v13 =	vsub.f32 $1.500000000e+00, v13;
	v18 =	vld [tilespmem:s17+$0x1000];
	v7 =	vmul.f32 v6, v7  }
0xfc: {  	s19 =	sshra.s32 s21, $0x2;
	v8 =	vshrl.u32 v10, $0x1;
	v9 =	vmul.f32 v12, v9;
	v20 =	vld [tilespmem:s17+$0x1800];
	v10 =	vmul.f32 v11, v3  }
0xfd: {  	v8 =	vsub.s32 $0x5F3759DF, v8;
	v4 =	vmul.f32 v13, v4;
	v3 =	vmovc v19;
	v21 =	vld [tilespmem:s19+$0x2000];
	v13 =	vmul.f32 v7, v6  }
0xfe: {  	v22 =	vmul.f32 v8, v3;
	v19 =	vld [tilespmem:s19+$0x2800];
	v10 =	vmul.f32 v10, v11;
	v23 =	vand.u32 $0x7FFFFFFF, v14  }
0xff: {  	v24 =	vshrl.u32 v4, $0x1;
	v7 =	vmul.f32 $5.000000000e-01, v4;
	v4 =	vsub.f32 $1.500000000e+00, v13  }
0x100: {  	v9 =	vsub.f32 $1.500000000e+00, v9;
	v24 =	vsub.s32 $0x5F3759DF, v24;
	v13 =	vsub.f32 $1.500000000e+00, v10  }
0x101: {  	v25 =	vmul.f32 v24, v7;
	v4 =	vmul.f32 v4, v6;
	v6 =	vand.u32 $0x7FFFFFFF, v17  }
0x102: {  	v10 =	vmul.f32 v12, v9;
	v18 =	vsub.f32 v18, v20;
	v9 =	vmul.f32 v13, v11  }
.Ltmp1:
0x103: {  	v13 =	vmul.f32 v24, v25;
	v12 =	vadd.f32 v19, v21;
	v4 =	vmul.f32 v4, v15;
	(pc) =	sbr.rel @p0 .LBB2_5-.Ltmp1, $4  }
0x104: {  	v11 =	vadd.f32 v6, v23;
	v15 =	vmul.f32 v10, v5;
	v19 =	vmul.f32 v8, v22  }
0x105: {  	v6 =	vmul.f32 $9.999999770e-03, v18;
	v18 =	vsub.f32 $1.500000000e+00, v13;
	v20 =	vmul.f32 v4, v9  }
0x106: {  	v4 =	vmul.f32 $5.000000000e-01, v12;
	v13 =	vmul.f32 v15, v10;
	v15 =	vsub.f32 $1.500000000e+00, v19  }
0x107: {  	s21 =	sadd.s32 $0x40, s21;
	v14 =	vor.u32 v14, v17;
	v9 =	vmul.f32 v24, v18;
	v12 =	vmul.f32 v20, v1;
	v1 =	vmovc v16  }
0x108: {  	v8 =	vmul.f32 v8, v15;
	v11 =	vmul.f32 $5.000000000e-01, v11  }
0x109: {  	v13 =	vsub.f32 $1.500000000e+00, v13;
	v17 =	vshrl.u32 v4, $0x1;
	v18 =	vmul.f32 $5.000000000e-01, v4  }
0x10a: {  	vm0 =	vgt.s32 v14, $0xFFFFFFFF;
	v55 =	vand.u32 $0x7FFFFFFF, v6;
	v51 =	vmul.f32 v9, v7  }
0x10b: {  	v52 =	vsub.s32 $0x5F3759DF, v17;
	v12 =	vnsel vm0, $0x0, v12;
	v10 =	vmul.f32 v13, v10  }
0x10c: {  	v17 =	vadd.f32 $9.999999960e-13, v55;
	v16 =	vmul.f32 v8, v3;
	v54 =	vmul.f32 v52, v18  }
0x10d: {  	v11 =	vsub.f32 v12, v11;
	v53 =	vmul.f32 v51, v9;
	v5 =	vmul.f32 v10, v5  }
0x10e: {  	v58 =	vmul.f32 $5.000000000e-01, v17;
	v62 =	vshrl.u32 v17, $0x1;
	v15 =	vmul.f32 v52, v54  }
0x10f: {  	v16 =	vmul.f32 v16, v8;
	v11 =	vand.u32 $0x7FFFFFFF, v11;
	v5 =	vmul.f32 v5, v10  }
0x110: {  	v14 =	vsub.f32 $1.500000000e+00, v53;
	[tilespmem:s20+$0x4000] =	vst v11;
	v11 =	vsub.s32 $0x5F3759DF, v62;
	v57 =	vsub.f32 $1.500000000e+00, v15  }
0x111: {  	v16 =	vsub.f32 $1.500000000e+00, v16;
	v21 =	vmul.f32 v11, v58;
	v5 =	vsub.f32 $1.500000000e+00, v5  }
0x112: {  	v56 =	vmul.f32 v14, v9;
	v12 =	vmul.f32 v52, v57  }
0x113: {  	v8 =	vmul.f32 v16, v8;
	v5 =	vmul.f32 v5, v10  }
0x114: {  	v61 =	vld [tilespmem:s18+$0x3000];
	v59 =	vmul.f32 v56, v7;
	v13 =	vmul.f32 v12, v18  }
0x115: {  	v63 =	vld [tilespmem:s19+$0x1000];
	v60 =	vmul.f32 v8, v3;
	v24 =	vshrl.u32 v5, $0x1;
	v5 =	vmul.f32 $5.000000000e-01, v5  }
0x116: {  	v25 =	vld [tilespmem:s19+$0x1800];
	v7 =	vmul.f32 v59, v56;
	v13 =	vmul.f32 v13, v12;
	v16 =	vsub.s32 $0x5F3759DF, v24  }
0x117: {  	v19 =	vld [tilespmem:s18+$0x3800];
	v3 =	vmul.f32 v60, v8;
	v20 =	vmul.f32 v16, v5  }
0x118: {  	v2 =	vmul.f32 $-9.999999770e-03, v2;
	v7 =	vsub.f32 $1.500000000e+00, v7;
	v26 =	vsub.f32 $1.500000000e+00, v13  }
0x119: {  	v31 =	vmul.f32 v11, v21;
	v3 =	vsub.f32 $1.500000000e+00, v3;
	v27 =	vmul.f32 v16, v20  }
0x11a: {  	v28 =	vand.u32 $0x7FFFFFFF, v61;
	v7 =	vmul.f32 v7, v56;
	v29 =	vmul.f32 v26, v12  }
0x11b: {  	v30 =	vsub.f32 v63, v25;
	v3 =	vmul.f32 v3, v8;
	v8 =	vsub.f32 $1.500000000e+00, v27  }
0x11c: {  	v32 =	vand.u32 $0x7FFFFFFF, v19;
	v2 =	vmul.f32 v7, v2;
	v33 =	vmul.f32 v29, v18  }
0x11d: {  	v9 =	vmul.f32 $9.999999770e-03, v30;
	v12 =	vsub.f32 $1.500000000e+00, v31;
	v8 =	vmul.f32 v16, v8  }
0x11e: {  	v35 =	vor.u32 v61, v19;
	v2 =	vmul.f32 v2, v3;
	v34 =	vmul.f32 v33, v29  }
0x11f: {  	v13 =	vadd.f32 v32, v28;
	v36 =	vmul.f32 v11, v12;
	v37 =	vmul.f32 v8, v5  }
0x120: {  	v39 =	vand.u32 $0x7FFFFFFF, v9;
	v1 =	vmul.f32 v2, v1;
	v2 =	vsub.f32 $1.500000000e+00, v34  }
0x121: {  	v3 =	vadd.f32 $9.999999960e-13, v39;
	v12 =	vmul.f32 v36, v58;
	v11 =	vmul.f32 v37, v8  }
0x122: {  	vm13 =	vgt.s32 v35, $0xFFFFFFFF;
	v38 =	vmul.f32 $5.000000000e-01, v13;
	v2 =	vmul.f32 v2, v29  }
0x123: {  	v43 =	vmul.f32 $5.000000000e-01, v3;
	v40 =	vmul.f32 v12, v36;
	v11 =	vsub.f32 $1.500000000e+00, v11  }
0x124: {  	v3 =	vshrl.u32 v3, $0x1;
	v41 =	vshrl.u32 v2, $0x1;
	v2 =	vmul.f32 $5.000000000e-01, v2  }
0x125: {  	v7 =	vsub.f32 $1.500000000e+00, v40;
	v42 =	vsub.s32 $0x5F3759DF, v41;
	v8 =	vmul.f32 v11, v8  }
0x126: {  	v3 =	vsub.s32 $0x5F3759DF, v3;
	v1 =	vnsel vm13, $0x0, v1;
	v44 =	vmul.f32 v42, v2  }
0x127: {  	v1 =	vsub.f32 v1, v38;
	v7 =	vmul.f32 v7, v36;
	v5 =	vmul.f32 v8, v5  }
0x128: {  	v45 =	vmul.f32 v3, v43;
	v13 =	vmul.f32 v42, v44  }
0x129: {  	v1 =	vand.u32 $0x7FFFFFFF, v1;
	v46 =	vmul.f32 v7, v58;
	v5 =	vmul.f32 v5, v8  }
0x12a: {  	v10 =	vmul.f32 v3, v45;
	[tilespmem:s18+$0x4000] =	vst v1;
	v13 =	vsub.f32 $1.500000000e+00, v13  }
0x12b: {  	v47 =	vld [tilespmem:s17+$0x3000];
	v1 =	vmul.f32 v46, v7;
	v5 =	vsub.f32 $1.500000000e+00, v5  }
0x12c: {  	v10 =	vsub.f32 $1.500000000e+00, v10;
	v48 =	vld [tilespmem:s17+$0x3800];
	v11 =	vmul.f32 v42, v13  }
0x12d: {  	v0 =	vmul.f32 $-9.999999770e-03, v0;
	v1 =	vsub.f32 $1.500000000e+00, v1;
	v5 =	vmul.f32 v5, v8  }
0x12e: {  	v3 =	vmul.f32 v3, v10;
	v49 =	vmul.f32 v11, v2  }
0x12f: {  	v1 =	vmul.f32 v1, v7;
	v0 =	vmul.f32 v5, v0  }
0x130: {  	v52 =	vmul.f32 v3, v43;
	v50 =	vand.u32 $0x7FFFFFFF, v47;
	v8 =	vmul.f32 v49, v11  }
0x131: {  	v51 =	vand.u32 $0x7FFFFFFF, v48;
	v53 =	vor.u32 v47, v48;
	v0 =	vmul.f32 v0, v1  }
0x132: {  	v7 =	vmul.f32 v52, v3;
	v5 =	vadd.f32 v51, v50;
	v8 =	vsub.f32 $1.500000000e+00, v8  }
0x133: {  	vm14 =	vgt.s32 v53, $0xFFFFFFFF;
	v0 =	vmul.f32 v0, v6  }
0x134: {  	v55 =	vsub.f32 $1.500000000e+00, v7;
	v54 =	vmul.f32 $5.000000000e-01, v5;
	v56 =	vmul.f32 v8, v11  }
0x135: {  	v0 =	vnsel vm14, $0x0, v0  }
0x136: {  	v57 =	vmul.f32 v55, v3;
	v2 =	vmul.f32 v56, v2;
	v0 =	vsub.f32 v0, v54;
	_ =	sdelay $0x1  }
0x137: {  	v3 =	vmul.f32 v57, v43;
	v2 =	vmul.f32 v2, v56;
	v0 =	vand.u32 $0x7FFFFFFF, v0  }
0x138: {  	[tilespmem:s17+$0x4000] =	vst v0  }
0x139: {  	v3 =	vmul.f32 v3, v57;
	v2 =	vsub.f32 $1.500000000e+00, v2;
	v0 =	vld [tilespmem:s19+$0x3000]  }
0x13a: {  	v58 =	vld [tilespmem:s19+$0x3800]  }
0x13b: {  	v59 =	vmul.f32 $-9.999999770e-03, v4;
	v3 =	vsub.f32 $1.500000000e+00, v3;
	v2 =	vmul.f32 v2, v56;
	_ =	sdelay $0x1  }
0x13c: {  	v1 =	vmul.f32 v3, v57;
	v2 =	vmul.f32 v2, v59;
	_ =	sdelay $0x1  }
0x13d: {  	v60 =	vand.u32 $0x7FFFFFFF, v0;
	v61 =	vand.u32 $0x7FFFFFFF, v58;
	v1 =	vmul.f32 v2, v1  }
0x13e: {  	v62 =	vadd.f32 v61, v60  }
0x13f: {  	v0 =	vor.u32 v0, v58;
	v1 =	vmul.f32 v1, v9  }
0x140: {  	vm15 =	vgt.s32 v0, $0xFFFFFFFF;
	v63 =	vmul.f32 $5.000000000e-01, v62  }
0x141: {  	v1 =	vnsel vm15, $0x0, v1  }
0x142: {  	v0 =	vsub.f32 v1, v63  }
0x143: {  	s15 =	sadd.s32 $0x1, s15  }
0x144: {  	p0 =	sne.s32 s15, $0x19;
	v0 =	vand.u32 $0x7FFFFFFF, v0  }
.Ltmp2:
0x145: {  	s16 =	sadd.s32 s1, s16;
	[tilespmem:s19+$0x4000] =	vst v0;
	(pc) =	sbr.rel @p0 .LBB2_4-.Ltmp2, $4  }
0x146: {  	[hbm4b:s16+s6] =	stream.linear.scatter [tilespmem:s12], [sflag:$0x2], $0x7D0, $0x38;
	[tilespmem:$0x1D000] =	vst v63  }
0x147: {  	_ =	swait.ge [sflag:s26], $0x7D0  }
0x148: {  	[sflag:s26] =	ssyncset.done $0x0  }
0x149: {  	[sflag:s26] =	ssyncadd.s32 $0xFFFFF830  }
0x14a: {  	s13 =	sadd.s32 $0x1, s13  }
0x14b: {  	p0 =	sne.s32 s13, s24  }
.Ltmp3:
0x14c: {  	_ = 	snop;
	(pc) =	sbr.rel @p0 .LBB2_1-.Ltmp3, $1  }
0x14d: {  	_ =	sdelay $0x3  }
0x14e: {  	_ =	sfence.sel $0x180000  }
0x14f: {  	[bflag:$0x0] =	sbarrier.arrive $0xFFFF  }
0x150: {  	_ =	strace $0x90000050  }
0x151: {  	s0 =	stileid.u32;
	[bflag:$0x2] =	sbarrier.arrive $0xFFFF  }
0x152: {  	p0 =	sne.s32 s0, $0x0;
	s0 =	rddreg [dreg:$0x5]  }
0x153: {  	s0 =	sadd.s32 @!p0 $0x100000, s0  }
0x154: {  	[sflag:s0] =	ssyncadd.tile.s32 @!p0 $0x1;
	_ =	shalt  }
.Lfunc_end2:
_tile_overlayer_lowered:
.L_overlay_start_2:
0x155: {  	(tag) =	ssettag $0x2  }
0x156: {  	s0 =	rddreg [dreg:$0x0];
	s2 =	stileid.u32  }
0x157: {  	s1 =	rddreg [dreg:$0x1];
	p0 =	sne.s32 s2, $0x0  }
0x158: {  	s3 =	rddreg [dreg:$0x2];
	[bflag:$0x3] =	sbarrier.arrive $0xFFFF;
	s2 =	simm.s32 @!p0 $0x1C02  }
0x159: {  	[timem:s3], [sflag:s2] =	dma.local @!p0 [hbm:s0], s1  }
0x15a: {  	s0 =	simm.s32 @!p0 $0x2  }
0x15b: {  	_ =	swait.ge @!p0 [sflag:s0], s1  }
0x15c: {  	s1 =	ssub.s32 @!p0 $0x0, s1;
	[sflag:s0] =	ssyncset.done @!p0 $0x0  }
0x15d: {  	[sflag:s0] =	ssyncadd.s32 @!p0 s1  }
0x15e: {  	[bflag:$0x3] =	sbarrier.arrive $0xFFFF  }
0x15f: {  	_ =	shalt  }

// kernel: kernel.6.cloned.1.call-start
scs
__scs_entry_jumppad:
0x0: {  	(pc) =	sbr.rel $0x88, $3  }
0x1: {  	(tag) =	ssettag $0x0;
	lr =	simm.s32 $0x1  }
0x2: {  	[smem:$0x3F99] =	sst lr;
	_ =	strace $0xD0000000  }
0x3: {  	_ = 	snop  }
0x4: {  	_ = 	snop  }
0x5: {  	_ = 	snop  }
0x6: {  	_ = 	snop  }
0x7: {  	_ = 	snop  }
__scs_overlays_trampoline_lowered:
0x8: {  	[smem:$0x3FA8] =	sst s0  }
0x9: {  	[smem:$0x3FA9] =	sst s1  }
0xa: {  	[smem:$0x3FAA] =	sst s2  }
0xb: {  	[smem:$0x3FAB] =	sst s3  }
0xc: {  	[smem:$0x3FAC] =	sst s4  }
0xd: {  	[smem:$0x3FAD] =	sst s5  }
0xe: {  	[smem:$0x3FAE] =	sst s6  }
0xf: {  	[smem:$0x3FAF] =	sst s7  }
0x10: {  	[smem:$0x3FB0] =	sst s8  }
0x11: {  	[smem:$0x3FB1] =	sst s9;
	s0 =	simm.s32 @!p0 $0x0  }
0x12: {  	s1 =	sld [smem:$0x3F97];
	s0 =	simm.s32 @p0 $0x1  }
0x13: {  	[smem:$0x3FB2] =	sst s0;
	s0 =	simm.s32 @!p1 $0x0  }
0x14: {  	s2 =	sld [smem:$0x3F96];
	s0 =	simm.s32 @p1 $0x1  }
0x15: {  	[smem:$0x3FB3] =	sst s0;
	s0 =	simm.s32 @!p2 $0x0  }
0x16: {  	s3 =	sld [smem:$0x3FDB];
	s0 =	simm.s32 @p2 $0x1  }
0x17: {  	s4 =	simm.s32 $0x1BF5;
	[smem:$0x3FB5] =	sst s0  }
0x18: {  	s0 =	sld [smem:$0x3F98];
	_ =	swait.ge [sflag:s4], $0x0  }
0x19: {  	s7 =	sld [smem:$0x3F99]  }
0x1a: {  	s8 =	sadd.s32 $0xFFFFE003, lr  }
0x1b: {  	s9 =	sadd.s32 $0xFFFFFEF7, lr;
	s5 =	simm.s32 $0xFFFFFFFF;
	p2 =	slt.u32 s8, $0xFFFFF086  }
0x1c: {  	p1 =	slt.u32 s9, $0xF7A;
	s5 =	simm.s32 @!p2 $0x0  }
0x1d: {  	s5 =	simm.s32 @p1 $0x1;
	p0 =	seq.s32 s7, s2  }
0x1e: {  	s7 =	smul.u32 @!p0 $0xF7A, s2;
	p2 =	seq.s32 @!p0 s5, $0x0  }
0x1f: {  	s9 =	smul.u32 $0xF7A, s1;
	s8 =	simm.s32 @!p0 $0x1BF5;
	p2 =	por !p2, p0  }
0x20: {  	[sflag:s8] =	ssyncset.s32 @!p0 $0xFFFFF086;
	s6 =	sadd.s32 @!p0 s3, s7;
	s7 =	simm.s32 @!p0 $0x108  }
0x21: {  	s3 =	sadd.s32 s3, s9;
	s6 =	sadd.s32 @!p0 $0x88, s6;
	s7 =	simm.s32 @p2 $0x1082  }
0x22: {  	[simem:s7], [sflag:s8] =	dma.local @!p0 [hbm:s6], $0xF7A  }
0x23: {  	s9 =	sor.u32 $0xD0000000, s2;
	s6 =	simm.s32 $0x108;
	_ =	swait.ge @!p0 [sflag:s8], $0x0  }
0x24: {  	s3 =	sadd.s32 $0x88, s3;
	s6 =	simm.s32 @!p1 $0x1082;
	[sflag:s4] =	ssyncset.s32 $0xFFFFF086  }
0x25: {  	[simem:s6], [sflag:s4] =	dma.local [hbm:s3], $0xF7A  }
0x26: {  	[smem:$0x3F99] =	sst s1;
	(tag) =	ssettag s2;
	_ =	strace s9  }
0x27: {  	s1 =	sld [smem:$0x3FA9]  }
0x28: {  	s2 =	sld [smem:$0x3FAA]  }
0x29: {  	s4 =	sld [smem:$0x3FAC]  }
0x2a: {  	p0 =	seq.s32 s5, $0x0;
	s5 =	sld [smem:$0x3FAD]  }
0x2b: {  	s6 =	sld [smem:$0x3FAE]  }
0x2c: {  	s7 =	sld [smem:$0x3FAF]  }
0x2d: {  	s3 =	simm.s32 $0x108;
	s8 =	sld [smem:$0x3FB0]  }
0x2e: {  	s3 =	simm.s32 @!p0 $0x1082;
	s9 =	sld [smem:$0x3FB1]  }
0x2f: {  	lr =	sadd.s32 s0, s3;
	s0 =	sld [smem:$0x3FA8]  }
0x30: {  	s3 =	sld [smem:$0x3FAB]  }
0x31: {  	[smem:$0x3FB4] =	sst s10  }
0x32: {  	s10 =	sld [smem:$0x3FB2];
	_ =	sdelay $0x3  }
0x33: {  	p0 =	seq.s32 s10, $0x1;
	s10 =	sld [smem:$0x3FB4];
	_ =	sdelay $0x3  }
0x34: {  	[smem:$0x3FB4] =	sst s10  }
0x35: {  	s10 =	sld [smem:$0x3FB3];
	_ =	sdelay $0x3  }
0x36: {  	p1 =	seq.s32 s10, $0x1;
	s10 =	sld [smem:$0x3FB4];
	_ =	sdelay $0x3  }
0x37: {  	[smem:$0x3FB4] =	sst s10  }
0x38: {  	s10 =	sld [smem:$0x3FB5]  }
0x39: {  	_ = 	snop;
	(pc) =	sbr.ind lr, $3  }
0x3a: {  	_ = 	snop  }
0x3b: {  	_ = 	snop  }
0x3c: {  	p2 =	seq.s32 s10, $0x1;
	s10 =	sld [smem:$0x3FB4]  }
0x3d: {  	_ =	shalt  }
0x3e: {  	_ =	shalt  }
0x3f: {  	_ =	shalt  }
0x40: {  	_ =	shalt  }
0x41: {  	_ =	shalt  }
0x42: {  	_ =	shalt  }
0x43: {  	_ =	shalt  }
0x44: {  	_ =	shalt  }
0x45: {  	_ =	shalt  }
0x46: {  	_ =	shalt  }
0x47: {  	_ =	shalt  }
0x48: {  	_ =	shalt  }
0x49: {  	_ =	shalt  }
0x4a: {  	_ =	shalt  }
0x4b: {  	_ =	shalt  }
0x4c: {  	_ =	shalt  }
0x4d: {  	_ =	shalt  }
0x4e: {  	_ =	shalt  }
0x4f: {  	_ =	shalt  }
0x50: {  	_ =	shalt  }
0x51: {  	_ =	shalt  }
0x52: {  	_ =	shalt  }
0x53: {  	_ =	shalt  }
0x54: {  	_ =	shalt  }
0x55: {  	_ =	shalt  }
0x56: {  	_ =	shalt  }
0x57: {  	_ =	shalt  }
0x58: {  	_ =	shalt  }
0x59: {  	_ =	shalt  }
0x5a: {  	_ =	shalt  }
0x5b: {  	_ =	shalt  }
0x5c: {  	_ =	shalt  }
0x5d: {  	_ =	shalt  }
0x5e: {  	_ =	shalt  }
0x5f: {  	_ =	shalt  }
0x60: {  	_ =	shalt  }
0x61: {  	_ =	shalt  }
0x62: {  	_ =	shalt  }
0x63: {  	_ =	shalt  }
0x64: {  	_ =	shalt  }
0x65: {  	_ =	shalt  }
0x66: {  	_ =	shalt  }
0x67: {  	_ =	shalt  }
0x68: {  	_ =	shalt  }
0x69: {  	_ =	shalt  }
0x6a: {  	_ =	shalt  }
0x6b: {  	_ =	shalt  }
0x6c: {  	_ =	shalt  }
0x6d: {  	_ =	shalt  }
0x6e: {  	_ =	shalt  }
0x6f: {  	_ =	shalt  }
0x70: {  	_ =	shalt  }
0x71: {  	_ =	shalt  }
0x72: {  	_ =	shalt  }
0x73: {  	_ =	shalt  }
0x74: {  	_ =	shalt  }
0x75: {  	_ =	shalt  }
0x76: {  	_ =	shalt  }
0x77: {  	_ =	shalt  }
0x78: {  	_ =	shalt  }
0x79: {  	_ =	shalt  }
0x7a: {  	_ =	shalt  }
0x7b: {  	_ =	shalt  }
0x7c: {  	_ =	shalt  }
0x7d: {  	_ =	shalt  }
0x7e: {  	_ =	shalt  }
0x7f: {  	_ =	shalt  }
0x80: {  	_ =	shalt  }
0x81: {  	_ =	shalt  }
0x82: {  	_ =	shalt  }
0x83: {  	_ =	shalt  }
0x84: {  	_ =	shalt  }
0x85: {  	_ =	shalt  }
0x86: {  	_ =	shalt  }
0x87: {  	_ =	shalt  }
.Lfunc_end0:
.L_simem_size_0:
called_computation_lowered:
.L_overlay_start_0:
0x88: {  	s2 =	sld [smem:$0x3FD9]  }
0x89: {  	s3 =	sld [smem:$0x3FFE];
	_ =	sdelay $0x1  }
0x8a: {  	s1 =	srdreg.scid  }
0x8b: {  	s0 =	sand.u32 $0x1, s1  }
0x8c: {  	s16 =	sshll.u32 s0, $0xA;
	s2 =	sadd.s32 s3, s2  }
0x8d: {  	s2 =	sadd.s32 s2, s16  }
0x8e: {  	[smem:$0x3FC0] =	sst s2  }
0x8f: {  	_ = 	snop  }
0x90: {  	(tm) =	ssettm $0x1  }
0x91: {  	s17 =	sld [smem:$0x3FFB];
	_ =	sdelay $0x3  }
0x92: {  	_ =	strace s17  }
0x93: {  	s2 =	sld [smem:$0x3FFC];
	_ =	sdelay $0x3  }
0x94: {  	_ =	strace s2  }
0x95: {  	s2 =	sld [smem:$0x3FFD];
	_ =	sdelay $0x3  }
0x96: {  	_ =	strace s2  }
0x97: {  	_ =	strace $0x8FFFFFFF  }
0x98: {  	s18 =	sld [smem:$0x3FDB];
	_ =	sdelay $0x1  }
0x99: {  	s19 =	simm.s32 $_scs_section_size  }
0x9a: {  	s4 =	simm.s32 $_size__tile_overlayer_lowered;
	s5 =	simm.s32 $_tile_overlayer_lowered  }
0x9b: {  	s22 =	simm.s32 $0x1BFF;
	s21 =	sshll.u32 s5, $0x1;
	s2 =	sadd.s32 s19, s18  }
0x9c: {  	s6 =	simm.s32 $0x0;
	s20 =	sshll.u32 s4, $0x1;
	s4 =	sadd.s32 s21, s2  }
0x9d: {  	[timem:s6], [sflag:s22] =	dma.local [hbm:s4], s20  }
0x9e: {  	_ =	swait.ge [sflag:s22], s20  }
0x9f: {  	s3 =	ssub.s32 $0x0, s20;
	[sflag:s22] =	ssyncset.done $0x0  }
0xa0: {  	[sflag:s22] =	ssyncadd.s32 s3;
	_ =	sdelay $0x1  }
0xa1: {  	s23 =	simm.s32 $0x1B8B  }
0xa2: {  	_ =	swait.ge [sflag:s23], $0x1  }
0xa3: {  	[sflag:s23] =	ssyncset.done $0x0  }
0xa4: {  	s25 =	simm.s32 $0x1B8E;
	s24 =	sld [smem:$0x3FFE];
	[sflag:s23] =	ssyncadd.s32 $0xFFFFFFFF  }
0xa5: {  	s26 =	simm.s32 $execute0_lowered;
	[smem:$0x3FD2] =	sst s25  }
0xa6: {  	s4 =	sshll.u32 s26, $0x1;
	_ =	strace $0x80000046;
	[dreg:$0x1] =	wrdreg $0xFFFFFFFF  }
0xa7: {  	s28 =	simm.s32 $_size_execute0_lowered;
	s2 =	sadd.s32 s2, s4;
	[dreg:$0x0] =	wrdreg $0x0  }
0xa8: {  	s4 =	sshll.u32 s28, $0x1;
	[dreg:$0x2] =	wrdreg s2  }
0xa9: {  	[dreg:$0x3] =	wrdreg s4  }
0xaa: {  	[dreg:$0x4] =	wrdreg $0xC0  }
0xab: {  	_ =	task [dreg:s6], $0x5FFFF  }
0xac: {  	[dreg:$0x1] =	wrdreg $0xFFFFFFFF  }
0xad: {  	[dreg:$0x0] =	wrdreg $0x60  }
0xae: {  	[dreg:$0x2] =	wrdreg s24  }
0xaf: {  	[dreg:$0x3] =	wrdreg $0x9  }
0xb0: {  	_ =	task.clear_ibuf [dreg:s6], $0x4FFFF;
	_ =	strace $0x90000046  }
0xb1: {  	s29 =	simm.s32 $0x9;
	_ =	strace $0x80000048  }
0xb2: {  	_ =	swait.ge [sflag:s29], $0x1  }
0xb3: {  	[sflag:s29] =	ssyncadd.s32 $0xFFFFFFFF  }
0xb4: {  	_ =	strace $0x90000048  }
0xb5: {  	_ =	sfence  }
0xb6: {  	s30 =	sld [smem:$0x0];
	_ =	sdelay $0x2  }
0xb7: {  	s31 =	sshll.u32 s1, $0xD;
	s1 =	sshrl.u32 s1, $0x2  }
0xb8: {  	s3 =	sand.u32 $0x4000, s31;
	s1 =	sadd.s32 s1, s30  }
0xb9: {  	s0 =	sor.u32 s3, s0;
	s1 =	sshll.u32 s1, $0x11  }
0xba: {  	s0 =	sor.u32 s1, s0  }
0xbb: {  	s0 =	sadd.s32 $0x8F2B, s0  }
0xbc: {  	[sflag:s0] =	ssyncadd.remote.s32 $0x1  }
0xbd: {  	_ =	sfence.sel $0xFFFF  }
0xbe: {  	[dreg:$0x0] =	wrdreg $0xFFFFFFFF;
	(pc) =	sbr.abs _section_cstart, $3  }
0xbf: {  	[dreg:$0x1] =	wrdreg $0xFFFFFFFF  }
0xc0: {  	_ =	task.clear_ibuf [dreg:s6], $0x2FFFF;
	_ =	strace $0x9FFFFFFF  }
0xc1: {  	(tm) =	ssettm $0x7FFFFFFF  }
tec
execute0_lowered:
.L_overlay_start_1:
0x0: {  	(tag) =	ssettag $0x1  }
0x1: {  	s1 =	srdreg.scid  }
0x2: {  	s0 =	stileid.u32;
	s4 =	rddreg [dreg:$0x0];
	s2 =	simm.s32 $0x0  }
0x3: {  	s11 =	simm.s32 $0x1;
	s12 =	simm.s32 $0xC80;
	s13 =	simm.s32 $0x1900  }
0x4: {  	s14 =	simm.s32 $0x2580;
	s3 =	sand.u32 $0x1, s1;
	s30 =	sshll.u32 s0, $0x1  }
0x5: {  	s15 =	simm.s32 $0x3200;
	s16 =	simm.s32 $0x3E80;
	s1 =	sor.u32 s3, s30  }
0x6: {  	s17 =	simm.s32 $0x4B00;
	s3 =	ssub.s32 $0x2, s3;
	s5 =	smul.u32 $0x188, s1  }
0x7: {  	s18 =	simm.s32 $0x0;
	[smem:$0x7FF] =	sst s2;
	s31 =	sshrl.u32 s3, $0x1  }
0x8: {  	s1 =	rddreg [dreg:$0x1];
	s10 =	ssub.s32 s3, s31;
	s9 =	sadd.s32 s5, s4  }
0x9: {  	_ =	strace $0x80000047;
	s10 =	smax.u32 s10, $0x1;
	s3 =	sadd.s32 $0x5600, s9  }
0xa: {  	s4 =	sadd.s32 $0x2400, s9;
	s5 =	sadd.s32 $0x8800, s9;
	s6 =	sadd.s32 $0xBA00, s9  }
0xb: {  	s7 =	sadd.s32 $0xEC00, s9;
	s8 =	sadd.s32 $0x11E00, s9;
	s9 =	sadd.s32 $0x15000, s9  }
.LBB2_1:
0xc: {  	[tilespmem:s2], [sflag:$0x1] =	stream.linear.gather [hbm4b:s3+s2], $0xC40, $0x38;
	[tilespmem:$0x5780] =	vst v63  }
0xd: {  	_ =	swait.ge [sflag:s11], $0xC40  }
0xe: {  	[sflag:s11] =	ssyncset.done $0x0  }
0xf: {  	[sflag:s11] =	ssyncadd.s32 $0xFFFFF3C0  }
0x10: {  	[tilespmem:s12], [sflag:$0x1] =	stream.linear.gather [hbm4b:s4+s2], $0xC40, $0x38;
	[tilespmem:$0x5780] =	vst v63  }
0x11: {  	_ =	swait.ge [sflag:s11], $0xC40  }
0x12: {  	[sflag:s11] =	ssyncset.done $0x0  }
0x13: {  	[sflag:s11] =	ssyncadd.s32 $0xFFFFF3C0  }
0x14: {  	[tilespmem:s13], [sflag:$0x1] =	stream.linear.gather [hbm4b:s5+s2], $0xC40, $0x38;
	[tilespmem:$0x5780] =	vst v63  }
0x15: {  	_ =	swait.ge [sflag:s11], $0xC40  }
0x16: {  	[sflag:s11] =	ssyncset.done $0x0  }
0x17: {  	[sflag:s11] =	ssyncadd.s32 $0xFFFFF3C0  }
0x18: {  	[tilespmem:s14], [sflag:$0x1] =	stream.linear.gather [hbm4b:s6+s2], $0xC40, $0x38;
	[tilespmem:$0x5780] =	vst v63  }
0x19: {  	_ =	swait.ge [sflag:s11], $0xC40  }
0x1a: {  	[sflag:s11] =	ssyncset.done $0x0  }
0x1b: {  	s19 =	simm.s32 $0x0;
	[sflag:s11] =	ssyncadd.s32 $0xFFFFF3C0  }
0x1c: {  	v0 =	vld [tilespmem:s19+$0x1900]  }
0x1d: {  	v2 =	vld [tilespmem:s19+$0x0]  }
0x1e: {  	v4 =	vld [tilespmem:s19+$0x2580]  }
0x1f: {  	v6 =	vld [tilespmem:s19+$0xC80];
	_ =	sdelay $0x1  }
0x20: {  	s20 =	simm.s32 $0x10;
	v0 =	vmul.f32 $3.455699370e-08, v0  }
0x21: {  	v1 =	vld [tilespmem:s20+$0x1900];
	v5 =	vmul.f32 $9.810000000e+03, v2  }
0x22: {  	v3 =	vld [tilespmem:s20+$0x0];
	v4 =	vadd.f32 v4, v0  }
0x23: {  	v2 =	vld [tilespmem:s20+$0x2580];
	v7 =	vadd.f32 v6, v5  }
0x24: {  	v0 =	vld [tilespmem:s20+$0xC80];
	v5 =	vmul.f32 $1.000000000e+04, v4  }
0x25: {  	s21 =	simm.s32 $0x80;
	[tilespmem:s19+$0x3200] =	vst v7;
	v4 =	vsub.f32 v7, v6  }
.LBB2_2:
0x26: {  	s22 =	sshra.s32 s21, $0x2;
	p0 =	sne.s32 s21, $0x30C0;
	s21 =	sadd.s32 $0x40, s21;
	v6 =	vmul.f32 $3.455699370e-08, v1;
	[tilespmem:s19+$0x3E80] =	vst v5  }
.Ltmp0:
0x27: {  	v1 =	vld [tilespmem:s22+$0x1900];
	v5 =	vmul.f32 $9.810000000e+03, v3;
	[tilespmem:s19+$0x4B00] =	vst v4;
	s19 =	smov.u32 s20;
	s20 =	smov.u32 s22;
	(pc) =	sbr.rel @p0 .LBB2_2-.Ltmp0, $4  }
0x28: {  	v3 =	vld [tilespmem:s20+$0x0];
	v4 =	vadd.f32 v2, v6  }
0x29: {  	v2 =	vld [tilespmem:s20+$0x2580];
	v6 =	vadd.f32 v0, v5;
	v7 =	vmov v0  }
0x2a: {  	v0 =	vld [tilespmem:s20+$0xC80];
	v5 =	vmul.f32 $1.000000000e+04, v4  }
0x2b: {  	[tilespmem:s19+$0x3200] =	vst v6;
	v4 =	vsub.f32 v6, v7  }
0x2c: {  	v1 =	vmul.f32 $3.455699370e-08, v1  }
0x2d: {  	v3 =	vmul.f32 $9.810000000e+03, v3  }
0x2e: {  	v1 =	vadd.f32 v2, v1  }
0x2f: {  	[tilespmem:s19+$0x3E80] =	vst v5;
	v63 =	vadd.f32 v0, v3  }
0x30: {  	[tilespmem:s19+$0x4B00] =	vst v4;
	v1 =	vmul.f32 $1.000000000e+04, v1  }
0x31: {  	[tilespmem:s20+$0x3200] =	vst v63;
	v0 =	vsub.f32 v63, v0  }
0x32: {  	[tilespmem:s20+$0x3E80] =	vst v1  }
0x33: {  	[tilespmem:s20+$0x4B00] =	vst v0  }
0x34: {  	[hbm4b:s7+s2] =	stream.linear.scatter [tilespmem:s15], [sflag:$0x1], $0xC40, $0x38;
	[tilespmem:$0x5780] =	vst v63  }
0x35: {  	_ =	swait.ge [sflag:s11], $0xC40  }
0x36: {  	[sflag:s11] =	ssyncset.done $0x0  }
0x37: {  	[sflag:s11] =	ssyncadd.s32 $0xFFFFF3C0  }
0x38: {  	[hbm4b:s8+s2] =	stream.linear.scatter [tilespmem:s16], [sflag:$0x1], $0xC40, $0x38;
	[tilespmem:$0x5780] =	vst v63  }
0x39: {  	s18 =	sadd.s32 $0x1, s18;
	_ =	swait.ge [sflag:s11], $0xC40  }
0x3a: {  	p0 =	sne.s32 s18, s10;
	[sflag:s11] =	ssyncset.done $0x0  }
.Ltmp1:
0x3b: {  	[sflag:s11] =	ssyncadd.s32 $0xFFFFF3C0;
	(pc) =	sbr.rel @p0 .LBB2_1-.Ltmp1, $4  }
0x3c: {  	[hbm4b:s9+s2] =	stream.linear.scatter [tilespmem:s17], [sflag:$0x1], $0xC40, $0x38;
	[tilespmem:$0x5780] =	vst v63  }
0x3d: {  	_ =	swait.ge [sflag:s11], $0xC40  }
0x3e: {  	[sflag:s11] =	ssyncset.done $0x0  }
0x3f: {  	[sflag:s11] =	ssyncadd.s32 $0xFFFFF3C0  }
0x40: {  	_ =	sfence.sel $0x180000  }
0x41: {  	[bflag:$0x0] =	sbarrier.arrive $0xFFFF  }
0x42: {  	p0 =	sne.s32 s0, $0x0;
	_ =	strace $0x90000047  }
0x43: {  	s0 =	sadd.s32 @!p0 $0x100000, s1;
	[bflag:$0x2] =	sbarrier.arrive $0xFFFF  }
0x44: {  	[sflag:s0] =	ssyncadd.tile.s32 @!p0 $0x1;
	_ =	shalt  }
.Lfunc_end2:
_tile_overlayer_lowered:
.L_overlay_start_2:
0x45: {  	(tag) =	ssettag $0x2  }
0x46: {  	s0 =	rddreg [dreg:$0x0];
	s2 =	stileid.u32  }
0x47: {  	s1 =	rddreg [dreg:$0x1];
	p0 =	sne.s32 s2, $0x0  }
0x48: {  	s3 =	rddreg [dreg:$0x2];
	[bflag:$0x3] =	sbarrier.arrive $0xFFFF;
	s2 =	simm.s32 @!p0 $0x1C01  }
0x49: {  	[timem:s3], [sflag:s2] =	dma.local @!p0 [hbm:s0], s1  }
0x4a: {  	s0 =	simm.s32 @!p0 $0x1  }
0x4b: {  	_ =	swait.ge @!p0 [sflag:s0], s1  }
0x4c: {  	s1 =	ssub.s32 @!p0 $0x0, s1;
	[sflag:s0] =	ssyncset.done @!p0 $0x0  }
0x4d: {  	[sflag:s0] =	ssyncadd.s32 @!p0 s1  }
0x4e: {  	[bflag:$0x3] =	sbarrier.arrive $0xFFFF  }
0x4f: {  	_ =	shalt  }

// kernel: kernel.9.cloned.1.call-start
scs
__scs_entry_jumppad:
0x0: {  	(pc) =	sbr.rel $0x88, $3  }
0x1: {  	(tag) =	ssettag $0x0;
	lr =	simm.s32 $0x1  }
0x2: {  	[smem:$0x3F99] =	sst lr;
	_ =	strace $0xD0000000  }
0x3: {  	_ = 	snop  }
0x4: {  	_ = 	snop  }
0x5: {  	_ = 	snop  }
0x6: {  	_ = 	snop  }
0x7: {  	_ = 	snop  }
__scs_overlays_trampoline_lowered:
0x8: {  	[smem:$0x3FA8] =	sst s0  }
0x9: {  	[smem:$0x3FA9] =	sst s1  }
0xa: {  	[smem:$0x3FAA] =	sst s2  }
0xb: {  	[smem:$0x3FAB] =	sst s3  }
0xc: {  	[smem:$0x3FAC] =	sst s4  }
0xd: {  	[smem:$0x3FAD] =	sst s5  }
0xe: {  	[smem:$0x3FAE] =	sst s6  }
0xf: {  	[smem:$0x3FAF] =	sst s7  }
0x10: {  	[smem:$0x3FB0] =	sst s8  }
0x11: {  	[smem:$0x3FB1] =	sst s9;
	s0 =	simm.s32 @!p0 $0x0  }
0x12: {  	s1 =	sld [smem:$0x3F97];
	s0 =	simm.s32 @p0 $0x1  }
0x13: {  	[smem:$0x3FB2] =	sst s0;
	s0 =	simm.s32 @!p1 $0x0  }
0x14: {  	s2 =	sld [smem:$0x3F96];
	s0 =	simm.s32 @p1 $0x1  }
0x15: {  	[smem:$0x3FB3] =	sst s0;
	s0 =	simm.s32 @!p2 $0x0  }
0x16: {  	s3 =	sld [smem:$0x3FDB];
	s0 =	simm.s32 @p2 $0x1  }
0x17: {  	s4 =	simm.s32 $0x1BF5;
	[smem:$0x3FB5] =	sst s0  }
0x18: {  	s0 =	sld [smem:$0x3F98];
	_ =	swait.ge [sflag:s4], $0x0  }
0x19: {  	s7 =	sld [smem:$0x3F99]  }
0x1a: {  	s8 =	sadd.s32 $0xFFFFE003, lr  }
0x1b: {  	s9 =	sadd.s32 $0xFFFFFEF7, lr;
	s5 =	simm.s32 $0xFFFFFFFF;
	p2 =	slt.u32 s8, $0xFFFFF086  }
0x1c: {  	p1 =	slt.u32 s9, $0xF7A;
	s5 =	simm.s32 @!p2 $0x0  }
0x1d: {  	s5 =	simm.s32 @p1 $0x1;
	p0 =	seq.s32 s7, s2  }
0x1e: {  	s7 =	smul.u32 @!p0 $0xF7A, s2;
	p2 =	seq.s32 @!p0 s5, $0x0  }
0x1f: {  	s9 =	smul.u32 $0xF7A, s1;
	s8 =	simm.s32 @!p0 $0x1BF5;
	p2 =	por !p2, p0  }
0x20: {  	[sflag:s8] =	ssyncset.s32 @!p0 $0xFFFFF086;
	s6 =	sadd.s32 @!p0 s3, s7;
	s7 =	simm.s32 @!p0 $0x108  }
0x21: {  	s3 =	sadd.s32 s3, s9;
	s6 =	sadd.s32 @!p0 $0x88, s6;
	s7 =	simm.s32 @p2 $0x1082  }
0x22: {  	[simem:s7], [sflag:s8] =	dma.local @!p0 [hbm:s6], $0xF7A  }
0x23: {  	s9 =	sor.u32 $0xD0000000, s2;
	s6 =	simm.s32 $0x108;
	_ =	swait.ge @!p0 [sflag:s8], $0x0  }
0x24: {  	s3 =	sadd.s32 $0x88, s3;
	s6 =	simm.s32 @!p1 $0x1082;
	[sflag:s4] =	ssyncset.s32 $0xFFFFF086  }
0x25: {  	[simem:s6], [sflag:s4] =	dma.local [hbm:s3], $0xF7A  }
0x26: {  	[smem:$0x3F99] =	sst s1;
	(tag) =	ssettag s2;
	_ =	strace s9  }
0x27: {  	s1 =	sld [smem:$0x3FA9]  }
0x28: {  	s2 =	sld [smem:$0x3FAA]  }
0x29: {  	s4 =	sld [smem:$0x3FAC]  }
0x2a: {  	p0 =	seq.s32 s5, $0x0;
	s5 =	sld [smem:$0x3FAD]  }
0x2b: {  	s6 =	sld [smem:$0x3FAE]  }
0x2c: {  	s7 =	sld [smem:$0x3FAF]  }
0x2d: {  	s3 =	simm.s32 $0x108;
	s8 =	sld [smem:$0x3FB0]  }
0x2e: {  	s3 =	simm.s32 @!p0 $0x1082;
	s9 =	sld [smem:$0x3FB1]  }
0x2f: {  	lr =	sadd.s32 s0, s3;
	s0 =	sld [smem:$0x3FA8]  }
0x30: {  	s3 =	sld [smem:$0x3FAB]  }
0x31: {  	[smem:$0x3FB4] =	sst s10  }
0x32: {  	s10 =	sld [smem:$0x3FB2];
	_ =	sdelay $0x3  }
0x33: {  	p0 =	seq.s32 s10, $0x1;
	s10 =	sld [smem:$0x3FB4];
	_ =	sdelay $0x3  }
0x34: {  	[smem:$0x3FB4] =	sst s10  }
0x35: {  	s10 =	sld [smem:$0x3FB3];
	_ =	sdelay $0x3  }
0x36: {  	p1 =	seq.s32 s10, $0x1;
	s10 =	sld [smem:$0x3FB4];
	_ =	sdelay $0x3  }
0x37: {  	[smem:$0x3FB4] =	sst s10  }
0x38: {  	s10 =	sld [smem:$0x3FB5]  }
0x39: {  	_ = 	snop;
	(pc) =	sbr.ind lr, $3  }
0x3a: {  	_ = 	snop  }
0x3b: {  	_ = 	snop  }
0x3c: {  	p2 =	seq.s32 s10, $0x1;
	s10 =	sld [smem:$0x3FB4]  }
0x3d: {  	_ =	shalt  }
0x3e: {  	_ =	shalt  }
0x3f: {  	_ =	shalt  }
0x40: {  	_ =	shalt  }
0x41: {  	_ =	shalt  }
0x42: {  	_ =	shalt  }
0x43: {  	_ =	shalt  }
0x44: {  	_ =	shalt  }
0x45: {  	_ =	shalt  }
0x46: {  	_ =	shalt  }
0x47: {  	_ =	shalt  }
0x48: {  	_ =	shalt  }
0x49: {  	_ =	shalt  }
0x4a: {  	_ =	shalt  }
0x4b: {  	_ =	shalt  }
0x4c: {  	_ =	shalt  }
0x4d: {  	_ =	shalt  }
0x4e: {  	_ =	shalt  }
0x4f: {  	_ =	shalt  }
0x50: {  	_ =	shalt  }
0x51: {  	_ =	shalt  }
0x52: {  	_ =	shalt  }
0x53: {  	_ =	shalt  }
0x54: {  	_ =	shalt  }
0x55: {  	_ =	shalt  }
0x56: {  	_ =	shalt  }
0x57: {  	_ =	shalt  }
0x58: {  	_ =	shalt  }
0x59: {  	_ =	shalt  }
0x5a: {  	_ =	shalt  }
0x5b: {  	_ =	shalt  }
0x5c: {  	_ =	shalt  }
0x5d: {  	_ =	shalt  }
0x5e: {  	_ =	shalt  }
0x5f: {  	_ =	shalt  }
0x60: {  	_ =	shalt  }
0x61: {  	_ =	shalt  }
0x62: {  	_ =	shalt  }
0x63: {  	_ =	shalt  }
0x64: {  	_ =	shalt  }
0x65: {  	_ =	shalt  }
0x66: {  	_ =	shalt  }
0x67: {  	_ =	shalt  }
0x68: {  	_ =	shalt  }
0x69: {  	_ =	shalt  }
0x6a: {  	_ =	shalt  }
0x6b: {  	_ =	shalt  }
0x6c: {  	_ =	shalt  }
0x6d: {  	_ =	shalt  }
0x6e: {  	_ =	shalt  }
0x6f: {  	_ =	shalt  }
0x70: {  	_ =	shalt  }
0x71: {  	_ =	shalt  }
0x72: {  	_ =	shalt  }
0x73: {  	_ =	shalt  }
0x74: {  	_ =	shalt  }
0x75: {  	_ =	shalt  }
0x76: {  	_ =	shalt  }
0x77: {  	_ =	shalt  }
0x78: {  	_ =	shalt  }
0x79: {  	_ =	shalt  }
0x7a: {  	_ =	shalt  }
0x7b: {  	_ =	shalt  }
0x7c: {  	_ =	shalt  }
0x7d: {  	_ =	shalt  }
0x7e: {  	_ =	shalt  }
0x7f: {  	_ =	shalt  }
0x80: {  	_ =	shalt  }
0x81: {  	_ =	shalt  }
0x82: {  	_ =	shalt  }
0x83: {  	_ =	shalt  }
0x84: {  	_ =	shalt  }
0x85: {  	_ =	shalt  }
0x86: {  	_ =	shalt  }
0x87: {  	_ =	shalt  }
.Lfunc_end0:
.L_simem_size_0:
called_computation.1_lowered:
.L_overlay_start_0:
0x88: {  	s2 =	sld [smem:$0x3FD9]  }
0x89: {  	s3 =	sld [smem:$0x3FFE];
	_ =	sdelay $0x1  }
0x8a: {  	s1 =	srdreg.scid  }
0x8b: {  	s0 =	sand.u32 $0x1, s1  }
0x8c: {  	s17 =	sshll.u32 s0, $0xA;
	s2 =	sadd.s32 s3, s2  }
0x8d: {  	s2 =	sadd.s32 s2, s17  }
0x8e: {  	[smem:$0x3FC0] =	sst s2  }
0x8f: {  	_ = 	snop  }
0x90: {  	s2 =	sld [smem:$0x3FD0];
	(tm) =	ssettm $0x1  }
0x91: {  	s18 =	sld [smem:$0x3FFB];
	_ =	sdelay $0x3  }
0x92: {  	_ =	strace s18  }
0x93: {  	s3 =	sld [smem:$0x3FFC];
	_ =	sdelay $0x3  }
0x94: {  	_ =	strace s3  }
0x95: {  	s3 =	sld [smem:$0x3FFD];
	_ =	sdelay $0x3  }
0x96: {  	_ =	strace s3  }
0x97: {  	_ =	strace $0x8FFFFFFF  }
0x98: {  	s19 =	sld [smem:$0x3FDB];
	_ =	sdelay $0x1  }
0x99: {  	s4 =	simm.s32 $_scs_section_size  }
0x9a: {  	s5 =	simm.s32 $_size__tile_overlayer_lowered;
	s6 =	simm.s32 $_tile_overlayer_lowered  }
0x9b: {  	s22 =	simm.s32 $0x1BFF;
	s21 =	sshll.u32 s6, $0x1;
	s3 =	sadd.s32 s4, s19  }
0x9c: {  	s7 =	simm.s32 $0x0;
	s20 =	sshll.u32 s5, $0x1;
	s5 =	sadd.s32 s21, s3  }
0x9d: {  	[timem:s7], [sflag:s22] =	dma.local [hbm:s5], s20  }
0x9e: {  	_ =	swait.ge [sflag:s22], s20  }
0x9f: {  	s4 =	ssub.s32 $0x0, s20;
	[sflag:s22] =	ssyncset.done $0x0  }
0xa0: {  	[sflag:s22] =	ssyncadd.s32 s4;
	_ =	sdelay $0x1  }
0xa1: {  	s23 =	simm.s32 $0x1B8B  }
0xa2: {  	_ =	swait.ge [sflag:s23], $0x1  }
0xa3: {  	[sflag:s23] =	ssyncset.done $0x0  }
0xa4: {  	s25 =	simm.s32 $0x1B8E;
	s24 =	sld [smem:$0x3FFE];
	[sflag:s23] =	ssyncadd.s32 $0xFFFFFFFF  }
0xa5: {  	s26 =	simm.s32 $execute0_lowered;
	[smem:$0x3FD2] =	sst s25  }
0xa6: {  	s5 =	sshll.u32 s26, $0x1;
	_ =	strace $0x80000049;
	[dreg:$0x1] =	wrdreg $0xFFFFFFFF  }
0xa7: {  	s28 =	simm.s32 $_size_execute0_lowered;
	s3 =	sadd.s32 s3, s5;
	[dreg:$0x0] =	wrdreg $0x0  }
0xa8: {  	s5 =	sshll.u32 s28, $0x1;
	[dreg:$0x2] =	wrdreg s3  }
0xa9: {  	[dreg:$0x3] =	wrdreg s5  }
0xaa: {  	[dreg:$0x4] =	wrdreg $0xC0  }
0xab: {  	_ =	task [dreg:s7], $0x5FFFF  }
0xac: {  	[dreg:$0x1] =	wrdreg $0xFFFFFFFF  }
0xad: {  	[dreg:$0x0] =	wrdreg $0x60  }
0xae: {  	[dreg:$0x2] =	wrdreg s24  }
0xaf: {  	[dreg:$0x3] =	wrdreg s2  }
0xb0: {  	[dreg:$0x4] =	wrdreg $0x9  }
0xb1: {  	_ =	task.clear_ibuf [dreg:s7], $0x5FFFF;
	_ =	strace $0x90000049  }
0xb2: {  	s29 =	simm.s32 $0x9;
	_ =	strace $0x8000004B  }
0xb3: {  	_ =	swait.ge [sflag:s29], $0x1  }
0xb4: {  	[sflag:s29] =	ssyncadd.s32 $0xFFFFFFFF  }
0xb5: {  	_ =	strace $0x9000004B  }
0xb6: {  	_ =	sfence  }
0xb7: {  	s30 =	sld [smem:$0x0];
	_ =	sdelay $0x2  }
0xb8: {  	s31 =	sshll.u32 s1, $0xD;
	s1 =	sshrl.u32 s1, $0x2  }
0xb9: {  	s3 =	sand.u32 $0x4000, s31;
	s1 =	sadd.s32 s1, s30  }
0xba: {  	s0 =	sor.u32 s3, s0;
	s1 =	sshll.u32 s1, $0x11  }
0xbb: {  	s0 =	sor.u32 s1, s0  }
0xbc: {  	s0 =	sadd.s32 $0x8F2B, s0  }
0xbd: {  	[sflag:s0] =	ssyncadd.remote.s32 $0x1  }
0xbe: {  	_ =	sfence.sel $0xFFFF  }
0xbf: {  	[dreg:$0x0] =	wrdreg $0xFFFFFFFF;
	(pc) =	sbr.abs _section_cstart, $3  }
0xc0: {  	[dreg:$0x1] =	wrdreg $0xFFFFFFFF  }
0xc1: {  	_ =	task.clear_ibuf [dreg:s7], $0x2FFFF;
	_ =	strace $0x9FFFFFFF  }
0xc2: {  	(tm) =	ssettm $0x7FFFFFFF  }
0xc3: {  	_ =	shalt  }
tec
execute0_lowered:
.L_overlay_start_1:
0x0: {  	(tag) =	ssettag $0x1  }
0x1: {  	s5 =	rddreg [dreg:$0x0]  }
0x2: {  	s1 =	srdreg.scid;
	s0 =	stileid.u32  }
0x3: {  	s2 =	rddreg [dreg:$0x1];
	s6 =	sand.u32 $0x1, s1;
	s9 =	smul.u32 $0x6200, s0  }
0x4: {  	s3 =	simm.s32 $0x0;
	s1 =	rddreg [dreg:$0x2];
	s11 =	smul.u32 $0x3100, s6  }
0x5: {  	s12 =	simm.s32 $0x1AD80;
	s4 =	sshll.u32 s0, $0x1;
	[smem:$0x7FF] =	sst s3  }
0x6: {  	s4 =	sor.u32 s6, s4;
	s8 =	ssub.s32 $0x2, s6;
	s9 =	sadd.s32 s11, s9  }
0x7: {  	s4 =	smul.u32 $0xC40, s4;
	s10 =	sshrl.u32 s8, $0x1;
	s13 =	sshrl.u32 s9, $0x2  }
0x8: {  	_ =	strace $0x8000004A;
	s8 =	ssub.s32 s8, s10;
	s10 =	simm.s32 $0x19480;
	v2 =	vmov s13  }
0x9: {  	s11 =	simm.s32 $0x18800;
	s7 =	sshrl.u32 s4, $0x3;
	s8 =	smax.u32 s8, $0x1  }
0xa: {  	s9 =	simm.s32 $0x1;
	s7 =	sadd.s32 s7, s5;
	s5 =	sadd.s32 $0xEC00, s5  }
0xb: {  	v0 =	vimm.f32 $0.0e+00;
	v1 =	vimm.f32 $-1.000000000e+00;
	s13 =	simm.s32 $0x0;
	s6 =	sadd.s32 $0x18200, s7;
	s7 =	sadd.s32 $0x5600, s7  }
.LBB2_1:
0xc: {  	[tilespmem:s3], [sflag:$0x1] =	stream.linear.gather [hbm4b:s5+s3], $0x18800, $0x38;
	[tilespmem:$0x1BA00] =	vst v63  }
0xd: {  	_ =	swait.ge [sflag:s9], $0x18800  }
0xe: {  	[sflag:s9] =	ssyncset.done $0x0  }
0xf: {  	[sflag:s9] =	ssyncadd.s32 $0xFFFE7800  }
0x10: {  	[tilespmem:s10], [sflag:$0x1] =	stream.linear.gather [hbm4b:s6+s3], $0xC40, $0x38;
	[tilespmem:$0x1BA00] =	vst v63  }
0x11: {  	_ =	swait.ge [sflag:s9], $0xC40  }
0x12: {  	[sflag:s9] =	ssyncset.done $0x0  }
0x13: {  	s14 =	simm.s32 $0x40;
	s15 =	simm.s32 $0x0;
	[sflag:s9] =	ssyncadd.s32 $0xFFFFF3C0  }
.LBB2_2:
0x14: {  	p0 =	sne.s32 s14, $0x30C0;
	[tilespmem:s15+$0x1A100] =	vst v0;
	s15 =	smov.u32 s14;
	s14 =	sadd.s32 $0x40, s14  }
.Ltmp0:
0x15: {  	(pc) =	sbr.rel @p0 .LBB2_2-.Ltmp0, $2  }
0x16: {  	_ =	sdelay $0x2  }
0x17: {  	s15 =	sshra.s32 s15, $0x2  }
0x18: {  	[tilespmem:s15+$0x1A100] =	vst v0;
	s14 =	simm.s32 $0x0;
	s15 =	simm.s32 $0x0  }
.LBB2_4:
0x19: {  	s16 =	smul.u32 $0x18800, s15;
	_ =	sdelay $0x1  }
0x1a: {  	s16 =	sadd.s32 s4, s16  }
0x1b: {  	s16 =	sshrl.u32 s16, $0x3  }
0x1c: {  	s16 =	sadd.s32 s2, s16  }
0x1d: {  	[tilespmem:s11], [sflag:$0x1] =	stream.linear.gather [hbm4b:s16+s14], $0xC40, $0x38;
	[tilespmem:$0x1BA00] =	vst v63  }
0x1e: {  	_ =	swait.ge [sflag:s9], $0xC40  }
0x1f: {  	[sflag:s9] =	ssyncset.done $0x0  }
0x20: {  	s17 =	simm.s32 $0x0;
	[sflag:s9] =	ssyncadd.s32 $0xFFFFF3C0  }
0x21: {  	v4 =	vld [tilespmem:s17+$0x18800];
	_ =	sdelay $0x5  }
0x22: {  	s16 =	simm.s32 $0x10  }
0x23: {  	v3 =	vld [tilespmem:s16+$0x18800]  }
0x24: {  	s18 =	simm.s32 $0x80;
	v4 =	vld.idx.msk [tilespmem:v4+s3+$0x0], $0xffff  }
.LBB2_5:
0x25: {  	p0 =	sne.s32 s18, $0x30C0;
	v5 =	vld [tilespmem:s17+$0x1A100];
	_ =	sdelay $0x2  }
0x26: {  	v6 =	vmov v3  }
.Ltmp1:
0x27: {  	(pc) =	sbr.rel @p0 .LBB2_5-.Ltmp1, $4  }
0x28: {  	v4 =	vadd.f32 v4, v5  }
0x29: {  	s19 =	sshra.s32 s18, $0x2  }
0x2a: {  	v3 =	vld [tilespmem:s19+$0x18800];
	[tilespmem:s17+$0x1A100] =	vst v4;
	s17 =	smov.u32 s16;
	s16 =	smov.u32 s19  }
0x2b: {  	s18 =	sadd.s32 $0x40, s18;
	v4 =	vld.idx.msk [tilespmem:v6+s3+$0x0], $0xffff  }
0x2c: {  	v5 =	vld [tilespmem:s17+$0x1A100];
	_ =	sdelay $0x4  }
0x2d: {  	v4 =	vadd.f32 v4, v5;
	_ =	sdelay $0x1  }
0x2e: {  	[tilespmem:s17+$0x1A100] =	vst v4  }
0x2f: {  	v3 =	vld.idx.msk [tilespmem:v3+s3+$0x0], $0xffff  }
0x30: {  	v4 =	vld [tilespmem:s16+$0x1A100]  }
0x31: {  	s15 =	sadd.s32 $0x1, s15  }
0x32: {  	p0 =	sne.s32 s15, $0x8  }
.Ltmp2:
0x33: {  	_ = 	snop;
	(pc) =	sbr.rel @p0 .LBB2_4-.Ltmp2, $3  }
0x34: {  	_ = 	snop  }
0x35: {  	v3 =	vadd.f32 v3, v4;
	_ =	sdelay $0x1  }
0x36: {  	[tilespmem:s16+$0x1A100] =	vst v3  }
0x37: {  	_ = 	snop  }
0x38: {  	s14 =	simm.s32 $0x0  }
0x39: {  	v3 =	vld [tilespmem:s14+$0x1A100];
	_ =	sdelay $0x1  }
0x3a: {  	v4 =	vld.idx.msk [tilespmem:v2+s14+$0x0 ss:$0x1], $0xffff  }
0x3b: {  	v5 =	vld [tilespmem:s14+$0x19480];
	_ =	sdelay $0x1  }
0x3c: {  	v3 =	vmul.f32 $1.250000000e-01, v3;
	_ =	sdelay $0x1  }
0x3d: {  	vm0 =	vgt.f32 v4, v3  }
0x3e: {  	vm15 =	vgt.s32 v5, $0x0;
	v3 =	vsel vm0, $0x3F800000, v1  }
0x3f: {  	s16 =	simm.s32 $0x10;
	s15 =	simm.s32 $0x80;
	v3 =	vnsel vm15, $0x0, v3  }
.LBB2_8:
0x40: {  	p0 =	sne.s32 s15, $0x30C0;
	v4 =	vld [tilespmem:s16+$0x1A100];
	[tilespmem:s14+$0x1AD80] =	vst v3;
	s14 =	smov.u32 s16  }
0x41: {  	v3 =	vld.idx.msk [tilespmem:v2+s14+$0x0 ss:$0x1], $0xffff;
	_ =	sdelay $0x1  }
0x42: {  	v5 =	vld [tilespmem:s14+$0x19480];
	_ =	sdelay $0x1  }
.Ltmp3:
0x43: {  	v4 =	vmul.f32 $1.250000000e-01, v4;
	(pc) =	sbr.rel @p0 .LBB2_8-.Ltmp3, $4  }
0x44: {  	_ = 	snop  }
0x45: {  	vm0 =	vgt.f32 v3, v4  }
0x46: {  	v3 =	vsel vm0, $0x3F800000, v1;
	vm0 =	vgt.s32 v5, $0x0  }
0x47: {  	s16 =	sshra.s32 s15, $0x2;
	s15 =	sadd.s32 $0x40, s15;
	v3 =	vnsel vm0, $0x0, v3  }
0x48: {  	_ =	sdelay $0x1  }
0x49: {  	v4 =	vld [tilespmem:s16+$0x1A100]  }
0x4a: {  	[tilespmem:s14+$0x1AD80] =	vst v3  }
0x4b: {  	v3 =	vld.idx.msk [tilespmem:v2+s16+$0x0 ss:$0x1], $0xffff  }
0x4c: {  	v5 =	vld [tilespmem:s16+$0x19480];
	_ =	sdelay $0x1  }
0x4d: {  	v4 =	vmul.f32 $1.250000000e-01, v4;
	_ =	sdelay $0x1  }
0x4e: {  	vm0 =	vgt.f32 v3, v4  }
0x4f: {  	s13 =	sadd.s32 $0x1, s13;
	vm15 =	vgt.s32 v5, $0x0;
	v3 =	vsel vm0, $0x3F800000, v1  }
0x50: {  	p0 =	sne.s32 s13, s8;
	v3 =	vnsel vm15, $0x0, v3  }
.Ltmp4:
0x51: {  	[tilespmem:s16+$0x1AD80] =	vst v3;
	(pc) =	sbr.rel @p0 .LBB2_1-.Ltmp4, $4  }
0x52: {  	[hbm4b:s7+s3] =	stream.linear.scatter [tilespmem:s12], [sflag:$0x1], $0xC40, $0x38;
	[tilespmem:$0x1BA00] =	vst v63  }
0x53: {  	_ =	swait.ge [sflag:s9], $0xC40  }
0x54: {  	[sflag:s9] =	ssyncset.done $0x0  }
0x55: {  	[sflag:s9] =	ssyncadd.s32 $0xFFFFF3C0  }
0x56: {  	_ =	sfence.sel $0x180000  }
0x57: {  	[bflag:$0x0] =	sbarrier.arrive $0xFFFF  }
0x58: {  	p0 =	sne.s32 s0, $0x0;
	_ =	strace $0x9000004A  }
0x59: {  	s0 =	sadd.s32 @!p0 $0x100000, s1;
	[bflag:$0x2] =	sbarrier.arrive $0xFFFF  }
0x5a: {  	[sflag:s0] =	ssyncadd.tile.s32 @!p0 $0x1;
	_ =	shalt  }
.Lfunc_end2:
_tile_overlayer_lowered:
.L_overlay_start_2:
0x5b: {  	(tag) =	ssettag $0x2  }
0x5c: {  	s0 =	rddreg [dreg:$0x0];
	s2 =	stileid.u32  }
0x5d: {  	s1 =	rddreg [dreg:$0x1];
	p0 =	sne.s32 s2, $0x0  }
0x5e: {  	s3 =	rddreg [dreg:$0x2];
	[bflag:$0x3] =	sbarrier.arrive $0xFFFF;
	s2 =	simm.s32 @!p0 $0x1C01  }
0x5f: {  	[timem:s3], [sflag:s2] =	dma.local @!p0 [hbm:s0], s1  }
0x60: {  	s0 =	simm.s32 @!p0 $0x1  }
0x61: {  	_ =	swait.ge @!p0 [sflag:s0], s1  }
0x62: {  	s1 =	ssub.s32 @!p0 $0x0, s1;
	[sflag:s0] =	ssyncset.done @!p0 $0x0  }
0x63: {  	[sflag:s0] =	ssyncadd.s32 @!p0 s1  }
0x64: {  	[bflag:$0x3] =	sbarrier.arrive $0xFFFF  }
0x65: {  	_ =	shalt  }

</sc_bundles>
